<compile_context>
chip_gen: v7x
topology: tpu7x:2x2x1
jax: 0.10.2.dev20260603
libtpu: 0.0.44.dev20260713+nightly
codegen_flags: <defaults>
</compile_context>

<pallas_src>
import functools

import jax
import jax.numpy as jnp
from jax import lax
from jax.experimental import pallas as pl
from jax.experimental.pallas import tpu as pltpu
from jax.experimental.pallas import tpu_sc as plsc

N = 10000
E = 320000
D = 128
LANES = 16
NC = 2
NS = 16
NW = NC * NS
EPW = E // NW
C = 80
NCHUNK = EPW // C
BI = 25
NBULK = NCHUNK // BI
STRIPE = 640
TAIL = N - 15 * STRIPE


def _sc_edge_body(a_hbm, b_hbm, idx3_hbm,
                  aggp_hbm, degp_hbm,
                  agg_sh, b_sh, srcb, dstb, relb, dstv0, dstv1, rows_a,
                  rows_b, degv, sem_a, sem_b, sem_i, sem_sc):
    c = lax.axis_index("c")
    s = lax.axis_index("s")
    w = c * NS + s

    def fill_zrow(i, carry):
        for j in range(D // LANES):
            rows_a[0, i, pl.ds(j * LANES, LANES)] = jnp.zeros((LANES,),
                                                              jnp.float32)
        return carry
    lax.fori_loop(0, C, fill_zrow, 0)

    def zero_deg(i, carry):
        degv[pl.ds(i * LANES, LANES)] = jnp.zeros((LANES,), jnp.float32)
        return carry
    lax.fori_loop(0, N // LANES, zero_deg, 0)

    base = s * STRIPE
    nz = lax.select(s < 15, STRIPE // C, TAIL // C)

    def zero_stripe(k, carry):
        pltpu.sync_copy(rows_a.at[0], agg_sh.at[pl.ds(base + k * C, C)])
        return carry
    lax.fori_loop(0, nz, zero_stripe, 0)

    @pl.when(s == 0)
    def _():
        pltpu.sync_copy(b_hbm, b_sh)
    plsc.subcore_barrier()

    lane = lax.iota(jnp.int32, LANES)
    one = jnp.ones((LANES,), jnp.float32)

    def load_bulk(u):
        base_e = w * EPW + u * BI * C
        cp_s = pltpu.async_copy(idx3_hbm.at[pl.ds(base_e, BI * C)],
                                srcb, sem_i)
        cp_r = pltpu.async_copy(idx3_hbm.at[pl.ds(E + base_e, BI * C)],
                                dstb, sem_i)
        cp_d = pltpu.async_copy(idx3_hbm.at[pl.ds(2 * E + base_e, BI * C)],
                                relb, sem_i)
        cp_s.wait()
        cp_r.wait()
        cp_d.wait()

    def hist_chunk(off):
        for k in range(C // LANES):
            d16 = dstb[pl.ds(off + k * LANES, LANES)]
            if k < 2:
                dstv0[pl.ds(k * LANES, LANES)] = d16
            else:
                dstv1[pl.ds((k - 2) * LANES, LANES)] = d16
            for l in range(LANES):
                plsc.addupdate_scatter(degv, [d16], one, mask=lane == l)

    CH = 2 * LANES

    def compute_half(slot, lo, hi):
        @plsc.parallel_loop(lo, hi, unroll=4)
        def edge(e):
            for jj in range(D // LANES):
                sl = pl.ds(jj * LANES, LANES)
                v = rows_a[slot, e, sl] + rows_b[e, sl]
                rows_a[slot, e, sl] = jnp.maximum(v, 0.0)

    load_bulk(0)
    pltpu.async_copy(a_hbm.at[srcb.at[pl.ds(0, C)]], rows_a.at[0],
                     sem_a.at[0]).wait()
    pltpu.async_copy(b_sh.at[relb.at[pl.ds(0, C)]], rows_b, sem_b).wait()

    def chunk(g, carry):
        slot = lax.rem(g, 2)
        nslot = 1 - slot
        off = lax.rem(g, BI) * C
        noff = lax.rem(g + 1, BI) * C

        hist_chunk(off)

        @pl.when(lax.rem(g + 1, BI) == 0)
        def _():
            load_bulk((g + 1) // BI)

        cp_a = pltpu.async_copy(a_hbm.at[srcb.at[pl.ds(noff, C)]],
                                rows_a.at[nslot], sem_a.at[nslot])
        compute_half(slot, 0, CH)
        cp_s0 = pltpu.async_copy(rows_a.at[slot, pl.ds(0, CH)],
                                 agg_sh.at[dstv0], sem_sc, add=True)
        compute_half(slot, CH, C)
        cp_b = pltpu.async_copy(b_sh.at[relb.at[pl.ds(noff, C)]],
                                rows_b, sem_b)
        cp_s1 = pltpu.async_copy(rows_a.at[slot, pl.ds(CH, C - CH)],
                                 agg_sh.at[dstv1], sem_sc, add=True)
        cp_a.wait()
        cp_b.wait()
        cp_s0.wait()
        cp_s1.wait()
        return carry
    lax.fori_loop(0, NCHUNK - 1, chunk, 0)

    hist_chunk(lax.rem(NCHUNK - 1, BI) * C)
    compute_half(lax.rem(NCHUNK - 1, 2), 0, C)
    pltpu.sync_copy(rows_a.at[lax.rem(NCHUNK - 1, 2), pl.ds(0, CH)],
                    agg_sh.at[dstv0], add=True)
    pltpu.sync_copy(rows_a.at[lax.rem(NCHUNK - 1, 2), pl.ds(CH, C - CH)],
                    agg_sh.at[dstv1], add=True)

    plsc.subcore_barrier()

    @pl.when(s < 15)
    def _():
        pltpu.sync_copy(agg_sh.at[pl.ds(base, STRIPE)],
                        aggp_hbm.at[c, pl.ds(base, STRIPE)])

    @pl.when(s == 15)
    def _():
        pltpu.sync_copy(agg_sh.at[pl.ds(15 * STRIPE, TAIL)],
                        aggp_hbm.at[c, pl.ds(15 * STRIPE, TAIL)])

    pltpu.sync_copy(degv, degp_hbm.at[pl.ds(w * N, N)])


_sc_edge = functools.partial(
    pl.kernel,
    out_type=[jax.ShapeDtypeStruct((NC, N, D), jnp.float32),
              jax.ShapeDtypeStruct((NW * N,), jnp.float32)],
    mesh=plsc.VectorSubcoreMesh(core_axis_name="c", subcore_axis_name="s"),
    compiler_params=pltpu.CompilerParams(needs_layout_passes=False),
    scratch_types=[
        pltpu.VMEM_SHARED((N, D), jnp.float32),
        pltpu.VMEM_SHARED((256, D), jnp.float32),
        pltpu.VMEM((BI * C,), jnp.int32),
        pltpu.VMEM((BI * C,), jnp.int32),
        pltpu.VMEM((BI * C,), jnp.int32),
        pltpu.VMEM((2 * LANES,), jnp.int32),
        pltpu.VMEM((C - 2 * LANES,), jnp.int32),
        pltpu.VMEM((2, C, D), jnp.float32),
        pltpu.VMEM((C, D), jnp.float32),
        pltpu.VMEM((N,), jnp.float32),
        pltpu.SemaphoreType.DMA((2,)),
        pltpu.SemaphoreType.DMA,
        pltpu.SemaphoreType.DMA,
        pltpu.SemaphoreType.DMA,
    ],
)(_sc_edge_body)


def _tabs_body(ent_ref, rel_ref, w1_ref, w2_ref, a_ref, b_ref):
    a_ref[...] = jnp.dot(ent_ref[...], w1_ref[...],
                         preferred_element_type=jnp.float32)

    @pl.when(pl.program_id(0) == 0)
    def _():
        b_ref[...] = jnp.dot(rel_ref[...], w2_ref[...],
                             preferred_element_type=jnp.float32)


def _make_tabs(ent, rel, w1, w2, block_rows):
    m = ent.shape[0]
    r = rel.shape[0]
    return pl.pallas_call(
        _tabs_body,
        grid=(m // block_rows,),
        in_specs=[
            pl.BlockSpec((block_rows, D), lambda i: (i, 0)),
            pl.BlockSpec((r, D), lambda i: (0, 0)),
            pl.BlockSpec((D, D), lambda i: (0, 0)),
            pl.BlockSpec((D, D), lambda i: (0, 0)),
        ],
        out_specs=[pl.BlockSpec((block_rows, D), lambda i: (i, 0)),
                   pl.BlockSpec((r, D), lambda i: (0, 0))],
        out_shape=[jax.ShapeDtypeStruct((m, D), jnp.float32),
                   jax.ShapeDtypeStruct((r, D), jnp.float32)],
    )(ent, rel, w1, w2)


def _out_body(ent_ref, aggp_ref, degp_ref, w1_ref, w2_ref, o_ref):
    agg = aggp_ref[0] + aggp_ref[1]
    deg = jnp.sum(degp_ref[...], axis=1, keepdims=True)
    aggn = agg / jnp.maximum(deg, 1.0)
    h = jnp.dot(ent_ref[...], w1_ref[...], preferred_element_type=jnp.float32)
    h = h + jnp.dot(aggn, w2_ref[...], preferred_element_type=jnp.float32)
    o_ref[...] = jnp.maximum(h, 0.0)


def _node_update(ent, aggp, degp, w1, w2, block_rows):
    m = ent.shape[0]
    return pl.pallas_call(
        _out_body,
        grid=(m // block_rows,),
        in_specs=[
            pl.BlockSpec((block_rows, D), lambda i: (i, 0)),
            pl.BlockSpec((NC, block_rows, D), lambda i: (0, i, 0)),
            pl.BlockSpec((block_rows, NW), lambda i: (i, 0)),
            pl.BlockSpec((D, D), lambda i: (0, 0)),
            pl.BlockSpec((D, D), lambda i: (0, 0)),
        ],
        out_specs=pl.BlockSpec((block_rows, D), lambda i: (i, 0)),
        out_shape=jax.ShapeDtypeStruct((m, D), jnp.float32),
    )(ent, aggp, degp, w1, w2)


def kernel(ent_embeds, rel_embeds, W_msg, W_out, edge_index, edge_rel):
    idx3 = jnp.concatenate([edge_index, edge_rel[None]],
                           axis=0).reshape(3 * E)
    a_tab, b_tab = _make_tabs(ent_embeds, rel_embeds,
                              W_msg[:D], W_msg[D:], 1000)
    aggp, degflat = _sc_edge(a_tab, b_tab, idx3)
    degp = degflat.reshape(NW, N).T
    return _node_update(ent_embeds, aggp, degp, W_out[:D], W_out[D:], 1000)

# --- scband reference (transcript-rebuilt; emitter-appended) ---
"""Pipeline reference for scband-multilevel-learning-38740605010514 (READ-ONLY COPY).

The authoritative reference and input builder live on the scoring server;
editing this copy changes nothing except your own understanding.
"""

import jax, jax.numpy as jnp
import numpy as np

N = 10000   # num_nodes
E = 320000  # num_edges
D = 128     # h_dim / emb_dim
R = 256     # num_rels


def setup_inputs(seed: int = 0) -> dict:
    key = jax.random.key(seed)
    k1, k2, k3, k4, k5, k6 = jax.random.split(key, 6)
    ent_embeds = jax.random.normal(k1, (N, D), dtype=jnp.float32)
    rel_embeds = jax.random.normal(k2, (R, D), dtype=jnp.float32)
    edge_index = jax.random.randint(k3, (2, E), 0, N, dtype=jnp.int32)
    edge_rel = jax.random.randint(k4, (E,), 0, R, dtype=jnp.int32)
    # learned params: edge message MLP and node update MLP (EventMessagePassingEdge/Node analogues)
    W_msg = jax.random.normal(k5, (2 * D, D), dtype=jnp.float32) * (1.0 / np.sqrt(2 * D))
    W_out = jax.random.normal(k6, (2 * D, D), dtype=jnp.float32) * (1.0 / np.sqrt(2 * D))
    return {"ent_embeds": ent_embeds, "rel_embeds": rel_embeds, "W_msg": W_msg,
            "W_out": W_out, "edge_index": edge_index, "edge_rel": edge_rel}


def reference(ent_embeds, rel_embeds, W_msg, W_out, edge_index, edge_rel):
    # Core relational message passing from multilevel_learning:
    #   batched_g.ndata['h'] = ent_embeds[node ids]  (gather)
    #   batched_g.edata['e_h'] = rel_embeds.index_select(0, rel ids)  (gather)
    #   edge message = relu(Linear(concat(h_src, e_h)))
    #   node aggregation = mean over incoming edges (scatter / segment reduce)
    #   node update = relu(Linear(concat(h, agg)))
    src = edge_index[0]
    dst = edge_index[1]
    n = ent_embeds.shape[0]
    x_src = jnp.take(ent_embeds, src, axis=0)          # gather [E, D]
    e_h = jnp.take(rel_embeds, edge_rel, axis=0)       # gather [E, D]
    msg = jax.nn.relu(jnp.concatenate([x_src, e_h], axis=-1) @ W_msg)  # [E, D]
    agg = jax.ops.segment_sum(msg, dst, num_segments=n)               # scatter-add [N, D]
    deg = jax.ops.segment_sum(jnp.ones((dst.shape[0], 1), dtype=msg.dtype), dst, num_segments=n)
    agg = agg / jnp.maximum(deg, 1.0)                                  # mean aggregation
    out = jax.nn.relu(jnp.concatenate([ent_embeds, agg], axis=-1) @ W_out)  # [N, D]
    return out

if __name__ == "__main__":
    import jax
    _d = setup_inputs()
    print(jax.jit(kernel)(*tuple(_d.values())))

</pallas_src>

<mosaic_0001>
#map = affine_map<(d0, d1) -> (0, 0)>
#map1 = affine_map<(d0, d1) -> (0)>
#map2 = affine_map<(d0, d1) -> (0, 0, 0)>
module attributes {stable_mosaic.version = 14 : i64} {
  func.func @_sc_edge_body(%arg0: i32, %arg1: i32, %arg2: memref<10000x128xf32, #tpu.memory_space<hbm>>, %arg3: memref<256x128xf32, #tpu.memory_space<hbm>>, %arg4: memref<960000xi32, #tpu.memory_space<hbm>>, %arg5: memref<2x10000x128xf32, #tpu.memory_space<hbm>>, %arg6: memref<320000xf32, #tpu.memory_space<hbm>>, %arg7: memref<10000x128xf32, #tpu.memory_space<vmem_shared>>, %arg8: memref<256x128xf32, #tpu.memory_space<vmem_shared>>, %arg9: memref<2000xi32, #tpu.memory_space<vmem>>, %arg10: memref<2000xi32, #tpu.memory_space<vmem>>, %arg11: memref<2000xi32, #tpu.memory_space<vmem>>, %arg12: memref<32xi32, #tpu.memory_space<vmem>>, %arg13: memref<48xi32, #tpu.memory_space<vmem>>, %arg14: memref<2x80x128xf32, #tpu.memory_space<vmem>>, %arg15: memref<80x128xf32, #tpu.memory_space<vmem>>, %arg16: memref<10000xf32, #tpu.memory_space<vmem>>, %arg17: memref<2x!tpu.dma_semaphore, #tpu.memory_space<semaphore_mem>>, %arg18: memref<!tpu.dma_semaphore, #tpu.memory_space<semaphore_mem>>, %arg19: memref<!tpu.dma_semaphore, #tpu.memory_space<semaphore_mem>>, %arg20: memref<!tpu.dma_semaphore, #tpu.memory_space<semaphore_mem>>) attributes {dimension_semantics = [#tpu.dimension_semantics<core_parallel>, #tpu.dimension_semantics<subcore_parallel>], iteration_bounds = array<i64: 2, 16>, scalar_prefetch = 0 : i64, scratch_operands = 14 : i64, tpu.core_type = #tpu.core_type<sc_vector_subcore>, window_params = [{transform_indices = #map}, {transform_indices = #map}, {transform_indices = #map1}, {transform_indices = #map2}, {transform_indices = #map1}]} {
    %mul3A = arith.constant 16 : i32
    %mul3A_0 = arith.muli %arg0, %mul3A : i32
    %add3A = arith.addi %mul3A_0, %arg1 : i32
    %scan3A = arith.constant 0 : i32
    %scan3A_1 = arith.constant 0 : i32
    %scan3A_2 = arith.constant 80 : i32
    %scan3A_3 = arith.addi %scan3A_1, %scan3A_2 : i32
    %scan3A_4 = arith.constant 1 : i32
    scf.for %scan3A_385 = %scan3A_1 to %scan3A_3 step %scan3A_4  : i32 {
      %broadcast_in_dim3A_386 = arith.constant 0.000000e+00 : f32
      %broadcast_in_dim3A_387 = vector.broadcast %broadcast_in_dim3A_386 : f32 to vector<16xf32>
      %swap3A_388 = arith.constant 0 : i32
      %swap3A_389 = arith.index_cast %swap3A_388 : i32 to index
      %swap3A_390 = arith.index_cast %scan3A_385 : i32 to index
      %swap3A_391 = arith.constant 0 : index
      %swap3A_392 = tpu.vector_load %arg14[%swap3A_389, %swap3A_390, %swap3A_391] {strides = array<i32>} : memref<2x80x128xf32, #tpu.memory_space<vmem>>, vector<16xf32>,
      tpu.vector_store %arg14[%swap3A_389, %swap3A_390, %swap3A_391], %broadcast_in_dim3A_387 {strides = array<i32>} : memref<2x80x128xf32, #tpu.memory_space<vmem>>, vector<16xf32>,
      %broadcast_in_dim3A_393 = arith.constant 0.000000e+00 : f32
      %broadcast_in_dim3A_394 = vector.broadcast %broadcast_in_dim3A_393 : f32 to vector<16xf32>
      %swap3A_395 = arith.constant 0 : i32
      %swap3A_396 = arith.index_cast %swap3A_395 : i32 to index
      %swap3A_397 = arith.index_cast %scan3A_385 : i32 to index
      %swap3A_398 = arith.constant 16 : index
      %swap3A_399 = tpu.vector_load %arg14[%swap3A_396, %swap3A_397, %swap3A_398] {strides = array<i32>} : memref<2x80x128xf32, #tpu.memory_space<vmem>>, vector<16xf32>,
      tpu.vector_store %arg14[%swap3A_396, %swap3A_397, %swap3A_398], %broadcast_in_dim3A_394 {strides = array<i32>} : memref<2x80x128xf32, #tpu.memory_space<vmem>>, vector<16xf32>,
      %broadcast_in_dim3A_400 = arith.constant 0.000000e+00 : f32
      %broadcast_in_dim3A_401 = vector.broadcast %broadcast_in_dim3A_400 : f32 to vector<16xf32>
      %swap3A_402 = arith.constant 0 : i32
      %swap3A_403 = arith.index_cast %swap3A_402 : i32 to index
      %swap3A_404 = arith.index_cast %scan3A_385 : i32 to index
      %swap3A_405 = arith.constant 32 : index
      %swap3A_406 = tpu.vector_load %arg14[%swap3A_403, %swap3A_404, %swap3A_405] {strides = array<i32>} : memref<2x80x128xf32, #tpu.memory_space<vmem>>, vector<16xf32>,
      tpu.vector_store %arg14[%swap3A_403, %swap3A_404, %swap3A_405], %broadcast_in_dim3A_401 {strides = array<i32>} : memref<2x80x128xf32, #tpu.memory_space<vmem>>, vector<16xf32>,
      %broadcast_in_dim3A_407 = arith.constant 0.000000e+00 : f32
      %broadcast_in_dim3A_408 = vector.broadcast %broadcast_in_dim3A_407 : f32 to vector<16xf32>
      %swap3A_409 = arith.constant 0 : i32
      %swap3A_410 = arith.index_cast %swap3A_409 : i32 to index
      %swap3A_411 = arith.index_cast %scan3A_385 : i32 to index
      %swap3A_412 = arith.constant 48 : index
      %swap3A_413 = tpu.vector_load %arg14[%swap3A_410, %swap3A_411, %swap3A_412] {strides = array<i32>} : memref<2x80x128xf32, #tpu.memory_space<vmem>>, vector<16xf32>,
      tpu.vector_store %arg14[%swap3A_410, %swap3A_411, %swap3A_412], %broadcast_in_dim3A_408 {strides = array<i32>} : memref<2x80x128xf32, #tpu.memory_space<vmem>>, vector<16xf32>,
      %broadcast_in_dim3A_414 = arith.constant 0.000000e+00 : f32
      %broadcast_in_dim3A_415 = vector.broadcast %broadcast_in_dim3A_414 : f32 to vector<16xf32>
      %swap3A_416 = arith.constant 0 : i32
      %swap3A_417 = arith.index_cast %swap3A_416 : i32 to index
      %swap3A_418 = arith.index_cast %scan3A_385 : i32 to index
      %swap3A_419 = arith.constant 64 : index
      %swap3A_420 = tpu.vector_load %arg14[%swap3A_417, %swap3A_418, %swap3A_419] {strides = array<i32>} : memref<2x80x128xf32, #tpu.memory_space<vmem>>, vector<16xf32>,
      tpu.vector_store %arg14[%swap3A_417, %swap3A_418, %swap3A_419], %broadcast_in_dim3A_415 {strides = array<i32>} : memref<2x80x128xf32, #tpu.memory_space<vmem>>, vector<16xf32>,
      %broadcast_in_dim3A_421 = arith.constant 0.000000e+00 : f32
      %broadcast_in_dim3A_422 = vector.broadcast %broadcast_in_dim3A_421 : f32 to vector<16xf32>
      %swap3A_423 = arith.constant 0 : i32
      %swap3A_424 = arith.index_cast %swap3A_423 : i32 to index
      %swap3A_425 = arith.index_cast %scan3A_385 : i32 to index
      %swap3A_426 = arith.constant 80 : index
      %swap3A_427 = tpu.vector_load %arg14[%swap3A_424, %swap3A_425, %swap3A_426] {strides = array<i32>} : memref<2x80x128xf32, #tpu.memory_space<vmem>>, vector<16xf32>,
      tpu.vector_store %arg14[%swap3A_424, %swap3A_425, %swap3A_426], %broadcast_in_dim3A_422 {strides = array<i32>} : memref<2x80x128xf32, #tpu.memory_space<vmem>>, vector<16xf32>,
      %broadcast_in_dim3A_428 = arith.constant 0.000000e+00 : f32
      %broadcast_in_dim3A_429 = vector.broadcast %broadcast_in_dim3A_428 : f32 to vector<16xf32>
      %swap3A_430 = arith.constant 0 : i32
      %swap3A_431 = arith.index_cast %swap3A_430 : i32 to index
      %swap3A_432 = arith.index_cast %scan3A_385 : i32 to index
      %swap3A_433 = arith.constant 96 : index
      %swap3A_434 = tpu.vector_load %arg14[%swap3A_431, %swap3A_432, %swap3A_433] {strides = array<i32>} : memref<2x80x128xf32, #tpu.memory_space<vmem>>, vector<16xf32>,
      tpu.vector_store %arg14[%swap3A_431, %swap3A_432, %swap3A_433], %broadcast_in_dim3A_429 {strides = array<i32>} : memref<2x80x128xf32, #tpu.memory_space<vmem>>, vector<16xf32>,
      %broadcast_in_dim3A_435 = arith.constant 0.000000e+00 : f32
      %broadcast_in_dim3A_436 = vector.broadcast %broadcast_in_dim3A_435 : f32 to vector<16xf32>
      %swap3A_437 = arith.constant 0 : i32
      %swap3A_438 = arith.index_cast %swap3A_437 : i32 to index
      %swap3A_439 = arith.index_cast %scan3A_385 : i32 to index
      %swap3A_440 = arith.constant 112 : index
      %swap3A_441 = tpu.vector_load %arg14[%swap3A_438, %swap3A_439, %swap3A_440] {strides = array<i32>} : memref<2x80x128xf32, #tpu.memory_space<vmem>>, vector<16xf32>,
      tpu.vector_store %arg14[%swap3A_438, %swap3A_439, %swap3A_440], %broadcast_in_dim3A_436 {strides = array<i32>} : memref<2x80x128xf32, #tpu.memory_space<vmem>>, vector<16xf32>,
    }
    %scan3A_5 = arith.constant 80 : i32
    %scan3A_6 = arith.constant 0 : i32
    %scan3A_7 = arith.constant 0 : i32
    %scan3A_8 = arith.constant 625 : i32
    %scan3A_9 = arith.addi %scan3A_7, %scan3A_8 : i32
    %scan3A_10 = arith.constant 1 : i32
    scf.for %scan3A_385 = %scan3A_7 to %scan3A_9 step %scan3A_10  : i32 {
      %broadcast_in_dim3A_386 = arith.constant 0.000000e+00 : f32
      %broadcast_in_dim3A_387 = vector.broadcast %broadcast_in_dim3A_386 : f32 to vector<16xf32>
      %mul3A_388 = arith.constant 16 : i32
      %mul3A_389 = arith.muli %scan3A_385, %mul3A_388 : i32
      %swap3A_390 = arith.index_cast %mul3A_389 : i32 to index
      %swap3A_391 = tpu.vector_load %arg16[%swap3A_390] {strides = array<i32>} : memref<10000xf32, #tpu.memory_space<vmem>>, vector<16xf32>,
      tpu.vector_store %arg16[%swap3A_390], %broadcast_in_dim3A_387 {strides = array<i32>} : memref<10000xf32, #tpu.memory_space<vmem>>, vector<16xf32>,
    }
    %scan3A_11 = arith.constant 625 : i32
    %mul3A_12 = arith.constant 640 : i32
    %mul3A_13 = arith.muli %arg1, %mul3A_12 : i32
    %lt3A = arith.constant 15 : i32
    %lt3A_14 = arith.cmpi slt, %arg1, %lt3A : i32
    %select_n3A = arith.constant 5 : i32
    %select_n3A_15 = arith.constant 8 : i32
    %select_n3A_16 = arith.select %lt3A_14, %select_n3A_15, %select_n3A : i32
    %while3A = arith.constant 0 : i32
    %while3A_17 = arith.constant 0 : i32
    %while3A_18 = arith.subi %select_n3A_16, %while3A_17 : i32
    %while3A_19 = arith.addi %while3A_17, %while3A_18 : i32
    %while3A_20 = arith.constant 1 : i32
    %while3A_21 = arith.divsi %while3A_18, %while3A_20 : i32
    %while3A_22 = arith.muli %while3A_21, %while3A_20 : i32
    %while3A_23 = arith.addi %while3A_17, %while3A_22 : i32
    %while3A_24 = arith.constant 1 : i32
    scf.for %while3A_385 = %while3A_17 to %while3A_23 step %while3A_24  : i32 {
      %mul3A_386 = arith.constant 80 : i32
      %mul3A_387 = arith.muli %while3A_385, %mul3A_386 : i32
      %add3A_388 = arith.addi %mul3A_13, %mul3A_387 : i32
      %run_scoped3A = arith.constant 0 : i32
      "tpu.region"() ({
        %run_scoped3A_389 = tpu.sem_alloc : memref<!tpu.dma_semaphore, #tpu.memory_space<semaphore_mem>>
        %dma_start3A_390 = arith.constant 0 : i32
        %dma_start3A_391 = arith.constant 0 : i32
        %dma_start3A_392 = tpu.memref_slice %arg14[%run_scoped3A, %dma_start3A_390, %dma_start3A_391] : memref<2x80x128xf32, #tpu.memory_space<vmem>> -> memref<1x80x128xf32, #tpu.memory_space<vmem>>
        %dma_start3A_393 = tpu.memref_squeeze %dma_start3A_392 : memref<1x80x128xf32, #tpu.memory_space<vmem>> -> memref<80x128xf32, #tpu.memory_space<vmem>>
        %dma_start3A_394 = arith.constant 0 : i32
        %dma_start3A_395 = tpu.memref_slice %arg7[%add3A_388, %dma_start3A_394] : memref<10000x128xf32, #tpu.memory_space<vmem_shared>> -> memref<80x128xf32, #tpu.memory_space<vmem_shared>>
        %dma_start3A_396 = arith.constant 0 : i32
        %dma_start3A_397 = tpu.memref_slice %arg7[%add3A_388, %dma_start3A_396] : memref<10000x128xf32, #tpu.memory_space<vmem_shared>> -> memref<80x128xf32, #tpu.memory_space<vmem_shared>>
        %dma_start3A_398 = arith.constant 0 : i32
        %dma_start3A_399 = arith.constant 0 : i32
        %dma_start3A_400 = tpu.memref_slice %arg14[%run_scoped3A, %dma_start3A_398, %dma_start3A_399] : memref<2x80x128xf32, #tpu.memory_space<vmem>> -> memref<1x80x128xf32, #tpu.memory_space<vmem>>
        %dma_start3A_401 = tpu.memref_squeeze %dma_start3A_400 : memref<1x80x128xf32, #tpu.memory_space<vmem>> -> memref<80x128xf32, #tpu.memory_space<vmem>>
        tpu.enqueue_dma source(%dma_start3A_401 : memref<80x128xf32, #tpu.memory_space<vmem>>) target(%dma_start3A_397 : memref<80x128xf32, #tpu.memory_space<vmem_shared>>) target_semaphore(%run_scoped3A_389 : memref<!tpu.dma_semaphore, #tpu.memory_space<semaphore_mem>>)
        %dma_wait3A_402 = arith.constant 0 : i32
        %dma_wait3A_403 = arith.constant 0 : i32
        %dma_wait3A_404 = tpu.memref_slice %arg14[%run_scoped3A, %dma_wait3A_402, %dma_wait3A_403] : memref<2x80x128xf32, #tpu.memory_space<vmem>> -> memref<1x80x128xf32, #tpu.memory_space<vmem>>
        %dma_wait3A_405 = tpu.memref_squeeze %dma_wait3A_404 : memref<1x80x128xf32, #tpu.memory_space<vmem>> -> memref<80x128xf32, #tpu.memory_space<vmem>>
        %dma_wait3A_406 = arith.constant 0 : i32
        %dma_wait3A_407 = tpu.memref_slice %arg7[%add3A_388, %dma_wait3A_406] : memref<10000x128xf32, #tpu.memory_space<vmem_shared>> -> memref<80x128xf32, #tpu.memory_space<vmem_shared>>
        %dma_wait3A_408 = arith.constant 0 : i32
        %dma_wait3A_409 = tpu.memref_slice %arg7[%add3A_388, %dma_wait3A_408] : memref<10000x128xf32, #tpu.memory_space<vmem_shared>> -> memref<80x128xf32, #tpu.memory_space<vmem_shared>>
        %dma_wait3A_410 = arith.constant 0 : i32
        %dma_wait3A_411 = arith.constant 0 : i32
        %dma_wait3A_412 = tpu.memref_slice %arg14[%run_scoped3A, %dma_wait3A_410, %dma_wait3A_411] : memref<2x80x128xf32, #tpu.memory_space<vmem>> -> memref<1x80x128xf32, #tpu.memory_space<vmem>>
        %dma_wait3A_413 = tpu.memref_squeeze %dma_wait3A_412 : memref<1x80x128xf32, #tpu.memory_space<vmem>> -> memref<80x128xf32, #tpu.memory_space<vmem>>
        tpu.wait_dma2 semaphore(%run_scoped3A_389 : memref<!tpu.dma_semaphore, #tpu.memory_space<semaphore_mem>>) src(%dma_wait3A_413 : memref<80x128xf32, #tpu.memory_space<vmem>>) dst(%dma_wait3A_409 : memref<80x128xf32, #tpu.memory_space<vmem_shared>>)
        tpu.yield
      }) : () -> ()
    }
    %while3A_25 = arith.constant 1 : i32
    scf.for %while3A_385 = %while3A_23 to %while3A_19 step %while3A_25  : i32 {
      %mul3A_386 = arith.constant 80 : i32
      %mul3A_387 = arith.muli %while3A_385, %mul3A_386 : i32
      %add3A_388 = arith.addi %mul3A_13, %mul3A_387 : i32
      %run_scoped3A = arith.constant 0 : i32
      "tpu.region"() ({
        %run_scoped3A_389 = tpu.sem_alloc : memref<!tpu.dma_semaphore, #tpu.memory_space<semaphore_mem>>
        %dma_start3A_390 = arith.constant 0 : i32
        %dma_start3A_391 = arith.constant 0 : i32
        %dma_start3A_392 = tpu.memref_slice %arg14[%run_scoped3A, %dma_start3A_390, %dma_start3A_391] : memref<2x80x128xf32, #tpu.memory_space<vmem>> -> memref<1x80x128xf32, #tpu.memory_space<vmem>>
        %dma_start3A_393 = tpu.memref_squeeze %dma_start3A_392 : memref<1x80x128xf32, #tpu.memory_space<vmem>> -> memref<80x128xf32, #tpu.memory_space<vmem>>
        %dma_start3A_394 = arith.constant 0 : i32
        %dma_start3A_395 = tpu.memref_slice %arg7[%add3A_388, %dma_start3A_394] : memref<10000x128xf32, #tpu.memory_space<vmem_shared>> -> memref<80x128xf32, #tpu.memory_space<vmem_shared>>
        %dma_start3A_396 = arith.constant 0 : i32
        %dma_start3A_397 = tpu.memref_slice %arg7[%add3A_388, %dma_start3A_396] : memref<10000x128xf32, #tpu.memory_space<vmem_shared>> -> memref<80x128xf32, #tpu.memory_space<vmem_shared>>
        %dma_start3A_398 = arith.constant 0 : i32
        %dma_start3A_399 = arith.constant 0 : i32
        %dma_start3A_400 = tpu.memref_slice %arg14[%run_scoped3A, %dma_start3A_398, %dma_start3A_399] : memref<2x80x128xf32, #tpu.memory_space<vmem>> -> memref<1x80x128xf32, #tpu.memory_space<vmem>>
        %dma_start3A_401 = tpu.memref_squeeze %dma_start3A_400 : memref<1x80x128xf32, #tpu.memory_space<vmem>> -> memref<80x128xf32, #tpu.memory_space<vmem>>
        tpu.enqueue_dma source(%dma_start3A_401 : memref<80x128xf32, #tpu.memory_space<vmem>>) target(%dma_start3A_397 : memref<80x128xf32, #tpu.memory_space<vmem_shared>>) target_semaphore(%run_scoped3A_389 : memref<!tpu.dma_semaphore, #tpu.memory_space<semaphore_mem>>)
        %dma_wait3A_402 = arith.constant 0 : i32
        %dma_wait3A_403 = arith.constant 0 : i32
        %dma_wait3A_404 = tpu.memref_slice %arg14[%run_scoped3A, %dma_wait3A_402, %dma_wait3A_403] : memref<2x80x128xf32, #tpu.memory_space<vmem>> -> memref<1x80x128xf32, #tpu.memory_space<vmem>>
        %dma_wait3A_405 = tpu.memref_squeeze %dma_wait3A_404 : memref<1x80x128xf32, #tpu.memory_space<vmem>> -> memref<80x128xf32, #tpu.memory_space<vmem>>
        %dma_wait3A_406 = arith.constant 0 : i32
        %dma_wait3A_407 = tpu.memref_slice %arg7[%add3A_388, %dma_wait3A_406] : memref<10000x128xf32, #tpu.memory_space<vmem_shared>> -> memref<80x128xf32, #tpu.memory_space<vmem_shared>>
        %dma_wait3A_408 = arith.constant 0 : i32
        %dma_wait3A_409 = tpu.memref_slice %arg7[%add3A_388, %dma_wait3A_408] : memref<10000x128xf32, #tpu.memory_space<vmem_shared>> -> memref<80x128xf32, #tpu.memory_space<vmem_shared>>
        %dma_wait3A_410 = arith.constant 0 : i32
        %dma_wait3A_411 = arith.constant 0 : i32
        %dma_wait3A_412 = tpu.memref_slice %arg14[%run_scoped3A, %dma_wait3A_410, %dma_wait3A_411] : memref<2x80x128xf32, #tpu.memory_space<vmem>> -> memref<1x80x128xf32, #tpu.memory_space<vmem>>
        %dma_wait3A_413 = tpu.memref_squeeze %dma_wait3A_412 : memref<1x80x128xf32, #tpu.memory_space<vmem>> -> memref<80x128xf32, #tpu.memory_space<vmem>>
        tpu.wait_dma2 semaphore(%run_scoped3A_389 : memref<!tpu.dma_semaphore, #tpu.memory_space<semaphore_mem>>) src(%dma_wait3A_413 : memref<80x128xf32, #tpu.memory_space<vmem>>) dst(%dma_wait3A_409 : memref<80x128xf32, #tpu.memory_space<vmem_shared>>)
        tpu.yield
      }) : () -> ()
    }
    %eq3A = arith.constant 0 : i32
    %eq3A_26 = arith.cmpi eq, %arg1, %eq3A : i32
    %convert_element_type3A = arith.extui %eq3A_26 : i1 to i32
    %cond3A = arith.constant 0 : i32
    %cond3A_27 = arith.cmpi ne, %convert_element_type3A, %cond3A : i32
    scf.if %cond3A_27 {
      "tpu.region"() ({
        %run_scoped3A = tpu.sem_alloc : memref<!tpu.dma_semaphore, #tpu.memory_space<semaphore_mem>>
        tpu.enqueue_dma source(%arg3 : memref<256x128xf32, #tpu.memory_space<hbm>>) target(%arg8 : memref<256x128xf32, #tpu.memory_space<vmem_shared>>) target_semaphore(%run_scoped3A : memref<!tpu.dma_semaphore, #tpu.memory_space<semaphore_mem>>)
        tpu.wait_dma2 semaphore(%run_scoped3A : memref<!tpu.dma_semaphore, #tpu.memory_space<semaphore_mem>>) src(%arg3 : memref<256x128xf32, #tpu.memory_space<hbm>>) dst(%arg8 : memref<256x128xf32, #tpu.memory_space<vmem_shared>>)
        tpu.yield
      }) : () -> ()
    } else {
    }
    %barrier3A = arith.constant 0 : index
    tpu.barrier barrier_id(%barrier3A)
    %iota3A = tpu.iota {dimensions = array<i32: 0>} : vector<16xi32>
    %broadcast_in_dim3A = arith.constant 1.000000e+00 : f32
    %broadcast_in_dim3A_28 = vector.broadcast %broadcast_in_dim3A : f32 to vector<16xf32>
    %mul3A_29 = arith.constant 10000 : i32
    %mul3A_30 = arith.muli %add3A, %mul3A_29 : i32
    %add3A_31 = arith.constant 0 : i32
    %add3A_32 = arith.addi %mul3A_30, %add3A_31 : i32
    %dma_start3A = tpu.memref_slice %arg4[%add3A_32] : memref<960000xi32, #tpu.memory_space<hbm>> -> memref<2000xi32, #tpu.memory_space<hbm>>
    %dma_start3A_33 = tpu.memref_slice %arg4[%add3A_32] : memref<960000xi32, #tpu.memory_space<hbm>> -> memref<2000xi32, #tpu.memory_space<hbm>>
    tpu.enqueue_dma source(%dma_start3A_33 : memref<2000xi32, #tpu.memory_space<hbm>>) target(%arg9 : memref<2000xi32, #tpu.memory_space<vmem>>) target_semaphore(%arg19 : memref<!tpu.dma_semaphore, #tpu.memory_space<semaphore_mem>>)
    %add3A_34 = arith.constant 320000 : i32
    %add3A_35 = arith.addi %add3A_34, %add3A_32 : i32
    %dma_start3A_36 = tpu.memref_slice %arg4[%add3A_35] : memref<960000xi32, #tpu.memory_space<hbm>> -> memref<2000xi32, #tpu.memory_space<hbm>>
    %dma_start3A_37 = tpu.memref_slice %arg4[%add3A_35] : memref<960000xi32, #tpu.memory_space<hbm>> -> memref<2000xi32, #tpu.memory_space<hbm>>
    tpu.enqueue_dma source(%dma_start3A_37 : memref<2000xi32, #tpu.memory_space<hbm>>) target(%arg10 : memref<2000xi32, #tpu.memory_space<vmem>>) target_semaphore(%arg19 : memref<!tpu.dma_semaphore, #tpu.memory_space<semaphore_mem>>)
    %add3A_38 = arith.constant 640000 : i32
    %add3A_39 = arith.addi %add3A_38, %add3A_32 : i32
    %dma_start3A_40 = tpu.memref_slice %arg4[%add3A_39] : memref<960000xi32, #tpu.memory_space<hbm>> -> memref<2000xi32, #tpu.memory_space<hbm>>
    %dma_start3A_41 = tpu.memref_slice %arg4[%add3A_39] : memref<960000xi32, #tpu.memory_space<hbm>> -> memref<2000xi32, #tpu.memory_space<hbm>>
    tpu.enqueue_dma source(%dma_start3A_41 : memref<2000xi32, #tpu.memory_space<hbm>>) target(%arg11 : memref<2000xi32, #tpu.memory_space<vmem>>) target_semaphore(%arg19 : memref<!tpu.dma_semaphore, #tpu.memory_space<semaphore_mem>>)
    %dma_wait3A = tpu.memref_slice %arg4[%add3A_32] : memref<960000xi32, #tpu.memory_space<hbm>> -> memref<2000xi32, #tpu.memory_space<hbm>>
    %dma_wait3A_42 = tpu.memref_slice %arg4[%add3A_32] : memref<960000xi32, #tpu.memory_space<hbm>> -> memref<2000xi32, #tpu.memory_space<hbm>>
    tpu.wait_dma2 semaphore(%arg19 : memref<!tpu.dma_semaphore, #tpu.memory_space<semaphore_mem>>) src(%dma_wait3A_42 : memref<2000xi32, #tpu.memory_space<hbm>>) dst(%arg9 : memref<2000xi32, #tpu.memory_space<vmem>>)
    %dma_wait3A_43 = tpu.memref_slice %arg4[%add3A_35] : memref<960000xi32, #tpu.memory_space<hbm>> -> memref<2000xi32, #tpu.memory_space<hbm>>
    %dma_wait3A_44 = tpu.memref_slice %arg4[%add3A_35] : memref<960000xi32, #tpu.memory_space<hbm>> -> memref<2000xi32, #tpu.memory_space<hbm>>
    tpu.wait_dma2 semaphore(%arg19 : memref<!tpu.dma_semaphore, #tpu.memory_space<semaphore_mem>>) src(%dma_wait3A_44 : memref<2000xi32, #tpu.memory_space<hbm>>) dst(%arg10 : memref<2000xi32, #tpu.memory_space<vmem>>)
    %dma_wait3A_45 = tpu.memref_slice %arg4[%add3A_39] : memref<960000xi32, #tpu.memory_space<hbm>> -> memref<2000xi32, #tpu.memory_space<hbm>>
    %dma_wait3A_46 = tpu.memref_slice %arg4[%add3A_39] : memref<960000xi32, #tpu.memory_space<hbm>> -> memref<2000xi32, #tpu.memory_space<hbm>>
    tpu.wait_dma2 semaphore(%arg19 : memref<!tpu.dma_semaphore, #tpu.memory_space<semaphore_mem>>) src(%dma_wait3A_46 : memref<2000xi32, #tpu.memory_space<hbm>>) dst(%arg11 : memref<2000xi32, #tpu.memory_space<vmem>>)
    %dma_start3A_47 = arith.constant 0 : i32
    %dma_start3A_48 = arith.constant 0 : i32
    %dma_start3A_49 = arith.constant 0 : i32
    %dma_start3A_50 = arith.constant 0 : i32
    %dma_start3A_51 = tpu.memref_slice %arg14[%dma_start3A_47, %dma_start3A_49, %dma_start3A_50] : memref<2x80x128xf32, #tpu.memory_space<vmem>> -> memref<1x80x128xf32, #tpu.memory_space<vmem>>
    %dma_start3A_52 = tpu.memref_squeeze %dma_start3A_51 : memref<1x80x128xf32, #tpu.memory_space<vmem>> -> memref<80x128xf32, #tpu.memory_space<vmem>>
    %dma_start3A_53 = arith.constant 0 : i32
    %dma_start3A_54 = tpu.memref_slice %arg9[%dma_start3A_53] : memref<2000xi32, #tpu.memory_space<vmem>> -> memref<80xi32, #tpu.memory_space<vmem>>
    %dma_start3A_55 = arith.constant 0 : i32
    %dma_start3A_56 = arith.constant 0 : i32
    %dma_start3A_57 = tpu.memref_slice %arg2[%dma_start3A_55, %dma_start3A_56] : memref<10000x128xf32, #tpu.memory_space<hbm>> -> memref<10000x128xf32, #tpu.memory_space<hbm>>
    %dma_start3A_58 = tpu.memref_slice %arg17[%dma_start3A_48] : memref<2x!tpu.dma_semaphore, #tpu.memory_space<semaphore_mem>> -> memref<1x!tpu.dma_semaphore, #tpu.memory_space<semaphore_mem>>
    %dma_start3A_59 = tpu.memref_squeeze %dma_start3A_58 : memref<1x!tpu.dma_semaphore, #tpu.memory_space<semaphore_mem>> -> memref<!tpu.dma_semaphore, #tpu.memory_space<semaphore_mem>>
    tpu.enqueue_indirect_dma source(%dma_start3A_57 : memref<10000x128xf32, #tpu.memory_space<hbm>>) target(%dma_start3A_52 : memref<80x128xf32, #tpu.memory_space<vmem>>) offsets(%dma_start3A_54 : memref<80xi32, #tpu.memory_space<vmem>>) semaphore(%dma_start3A_59 : memref<!tpu.dma_semaphore, #tpu.memory_space<semaphore_mem>>)
    %dma_wait3A_60 = arith.constant 0 : i32
    %dma_wait3A_61 = arith.constant 0 : i32
    %dma_wait3A_62 = arith.constant 0 : i32
    %dma_wait3A_63 = arith.constant 0 : i32
    %dma_wait3A_64 = tpu.memref_slice %arg14[%dma_wait3A_60, %dma_wait3A_62, %dma_wait3A_63] : memref<2x80x128xf32, #tpu.memory_space<vmem>> -> memref<1x80x128xf32, #tpu.memory_space<vmem>>
    %dma_wait3A_65 = tpu.memref_squeeze %dma_wait3A_64 : memref<1x80x128xf32, #tpu.memory_space<vmem>> -> memref<80x128xf32, #tpu.memory_space<vmem>>
    %dma_wait3A_66 = arith.constant 0 : i32
    %dma_wait3A_67 = tpu.memref_slice %arg9[%dma_wait3A_66] : memref<2000xi32, #tpu.memory_space<vmem>> -> memref<80xi32, #tpu.memory_space<vmem>>
    %dma_wait3A_68 = arith.constant 0 : i32
    %dma_wait3A_69 = arith.constant 0 : i32
    %dma_wait3A_70 = tpu.memref_slice %arg2[%dma_wait3A_68, %dma_wait3A_69] : memref<10000x128xf32, #tpu.memory_space<hbm>> -> memref<10000x128xf32, #tpu.memory_space<hbm>>
    %dma_wait3A_71 = tpu.memref_slice %arg17[%dma_wait3A_61] : memref<2x!tpu.dma_semaphore, #tpu.memory_space<semaphore_mem>> -> memref<1x!tpu.dma_semaphore, #tpu.memory_space<semaphore_mem>>
    %dma_wait3A_72 = tpu.memref_squeeze %dma_wait3A_71 : memref<1x!tpu.dma_semaphore, #tpu.memory_space<semaphore_mem>> -> memref<!tpu.dma_semaphore, #tpu.memory_space<semaphore_mem>>
    tpu.wait_indirect_dma semaphore(%dma_wait3A_72 : memref<!tpu.dma_semaphore, #tpu.memory_space<semaphore_mem>>) src(%dma_wait3A_70 : memref<10000x128xf32, #tpu.memory_space<hbm>>) dst(%dma_wait3A_65 : memref<80x128xf32, #tpu.memory_space<vmem>>)
    %dma_start3A_73 = arith.constant 0 : i32
    %dma_start3A_74 = tpu.memref_slice %arg11[%dma_start3A_73] : memref<2000xi32, #tpu.memory_space<vmem>> -> memref<80xi32, #tpu.memory_space<vmem>>
    %dma_start3A_75 = arith.constant 0 : i32
    %dma_start3A_76 = arith.constant 0 : i32
    %dma_start3A_77 = tpu.memref_slice %arg8[%dma_start3A_75, %dma_start3A_76] : memref<256x128xf32, #tpu.memory_space<vmem_shared>> -> memref<256x128xf32, #tpu.memory_space<vmem_shared>>
    tpu.enqueue_indirect_dma source(%dma_start3A_77 : memref<256x128xf32, #tpu.memory_space<vmem_shared>>) target(%arg15 : memref<80x128xf32, #tpu.memory_space<vmem>>) offsets(%dma_start3A_74 : memref<80xi32, #tpu.memory_space<vmem>>) semaphore(%arg18 : memref<!tpu.dma_semaphore, #tpu.memory_space<semaphore_mem>>)
    %dma_wait3A_78 = arith.constant 0 : i32
    %dma_wait3A_79 = tpu.memref_slice %arg11[%dma_wait3A_78] : memref<2000xi32, #tpu.memory_space<vmem>> -> memref<80xi32, #tpu.memory_space<vmem>>
    %dma_wait3A_80 = arith.constant 0 : i32
    %dma_wait3A_81 = arith.constant 0 : i32
    %dma_wait3A_82 = tpu.memref_slice %arg8[%dma_wait3A_80, %dma_wait3A_81] : memref<256x128xf32, #tpu.memory_space<vmem_shared>> -> memref<256x128xf32, #tpu.memory_space<vmem_shared>>
    tpu.wait_indirect_dma semaphore(%arg18 : memref<!tpu.dma_semaphore, #tpu.memory_space<semaphore_mem>>) src(%dma_wait3A_82 : memref<256x128xf32, #tpu.memory_space<vmem_shared>>) dst(%arg15 : memref<80x128xf32, #tpu.memory_space<vmem>>)
    %scan3A_83 = arith.constant 0 : i32
    %scan3A_84 = arith.constant 0 : i32
    %scan3A_85 = arith.constant 124 : i32
    %scan3A_86 = arith.addi %scan3A_84, %scan3A_85 : i32
    %scan3A_87 = arith.constant 1 : i32
    scf.for %scan3A_385 = %scan3A_84 to %scan3A_86 step %scan3A_87  : i32 {
      %rem3A_386 = arith.constant 2 : i32
      %rem3A_387 = arith.remsi %scan3A_385, %rem3A_386 : i32
      %sub3A = arith.constant 1 : i32
      %sub3A_388 = arith.subi %sub3A, %rem3A_387 : i32
      %rem3A_389 = arith.constant 25 : i32
      %rem3A_390 = arith.remsi %scan3A_385, %rem3A_389 : i32
      %mul3A_391 = arith.constant 80 : i32
      %mul3A_392 = arith.muli %rem3A_390, %mul3A_391 : i32
      %add3A_393 = arith.constant 1 : i32
      %add3A_394 = arith.addi %scan3A_385, %add3A_393 : i32
      %rem3A_395 = arith.constant 25 : i32
      %rem3A_396 = arith.remsi %add3A_394, %rem3A_395 : i32
      %mul3A_397 = arith.constant 80 : i32
      %mul3A_398 = arith.muli %rem3A_396, %mul3A_397 : i32
      %add3A_399 = arith.constant 0 : i32
      %add3A_400 = arith.addi %mul3A_392, %add3A_399 : i32
      %get3A_401 = arith.index_cast %add3A_400 : i32 to index
      %get3A_402 = tpu.vector_load %arg10[%get3A_401] {strides = array<i32>} : memref<2000xi32, #tpu.memory_space<vmem>>, vector<16xi32>,
      %swap3A_403 = arith.constant 0 : index
      %swap3A_404 = tpu.vector_load %arg12[%swap3A_403] {strides = array<i32>} : memref<32xi32, #tpu.memory_space<vmem>>, vector<16xi32>,
      tpu.vector_store %arg12[%swap3A_403], %get3A_402 {strides = array<i32>} : memref<32xi32, #tpu.memory_space<vmem>>, vector<16xi32>,
      %eq3A_405 = arith.constant 0 : i32
      %eq3A_406 = vector.broadcast %eq3A_405 : i32 to vector<16xi32>
      %eq3A_407 = arith.cmpi eq, %iota3A, %eq3A_406 : vector<16xi32>
      tpu.vector_store_idx %arg16[%get3A_402], %broadcast_in_dim3A_28 masked %eq3A_407 {add = true} : memref<10000xf32, #tpu.memory_space<vmem>>[vector<16xi32>], vector<16xf32>, vector<16xi1>
      %eq3A_408 = arith.constant 1 : i32
      %eq3A_409 = vector.broadcast %eq3A_408 : i32 to vector<16xi32>
      %eq3A_410 = arith.cmpi eq, %iota3A, %eq3A_409 : vector<16xi32>
      tpu.vector_store_idx %arg16[%get3A_402], %broadcast_in_dim3A_28 masked %eq3A_410 {add = true} : memref<10000xf32, #tpu.memory_space<vmem>>[vector<16xi32>], vector<16xf32>, vector<16xi1>
      %eq3A_411 = arith.constant 2 : i32
      %eq3A_412 = vector.broadcast %eq3A_411 : i32 to vector<16xi32>
      %eq3A_413 = arith.cmpi eq, %iota3A, %eq3A_412 : vector<16xi32>
      tpu.vector_store_idx %arg16[%get3A_402], %broadcast_in_dim3A_28 masked %eq3A_413 {add = true} : memref<10000xf32, #tpu.memory_space<vmem>>[vector<16xi32>], vector<16xf32>, vector<16xi1>
      %eq3A_414 = arith.constant 3 : i32
      %eq3A_415 = vector.broadcast %eq3A_414 : i32 to vector<16xi32>
      %eq3A_416 = arith.cmpi eq, %iota3A, %eq3A_415 : vector<16xi32>
      tpu.vector_store_idx %arg16[%get3A_402], %broadcast_in_dim3A_28 masked %eq3A_416 {add = true} : memref<10000xf32, #tpu.memory_space<vmem>>[vector<16xi32>], vector<16xf32>, vector<16xi1>
      %eq3A_417 = arith.constant 4 : i32
      %eq3A_418 = vector.broadcast %eq3A_417 : i32 to vector<16xi32>
      %eq3A_419 = arith.cmpi eq, %iota3A, %eq3A_418 : vector<16xi32>
      tpu.vector_store_idx %arg16[%get3A_402], %broadcast_in_dim3A_28 masked %eq3A_419 {add = true} : memref<10000xf32, #tpu.memory_space<vmem>>[vector<16xi32>], vector<16xf32>, vector<16xi1>
      %eq3A_420 = arith.constant 5 : i32
      %eq3A_421 = vector.broadcast %eq3A_420 : i32 to vector<16xi32>
      %eq3A_422 = arith.cmpi eq, %iota3A, %eq3A_421 : vector<16xi32>
      tpu.vector_store_idx %arg16[%get3A_402], %broadcast_in_dim3A_28 masked %eq3A_422 {add = true} : memref<10000xf32, #tpu.memory_space<vmem>>[vector<16xi32>], vector<16xf32>, vector<16xi1>
      %eq3A_423 = arith.constant 6 : i32
      %eq3A_424 = vector.broadcast %eq3A_423 : i32 to vector<16xi32>
      %eq3A_425 = arith.cmpi eq, %iota3A, %eq3A_424 : vector<16xi32>
      tpu.vector_store_idx %arg16[%get3A_402], %broadcast_in_dim3A_28 masked %eq3A_425 {add = true} : memref<10000xf32, #tpu.memory_space<vmem>>[vector<16xi32>], vector<16xf32>, vector<16xi1>
      %eq3A_426 = arith.constant 7 : i32
      %eq3A_427 = vector.broadcast %eq3A_426 : i32 to vector<16xi32>
      %eq3A_428 = arith.cmpi eq, %iota3A, %eq3A_427 : vector<16xi32>
      tpu.vector_store_idx %arg16[%get3A_402], %broadcast_in_dim3A_28 masked %eq3A_428 {add = true} : memref<10000xf32, #tpu.memory_space<vmem>>[vector<16xi32>], vector<16xf32>, vector<16xi1>
      %eq3A_429 = arith.constant 8 : i32
      %eq3A_430 = vector.broadcast %eq3A_429 : i32 to vector<16xi32>
      %eq3A_431 = arith.cmpi eq, %iota3A, %eq3A_430 : vector<16xi32>
      tpu.vector_store_idx %arg16[%get3A_402], %broadcast_in_dim3A_28 masked %eq3A_431 {add = true} : memref<10000xf32, #tpu.memory_space<vmem>>[vector<16xi32>], vector<16xf32>, vector<16xi1>
      %eq3A_432 = arith.constant 9 : i32
      %eq3A_433 = vector.broadcast %eq3A_432 : i32 to vector<16xi32>
      %eq3A_434 = arith.cmpi eq, %iota3A, %eq3A_433 : vector<16xi32>
      tpu.vector_store_idx %arg16[%get3A_402], %broadcast_in_dim3A_28 masked %eq3A_434 {add = true} : memref<10000xf32, #tpu.memory_space<vmem>>[vector<16xi32>], vector<16xf32>, vector<16xi1>
      %eq3A_435 = arith.constant 10 : i32
      %eq3A_436 = vector.broadcast %eq3A_435 : i32 to vector<16xi32>
      %eq3A_437 = arith.cmpi eq, %iota3A, %eq3A_436 : vector<16xi32>
      tpu.vector_store_idx %arg16[%get3A_402], %broadcast_in_dim3A_28 masked %eq3A_437 {add = true} : memref<10000xf32, #tpu.memory_space<vmem>>[vector<16xi32>], vector<16xf32>, vector<16xi1>
      %eq3A_438 = arith.constant 11 : i32
      %eq3A_439 = vector.broadcast %eq3A_438 : i32 to vector<16xi32>
      %eq3A_440 = arith.cmpi eq, %iota3A, %eq3A_439 : vector<16xi32>
      tpu.vector_store_idx %arg16[%get3A_402], %broadcast_in_dim3A_28 masked %eq3A_440 {add = true} : memref<10000xf32, #tpu.memory_space<vmem>>[vector<16xi32>], vector<16xf32>, vector<16xi1>
      %eq3A_441 = arith.constant 12 : i32
      %eq3A_442 = vector.broadcast %eq3A_441 : i32 to vector<16xi32>
      %eq3A_443 = arith.cmpi eq, %iota3A, %eq3A_442 : vector<16xi32>
      tpu.vector_store_idx %arg16[%get3A_402], %broadcast_in_dim3A_28 masked %eq3A_443 {add = true} : memref<10000xf32, #tpu.memory_space<vmem>>[vector<16xi32>], vector<16xf32>, vector<16xi1>
      %eq3A_444 = arith.constant 13 : i32
      %eq3A_445 = vector.broadcast %eq3A_444 : i32 to vector<16xi32>
      %eq3A_446 = arith.cmpi eq, %iota3A, %eq3A_445 : vector<16xi32>
      tpu.vector_store_idx %arg16[%get3A_402], %broadcast_in_dim3A_28 masked %eq3A_446 {add = true} : memref<10000xf32, #tpu.memory_space<vmem>>[vector<16xi32>], vector<16xf32>, vector<16xi1>
      %eq3A_447 = arith.constant 14 : i32
      %eq3A_448 = vector.broadcast %eq3A_447 : i32 to vector<16xi32>
      %eq3A_449 = arith.cmpi eq, %iota3A, %eq3A_448 : vector<16xi32>
      tpu.vector_store_idx %arg16[%get3A_402], %broadcast_in_dim3A_28 masked %eq3A_449 {add = true} : memref<10000xf32, #tpu.memory_space<vmem>>[vector<16xi32>], vector<16xf32>, vector<16xi1>
      %eq3A_450 = arith.constant 15 : i32
      %eq3A_451 = vector.broadcast %eq3A_450 : i32 to vector<16xi32>
      %eq3A_452 = arith.cmpi eq, %iota3A, %eq3A_451 : vector<16xi32>
      tpu.vector_store_idx %arg16[%get3A_402], %broadcast_in_dim3A_28 masked %eq3A_452 {add = true} : memref<10000xf32, #tpu.memory_space<vmem>>[vector<16xi32>], vector<16xf32>, vector<16xi1>
      %add3A_453 = arith.constant 16 : i32
      %add3A_454 = arith.addi %mul3A_392, %add3A_453 : i32
      %get3A_455 = arith.index_cast %add3A_454 : i32 to index
      %get3A_456 = tpu.vector_load %arg10[%get3A_455] {strides = array<i32>} : memref<2000xi32, #tpu.memory_space<vmem>>, vector<16xi32>,
      %swap3A_457 = arith.constant 16 : index
      %swap3A_458 = tpu.vector_load %arg12[%swap3A_457] {strides = array<i32>} : memref<32xi32, #tpu.memory_space<vmem>>, vector<16xi32>,
      tpu.vector_store %arg12[%swap3A_457], %get3A_456 {strides = array<i32>} : memref<32xi32, #tpu.memory_space<vmem>>, vector<16xi32>,
      %eq3A_459 = arith.constant 0 : i32
      %eq3A_460 = vector.broadcast %eq3A_459 : i32 to vector<16xi32>
      %eq3A_461 = arith.cmpi eq, %iota3A, %eq3A_460 : vector<16xi32>
      tpu.vector_store_idx %arg16[%get3A_456], %broadcast_in_dim3A_28 masked %eq3A_461 {add = true} : memref<10000xf32, #tpu.memory_space<vmem>>[vector<16xi32>], vector<16xf32>, vector<16xi1>
      %eq3A_462 = arith.constant 1 : i32
      %eq3A_463 = vector.broadcast %eq3A_462 : i32 to vector<16xi32>
      %eq3A_464 = arith.cmpi eq, %iota3A, %eq3A_463 : vector<16xi32>
      tpu.vector_store_idx %arg16[%get3A_456], %broadcast_in_dim3A_28 masked %eq3A_464 {add = true} : memref<10000xf32, #tpu.memory_space<vmem>>[vector<16xi32>], vector<16xf32>, vector<16xi1>
      %eq3A_465 = arith.constant 2 : i32
      %eq3A_466 = vector.broadcast %eq3A_465 : i32 to vector<16xi32>
      %eq3A_467 = arith.cmpi eq, %iota3A, %eq3A_466 : vector<16xi32>
      tpu.vector_store_idx %arg16[%get3A_456], %broadcast_in_dim3A_28 masked %eq3A_467 {add = true} : memref<10000xf32, #tpu.memory_space<vmem>>[vector<16xi32>], vector<16xf32>, vector<16xi1>
      %eq3A_468 = arith.constant 3 : i32
      %eq3A_469 = vector.broadcast %eq3A_468 : i32 to vector<16xi32>
      %eq3A_470 = arith.cmpi eq, %iota3A, %eq3A_469 : vector<16xi32>
      tpu.vector_store_idx %arg16[%get3A_456], %broadcast_in_dim3A_28 masked %eq3A_470 {add = true} : memref<10000xf32, #tpu.memory_space<vmem>>[vector<16xi32>], vector<16xf32>, vector<16xi1>
      %eq3A_471 = arith.constant 4 : i32
      %eq3A_472 = vector.broadcast %eq3A_471 : i32 to vector<16xi32>
      %eq3A_473 = arith.cmpi eq, %iota3A, %eq3A_472 : vector<16xi32>
      tpu.vector_store_idx %arg16[%get3A_456], %broadcast_in_dim3A_28 masked %eq3A_473 {add = true} : memref<10000xf32, #tpu.memory_space<vmem>>[vector<16xi32>], vector<16xf32>, vector<16xi1>
      %eq3A_474 = arith.constant 5 : i32
      %eq3A_475 = vector.broadcast %eq3A_474 : i32 to vector<16xi32>
      %eq3A_476 = arith.cmpi eq, %iota3A, %eq3A_475 : vector<16xi32>
      tpu.vector_store_idx %arg16[%get3A_456], %broadcast_in_dim3A_28 masked %eq3A_476 {add = true} : memref<10000xf32, #tpu.memory_space<vmem>>[vector<16xi32>], vector<16xf32>, vector<16xi1>
      %eq3A_477 = arith.constant 6 : i32
      %eq3A_478 = vector.broadcast %eq3A_477 : i32 to vector<16xi32>
      %eq3A_479 = arith.cmpi eq, %iota3A, %eq3A_478 : vector<16xi32>
      tpu.vector_store_idx %arg16[%get3A_456], %broadcast_in_dim3A_28 masked %eq3A_479 {add = true} : memref<10000xf32, #tpu.memory_space<vmem>>[vector<16xi32>], vector<16xf32>, vector<16xi1>
      %eq3A_480 = arith.constant 7 : i32
      %eq3A_481 = vector.broadcast %eq3A_480 : i32 to vector<16xi32>
      %eq3A_482 = arith.cmpi eq, %iota3A, %eq3A_481 : vector<16xi32>
      tpu.vector_store_idx %arg16[%get3A_456], %broadcast_in_dim3A_28 masked %eq3A_482 {add = true} : memref<10000xf32, #tpu.memory_space<vmem>>[vector<16xi32>], vector<16xf32>, vector<16xi1>
      %eq3A_483 = arith.constant 8 : i32
      %eq3A_484 = vector.broadcast %eq3A_483 : i32 to vector<16xi32>
      %eq3A_485 = arith.cmpi eq, %iota3A, %eq3A_484 : vector<16xi32>
      tpu.vector_store_idx %arg16[%get3A_456], %broadcast_in_dim3A_28 masked %eq3A_485 {add = true} : memref<10000xf32, #tpu.memory_space<vmem>>[vector<16xi32>], vector<16xf32>, vector<16xi1>
      %eq3A_486 = arith.constant 9 : i32
      %eq3A_487 = vector.broadcast %eq3A_486 : i32 to vector<16xi32>
      %eq3A_488 = arith.cmpi eq, %iota3A, %eq3A_487 : vector<16xi32>
      tpu.vector_store_idx %arg16[%get3A_456], %broadcast_in_dim3A_28 masked %eq3A_488 {add = true} : memref<10000xf32, #tpu.memory_space<vmem>>[vector<16xi32>], vector<16xf32>, vector<16xi1>
      %eq3A_489 = arith.constant 10 : i32
      %eq3A_490 = vector.broadcast %eq3A_489 : i32 to vector<16xi32>
      %eq3A_491 = arith.cmpi eq, %iota3A, %eq3A_490 : vector<16xi32>
      tpu.vector_store_idx %arg16[%get3A_456], %broadcast_in_dim3A_28 masked %eq3A_491 {add = true} : memref<10000xf32, #tpu.memory_space<vmem>>[vector<16xi32>], vector<16xf32>, vector<16xi1>
      %eq3A_492 = arith.constant 11 : i32
      %eq3A_493 = vector.broadcast %eq3A_492 : i32 to vector<16xi32>
      %eq3A_494 = arith.cmpi eq, %iota3A, %eq3A_493 : vector<16xi32>
      tpu.vector_store_idx %arg16[%get3A_456], %broadcast_in_dim3A_28 masked %eq3A_494 {add = true} : memref<10000xf32, #tpu.memory_space<vmem>>[vector<16xi32>], vector<16xf32>, vector<16xi1>
      %eq3A_495 = arith.constant 12 : i32
      %eq3A_496 = vector.broadcast %eq3A_495 : i32 to vector<16xi32>
      %eq3A_497 = arith.cmpi eq, %iota3A, %eq3A_496 : vector<16xi32>
      tpu.vector_store_idx %arg16[%get3A_456], %broadcast_in_dim3A_28 masked %eq3A_497 {add = true} : memref<10000xf32, #tpu.memory_space<vmem>>[vector<16xi32>], vector<16xf32>, vector<16xi1>
      %eq3A_498 = arith.constant 13 : i32
      %eq3A_499 = vector.broadcast %eq3A_498 : i32 to vector<16xi32>
      %eq3A_500 = arith.cmpi eq, %iota3A, %eq3A_499 : vector<16xi32>
      tpu.vector_store_idx %arg16[%get3A_456], %broadcast_in_dim3A_28 masked %eq3A_500 {add = true} : memref<10000xf32, #tpu.memory_space<vmem>>[vector<16xi32>], vector<16xf32>, vector<16xi1>
      %eq3A_501 = arith.constant 14 : i32
      %eq3A_502 = vector.broadcast %eq3A_501 : i32 to vector<16xi32>
      %eq3A_503 = arith.cmpi eq, %iota3A, %eq3A_502 : vector<16xi32>
      tpu.vector_store_idx %arg16[%get3A_456], %broadcast_in_dim3A_28 masked %eq3A_503 {add = true} : memref<10000xf32, #tpu.memory_space<vmem>>[vector<16xi32>], vector<16xf32>, vector<16xi1>
      %eq3A_504 = arith.constant 15 : i32
      %eq3A_505 = vector.broadcast %eq3A_504 : i32 to vector<16xi32>
      %eq3A_506 = arith.cmpi eq, %iota3A, %eq3A_505 : vector<16xi32>
      tpu.vector_store_idx %arg16[%get3A_456], %broadcast_in_dim3A_28 masked %eq3A_506 {add = true} : memref<10000xf32, #tpu.memory_space<vmem>>[vector<16xi32>], vector<16xf32>, vector<16xi1>
      %add3A_507 = arith.constant 32 : i32
      %add3A_508 = arith.addi %mul3A_392, %add3A_507 : i32
      %get3A_509 = arith.index_cast %add3A_508 : i32 to index
      %get3A_510 = tpu.vector_load %arg10[%get3A_509] {strides = array<i32>} : memref<2000xi32, #tpu.memory_space<vmem>>, vector<16xi32>,
      %swap3A_511 = arith.constant 0 : index
      %swap3A_512 = tpu.vector_load %arg13[%swap3A_511] {strides = array<i32>} : memref<48xi32, #tpu.memory_space<vmem>>, vector<16xi32>,
      tpu.vector_store %arg13[%swap3A_511], %get3A_510 {strides = array<i32>} : memref<48xi32, #tpu.memory_space<vmem>>, vector<16xi32>,
      %eq3A_513 = arith.constant 0 : i32
      %eq3A_514 = vector.broadcast %eq3A_513 : i32 to vector<16xi32>
      %eq3A_515 = arith.cmpi eq, %iota3A, %eq3A_514 : vector<16xi32>
      tpu.vector_store_idx %arg16[%get3A_510], %broadcast_in_dim3A_28 masked %eq3A_515 {add = true} : memref<10000xf32, #tpu.memory_space<vmem>>[vector<16xi32>], vector<16xf32>, vector<16xi1>
      %eq3A_516 = arith.constant 1 : i32
      %eq3A_517 = vector.broadcast %eq3A_516 : i32 to vector<16xi32>
      %eq3A_518 = arith.cmpi eq, %iota3A, %eq3A_517 : vector<16xi32>
      tpu.vector_store_idx %arg16[%get3A_510], %broadcast_in_dim3A_28 masked %eq3A_518 {add = true} : memref<10000xf32, #tpu.memory_space<vmem>>[vector<16xi32>], vector<16xf32>, vector<16xi1>
      %eq3A_519 = arith.constant 2 : i32
      %eq3A_520 = vector.broadcast %eq3A_519 : i32 to vector<16xi32>
      %eq3A_521 = arith.cmpi eq, %iota3A, %eq3A_520 : vector<16xi32>
      tpu.vector_store_idx %arg16[%get3A_510], %broadcast_in_dim3A_28 masked %eq3A_521 {add = true} : memref<10000xf32, #tpu.memory_space<vmem>>[vector<16xi32>], vector<16xf32>, vector<16xi1>
      %eq3A_522 = arith.constant 3 : i32
      %eq3A_523 = vector.broadcast %eq3A_522 : i32 to vector<16xi32>
      %eq3A_524 = arith.cmpi eq, %iota3A, %eq3A_523 : vector<16xi32>
      tpu.vector_store_idx %arg16[%get3A_510], %broadcast_in_dim3A_28 masked %eq3A_524 {add = true} : memref<10000xf32, #tpu.memory_space<vmem>>[vector<16xi32>], vector<16xf32>, vector<16xi1>
      %eq3A_525 = arith.constant 4 : i32
      %eq3A_526 = vector.broadcast %eq3A_525 : i32 to vector<16xi32>
      %eq3A_527 = arith.cmpi eq, %iota3A, %eq3A_526 : vector<16xi32>
      tpu.vector_store_idx %arg16[%get3A_510], %broadcast_in_dim3A_28 masked %eq3A_527 {add = true} : memref<10000xf32, #tpu.memory_space<vmem>>[vector<16xi32>], vector<16xf32>, vector<16xi1>
      %eq3A_528 = arith.constant 5 : i32
      %eq3A_529 = vector.broadcast %eq3A_528 : i32 to vector<16xi32>
      %eq3A_530 = arith.cmpi eq, %iota3A, %eq3A_529 : vector<16xi32>
      tpu.vector_store_idx %arg16[%get3A_510], %broadcast_in_dim3A_28 masked %eq3A_530 {add = true} : memref<10000xf32, #tpu.memory_space<vmem>>[vector<16xi32>], vector<16xf32>, vector<16xi1>
      %eq3A_531 = arith.constant 6 : i32
      %eq3A_532 = vector.broadcast %eq3A_531 : i32 to vector<16xi32>
      %eq3A_533 = arith.cmpi eq, %iota3A, %eq3A_532 : vector<16xi32>
      tpu.vector_store_idx %arg16[%get3A_510], %broadcast_in_dim3A_28 masked %eq3A_533 {add = true} : memref<10000xf32, #tpu.memory_space<vmem>>[vector<16xi32>], vector<16xf32>, vector<16xi1>
      %eq3A_534 = arith.constant 7 : i32
      %eq3A_535 = vector.broadcast %eq3A_534 : i32 to vector<16xi32>
      %eq3A_536 = arith.cmpi eq, %iota3A, %eq3A_535 : vector<16xi32>
      tpu.vector_store_idx %arg16[%get3A_510], %broadcast_in_dim3A_28 masked %eq3A_536 {add = true} : memref<10000xf32, #tpu.memory_space<vmem>>[vector<16xi32>], vector<16xf32>, vector<16xi1>
      %eq3A_537 = arith.constant 8 : i32
      %eq3A_538 = vector.broadcast %eq3A_537 : i32 to vector<16xi32>
      %eq3A_539 = arith.cmpi eq, %iota3A, %eq3A_538 : vector<16xi32>
      tpu.vector_store_idx %arg16[%get3A_510], %broadcast_in_dim3A_28 masked %eq3A_539 {add = true} : memref<10000xf32, #tpu.memory_space<vmem>>[vector<16xi32>], vector<16xf32>, vector<16xi1>
      %eq3A_540 = arith.constant 9 : i32
      %eq3A_541 = vector.broadcast %eq3A_540 : i32 to vector<16xi32>
      %eq3A_542 = arith.cmpi eq, %iota3A, %eq3A_541 : vector<16xi32>
      tpu.vector_store_idx %arg16[%get3A_510], %broadcast_in_dim3A_28 masked %eq3A_542 {add = true} : memref<10000xf32, #tpu.memory_space<vmem>>[vector<16xi32>], vector<16xf32>, vector<16xi1>
      %eq3A_543 = arith.constant 10 : i32
      %eq3A_544 = vector.broadcast %eq3A_543 : i32 to vector<16xi32>
      %eq3A_545 = arith.cmpi eq, %iota3A, %eq3A_544 : vector<16xi32>
      tpu.vector_store_idx %arg16[%get3A_510], %broadcast_in_dim3A_28 masked %eq3A_545 {add = true} : memref<10000xf32, #tpu.memory_space<vmem>>[vector<16xi32>], vector<16xf32>, vector<16xi1>
      %eq3A_546 = arith.constant 11 : i32
      %eq3A_547 = vector.broadcast %eq3A_546 : i32 to vector<16xi32>
      %eq3A_548 = arith.cmpi eq, %iota3A, %eq3A_547 : vector<16xi32>
      tpu.vector_store_idx %arg16[%get3A_510], %broadcast_in_dim3A_28 masked %eq3A_548 {add = true} : memref<10000xf32, #tpu.memory_space<vmem>>[vector<16xi32>], vector<16xf32>, vector<16xi1>
      %eq3A_549 = arith.constant 12 : i32
      %eq3A_550 = vector.broadcast %eq3A_549 : i32 to vector<16xi32>
      %eq3A_551 = arith.cmpi eq, %iota3A, %eq3A_550 : vector<16xi32>
      tpu.vector_store_idx %arg16[%get3A_510], %broadcast_in_dim3A_28 masked %eq3A_551 {add = true} : memref<10000xf32, #tpu.memory_space<vmem>>[vector<16xi32>], vector<16xf32>, vector<16xi1>
      %eq3A_552 = arith.constant 13 : i32
      %eq3A_553 = vector.broadcast %eq3A_552 : i32 to vector<16xi32>
      %eq3A_554 = arith.cmpi eq, %iota3A, %eq3A_553 : vector<16xi32>
      tpu.vector_store_idx %arg16[%get3A_510], %broadcast_in_dim3A_28 masked %eq3A_554 {add = true} : memref<10000xf32, #tpu.memory_space<vmem>>[vector<16xi32>], vector<16xf32>, vector<16xi1>
      %eq3A_555 = arith.constant 14 : i32
      %eq3A_556 = vector.broadcast %eq3A_555 : i32 to vector<16xi32>
      %eq3A_557 = arith.cmpi eq, %iota3A, %eq3A_556 : vector<16xi32>
      tpu.vector_store_idx %arg16[%get3A_510], %broadcast_in_dim3A_28 masked %eq3A_557 {add = true} : memref<10000xf32, #tpu.memory_space<vmem>>[vector<16xi32>], vector<16xf32>, vector<16xi1>
      %eq3A_558 = arith.constant 15 : i32
      %eq3A_559 = vector.broadcast %eq3A_558 : i32 to vector<16xi32>
      %eq3A_560 = arith.cmpi eq, %iota3A, %eq3A_559 : vector<16xi32>
      tpu.vector_store_idx %arg16[%get3A_510], %broadcast_in_dim3A_28 masked %eq3A_560 {add = true} : memref<10000xf32, #tpu.memory_space<vmem>>[vector<16xi32>], vector<16xf32>, vector<16xi1>
      %add3A_561 = arith.constant 48 : i32
      %add3A_562 = arith.addi %mul3A_392, %add3A_561 : i32
      %get3A_563 = arith.index_cast %add3A_562 : i32 to index
      %get3A_564 = tpu.vector_load %arg10[%get3A_563] {strides = array<i32>} : memref<2000xi32, #tpu.memory_space<vmem>>, vector<16xi32>,
      %swap3A_565 = arith.constant 16 : index
      %swap3A_566 = tpu.vector_load %arg13[%swap3A_565] {strides = array<i32>} : memref<48xi32, #tpu.memory_space<vmem>>, vector<16xi32>,
      tpu.vector_store %arg13[%swap3A_565], %get3A_564 {strides = array<i32>} : memref<48xi32, #tpu.memory_space<vmem>>, vector<16xi32>,
      %eq3A_567 = arith.constant 0 : i32
      %eq3A_568 = vector.broadcast %eq3A_567 : i32 to vector<16xi32>
      %eq3A_569 = arith.cmpi eq, %iota3A, %eq3A_568 : vector<16xi32>
      tpu.vector_store_idx %arg16[%get3A_564], %broadcast_in_dim3A_28 masked %eq3A_569 {add = true} : memref<10000xf32, #tpu.memory_space<vmem>>[vector<16xi32>], vector<16xf32>, vector<16xi1>
      %eq3A_570 = arith.constant 1 : i32
      %eq3A_571 = vector.broadcast %eq3A_570 : i32 to vector<16xi32>
      %eq3A_572 = arith.cmpi eq, %iota3A, %eq3A_571 : vector<16xi32>
      tpu.vector_store_idx %arg16[%get3A_564], %broadcast_in_dim3A_28 masked %eq3A_572 {add = true} : memref<10000xf32, #tpu.memory_space<vmem>>[vector<16xi32>], vector<16xf32>, vector<16xi1>
      %eq3A_573 = arith.constant 2 : i32
      %eq3A_574 = vector.broadcast %eq3A_573 : i32 to vector<16xi32>
      %eq3A_575 = arith.cmpi eq, %iota3A, %eq3A_574 : vector<16xi32>
      tpu.vector_store_idx %arg16[%get3A_564], %broadcast_in_dim3A_28 masked %eq3A_575 {add = true} : memref<10000xf32, #tpu.memory_space<vmem>>[vector<16xi32>], vector<16xf32>, vector<16xi1>
      %eq3A_576 = arith.constant 3 : i32
      %eq3A_577 = vector.broadcast %eq3A_576 : i32 to vector<16xi32>
      %eq3A_578 = arith.cmpi eq, %iota3A, %eq3A_577 : vector<16xi32>
      tpu.vector_store_idx %arg16[%get3A_564], %broadcast_in_dim3A_28 masked %eq3A_578 {add = true} : memref<10000xf32, #tpu.memory_space<vmem>>[vector<16xi32>], vector<16xf32>, vector<16xi1>
      %eq3A_579 = arith.constant 4 : i32
      %eq3A_580 = vector.broadcast %eq3A_579 : i32 to vector<16xi32>
      %eq3A_581 = arith.cmpi eq, %iota3A, %eq3A_580 : vector<16xi32>
      tpu.vector_store_idx %arg16[%get3A_564], %broadcast_in_dim3A_28 masked %eq3A_581 {add = true} : memref<10000xf32, #tpu.memory_space<vmem>>[vector<16xi32>], vector<16xf32>, vector<16xi1>
      %eq3A_582 = arith.constant 5 : i32
      %eq3A_583 = vector.broadcast %eq3A_582 : i32 to vector<16xi32>
      %eq3A_584 = arith.cmpi eq, %iota3A, %eq3A_583 : vector<16xi32>
      tpu.vector_store_idx %arg16[%get3A_564], %broadcast_in_dim3A_28 masked %eq3A_584 {add = true} : memref<10000xf32, #tpu.memory_space<vmem>>[vector<16xi32>], vector<16xf32>, vector<16xi1>
      %eq3A_585 = arith.constant 6 : i32
      %eq3A_586 = vector.broadcast %eq3A_585 : i32 to vector<16xi32>
      %eq3A_587 = arith.cmpi eq, %iota3A, %eq3A_586 : vector<16xi32>
      tpu.vector_store_idx %arg16[%get3A_564], %broadcast_in_dim3A_28 masked %eq3A_587 {add = true} : memref<10000xf32, #tpu.memory_space<vmem>>[vector<16xi32>], vector<16xf32>, vector<16xi1>
      %eq3A_588 = arith.constant 7 : i32
      %eq3A_589 = vector.broadcast %eq3A_588 : i32 to vector<16xi32>
      %eq3A_590 = arith.cmpi eq, %iota3A, %eq3A_589 : vector<16xi32>
      tpu.vector_store_idx %arg16[%get3A_564], %broadcast_in_dim3A_28 masked %eq3A_590 {add = true} : memref<10000xf32, #tpu.memory_space<vmem>>[vector<16xi32>], vector<16xf32>, vector<16xi1>
      %eq3A_591 = arith.constant 8 : i32
      %eq3A_592 = vector.broadcast %eq3A_591 : i32 to vector<16xi32>
      %eq3A_593 = arith.cmpi eq, %iota3A, %eq3A_592 : vector<16xi32>
      tpu.vector_store_idx %arg16[%get3A_564], %broadcast_in_dim3A_28 masked %eq3A_593 {add = true} : memref<10000xf32, #tpu.memory_space<vmem>>[vector<16xi32>], vector<16xf32>, vector<16xi1>
      %eq3A_594 = arith.constant 9 : i32
      %eq3A_595 = vector.broadcast %eq3A_594 : i32 to vector<16xi32>
      %eq3A_596 = arith.cmpi eq, %iota3A, %eq3A_595 : vector<16xi32>
      tpu.vector_store_idx %arg16[%get3A_564], %broadcast_in_dim3A_28 masked %eq3A_596 {add = true} : memref<10000xf32, #tpu.memory_space<vmem>>[vector<16xi32>], vector<16xf32>, vector<16xi1>
      %eq3A_597 = arith.constant 10 : i32
      %eq3A_598 = vector.broadcast %eq3A_597 : i32 to vector<16xi32>
      %eq3A_599 = arith.cmpi eq, %iota3A, %eq3A_598 : vector<16xi32>
      tpu.vector_store_idx %arg16[%get3A_564], %broadcast_in_dim3A_28 masked %eq3A_599 {add = true} : memref<10000xf32, #tpu.memory_space<vmem>>[vector<16xi32>], vector<16xf32>, vector<16xi1>
      %eq3A_600 = arith.constant 11 : i32
      %eq3A_601 = vector.broadcast %eq3A_600 : i32 to vector<16xi32>
      %eq3A_602 = arith.cmpi eq, %iota3A, %eq3A_601 : vector<16xi32>
      tpu.vector_store_idx %arg16[%get3A_564], %broadcast_in_dim3A_28 masked %eq3A_602 {add = true} : memref<10000xf32, #tpu.memory_space<vmem>>[vector<16xi32>], vector<16xf32>, vector<16xi1>
      %eq3A_603 = arith.constant 12 : i32
      %eq3A_604 = vector.broadcast %eq3A_603 : i32 to vector<16xi32>
      %eq3A_605 = arith.cmpi eq, %iota3A, %eq3A_604 : vector<16xi32>
      tpu.vector_store_idx %arg16[%get3A_564], %broadcast_in_dim3A_28 masked %eq3A_605 {add = true} : memref<10000xf32, #tpu.memory_space<vmem>>[vector<16xi32>], vector<16xf32>, vector<16xi1>
      %eq3A_606 = arith.constant 13 : i32
      %eq3A_607 = vector.broadcast %eq3A_606 : i32 to vector<16xi32>
      %eq3A_608 = arith.cmpi eq, %iota3A, %eq3A_607 : vector<16xi32>
      tpu.vector_store_idx %arg16[%get3A_564], %broadcast_in_dim3A_28 masked %eq3A_608 {add = true} : memref<10000xf32, #tpu.memory_space<vmem>>[vector<16xi32>], vector<16xf32>, vector<16xi1>
      %eq3A_609 = arith.constant 14 : i32
      %eq3A_610 = vector.broadcast %eq3A_609 : i32 to vector<16xi32>
      %eq3A_611 = arith.cmpi eq, %iota3A, %eq3A_610 : vector<16xi32>
      tpu.vector_store_idx %arg16[%get3A_564], %broadcast_in_dim3A_28 masked %eq3A_611 {add = true} : memref<10000xf32, #tpu.memory_space<vmem>>[vector<16xi32>], vector<16xf32>, vector<16xi1>
      %eq3A_612 = arith.constant 15 : i32
      %eq3A_613 = vector.broadcast %eq3A_612 : i32 to vector<16xi32>
      %eq3A_614 = arith.cmpi eq, %iota3A, %eq3A_613 : vector<16xi32>
      tpu.vector_store_idx %arg16[%get3A_564], %broadcast_in_dim3A_28 masked %eq3A_614 {add = true} : memref<10000xf32, #tpu.memory_space<vmem>>[vector<16xi32>], vector<16xf32>, vector<16xi1>
      %add3A_615 = arith.constant 64 : i32
      %add3A_616 = arith.addi %mul3A_392, %add3A_615 : i32
      %get3A_617 = arith.index_cast %add3A_616 : i32 to index
      %get3A_618 = tpu.vector_load %arg10[%get3A_617] {strides = array<i32>} : memref<2000xi32, #tpu.memory_space<vmem>>, vector<16xi32>,
      %swap3A_619 = arith.constant 32 : index
      %swap3A_620 = tpu.vector_load %arg13[%swap3A_619] {strides = array<i32>} : memref<48xi32, #tpu.memory_space<vmem>>, vector<16xi32>,
      tpu.vector_store %arg13[%swap3A_619], %get3A_618 {strides = array<i32>} : memref<48xi32, #tpu.memory_space<vmem>>, vector<16xi32>,
      %eq3A_621 = arith.constant 0 : i32
      %eq3A_622 = vector.broadcast %eq3A_621 : i32 to vector<16xi32>
      %eq3A_623 = arith.cmpi eq, %iota3A, %eq3A_622 : vector<16xi32>
      tpu.vector_store_idx %arg16[%get3A_618], %broadcast_in_dim3A_28 masked %eq3A_623 {add = true} : memref<10000xf32, #tpu.memory_space<vmem>>[vector<16xi32>], vector<16xf32>, vector<16xi1>
      %eq3A_624 = arith.constant 1 : i32
      %eq3A_625 = vector.broadcast %eq3A_624 : i32 to vector<16xi32>
      %eq3A_626 = arith.cmpi eq, %iota3A, %eq3A_625 : vector<16xi32>
      tpu.vector_store_idx %arg16[%get3A_618], %broadcast_in_dim3A_28 masked %eq3A_626 {add = true} : memref<10000xf32, #tpu.memory_space<vmem>>[vector<16xi32>], vector<16xf32>, vector<16xi1>
      %eq3A_627 = arith.constant 2 : i32
      %eq3A_628 = vector.broadcast %eq3A_627 : i32 to vector<16xi32>
      %eq3A_629 = arith.cmpi eq, %iota3A, %eq3A_628 : vector<16xi32>
      tpu.vector_store_idx %arg16[%get3A_618], %broadcast_in_dim3A_28 masked %eq3A_629 {add = true} : memref<10000xf32, #tpu.memory_space<vmem>>[vector<16xi32>], vector<16xf32>, vector<16xi1>
      %eq3A_630 = arith.constant 3 : i32
      %eq3A_631 = vector.broadcast %eq3A_630 : i32 to vector<16xi32>
      %eq3A_632 = arith.cmpi eq, %iota3A, %eq3A_631 : vector<16xi32>
      tpu.vector_store_idx %arg16[%get3A_618], %broadcast_in_dim3A_28 masked %eq3A_632 {add = true} : memref<10000xf32, #tpu.memory_space<vmem>>[vector<16xi32>], vector<16xf32>, vector<16xi1>
      %eq3A_633 = arith.constant 4 : i32
      %eq3A_634 = vector.broadcast %eq3A_633 : i32 to vector<16xi32>
      %eq3A_635 = arith.cmpi eq, %iota3A, %eq3A_634 : vector<16xi32>
      tpu.vector_store_idx %arg16[%get3A_618], %broadcast_in_dim3A_28 masked %eq3A_635 {add = true} : memref<10000xf32, #tpu.memory_space<vmem>>[vector<16xi32>], vector<16xf32>, vector<16xi1>
      %eq3A_636 = arith.constant 5 : i32
      %eq3A_637 = vector.broadcast %eq3A_636 : i32 to vector<16xi32>
      %eq3A_638 = arith.cmpi eq, %iota3A, %eq3A_637 : vector<16xi32>
      tpu.vector_store_idx %arg16[%get3A_618], %broadcast_in_dim3A_28 masked %eq3A_638 {add = true} : memref<10000xf32, #tpu.memory_space<vmem>>[vector<16xi32>], vector<16xf32>, vector<16xi1>
      %eq3A_639 = arith.constant 6 : i32
      %eq3A_640 = vector.broadcast %eq3A_639 : i32 to vector<16xi32>
      %eq3A_641 = arith.cmpi eq, %iota3A, %eq3A_640 : vector<16xi32>
      tpu.vector_store_idx %arg16[%get3A_618], %broadcast_in_dim3A_28 masked %eq3A_641 {add = true} : memref<10000xf32, #tpu.memory_space<vmem>>[vector<16xi32>], vector<16xf32>, vector<16xi1>
      %eq3A_642 = arith.constant 7 : i32
      %eq3A_643 = vector.broadcast %eq3A_642 : i32 to vector<16xi32>
      %eq3A_644 = arith.cmpi eq, %iota3A, %eq3A_643 : vector<16xi32>
      tpu.vector_store_idx %arg16[%get3A_618], %broadcast_in_dim3A_28 masked %eq3A_644 {add = true} : memref<10000xf32, #tpu.memory_space<vmem>>[vector<16xi32>], vector<16xf32>, vector<16xi1>
      %eq3A_645 = arith.constant 8 : i32
      %eq3A_646 = vector.broadcast %eq3A_645 : i32 to vector<16xi32>
      %eq3A_647 = arith.cmpi eq, %iota3A, %eq3A_646 : vector<16xi32>
      tpu.vector_store_idx %arg16[%get3A_618], %broadcast_in_dim3A_28 masked %eq3A_647 {add = true} : memref<10000xf32, #tpu.memory_space<vmem>>[vector<16xi32>], vector<16xf32>, vector<16xi1>
      %eq3A_648 = arith.constant 9 : i32
      %eq3A_649 = vector.broadcast %eq3A_648 : i32 to vector<16xi32>
      %eq3A_650 = arith.cmpi eq, %iota3A, %eq3A_649 : vector<16xi32>
      tpu.vector_store_idx %arg16[%get3A_618], %broadcast_in_dim3A_28 masked %eq3A_650 {add = true} : memref<10000xf32, #tpu.memory_space<vmem>>[vector<16xi32>], vector<16xf32>, vector<16xi1>
      %eq3A_651 = arith.constant 10 : i32
      %eq3A_652 = vector.broadcast %eq3A_651 : i32 to vector<16xi32>
      %eq3A_653 = arith.cmpi eq, %iota3A, %eq3A_652 : vector<16xi32>
      tpu.vector_store_idx %arg16[%get3A_618], %broadcast_in_dim3A_28 masked %eq3A_653 {add = true} : memref<10000xf32, #tpu.memory_space<vmem>>[vector<16xi32>], vector<16xf32>, vector<16xi1>
      %eq3A_654 = arith.constant 11 : i32
      %eq3A_655 = vector.broadcast %eq3A_654 : i32 to vector<16xi32>
      %eq3A_656 = arith.cmpi eq, %iota3A, %eq3A_655 : vector<16xi32>
      tpu.vector_store_idx %arg16[%get3A_618], %broadcast_in_dim3A_28 masked %eq3A_656 {add = true} : memref<10000xf32, #tpu.memory_space<vmem>>[vector<16xi32>], vector<16xf32>, vector<16xi1>
      %eq3A_657 = arith.constant 12 : i32
      %eq3A_658 = vector.broadcast %eq3A_657 : i32 to vector<16xi32>
      %eq3A_659 = arith.cmpi eq, %iota3A, %eq3A_658 : vector<16xi32>
      tpu.vector_store_idx %arg16[%get3A_618], %broadcast_in_dim3A_28 masked %eq3A_659 {add = true} : memref<10000xf32, #tpu.memory_space<vmem>>[vector<16xi32>], vector<16xf32>, vector<16xi1>
      %eq3A_660 = arith.constant 13 : i32
      %eq3A_661 = vector.broadcast %eq3A_660 : i32 to vector<16xi32>
      %eq3A_662 = arith.cmpi eq, %iota3A, %eq3A_661 : vector<16xi32>
      tpu.vector_store_idx %arg16[%get3A_618], %broadcast_in_dim3A_28 masked %eq3A_662 {add = true} : memref<10000xf32, #tpu.memory_space<vmem>>[vector<16xi32>], vector<16xf32>, vector<16xi1>
      %eq3A_663 = arith.constant 14 : i32
      %eq3A_664 = vector.broadcast %eq3A_663 : i32 to vector<16xi32>
      %eq3A_665 = arith.cmpi eq, %iota3A, %eq3A_664 : vector<16xi32>
      tpu.vector_store_idx %arg16[%get3A_618], %broadcast_in_dim3A_28 masked %eq3A_665 {add = true} : memref<10000xf32, #tpu.memory_space<vmem>>[vector<16xi32>], vector<16xf32>, vector<16xi1>
      %eq3A_666 = arith.constant 15 : i32
      %eq3A_667 = vector.broadcast %eq3A_666 : i32 to vector<16xi32>
      %eq3A_668 = arith.cmpi eq, %iota3A, %eq3A_667 : vector<16xi32>
      tpu.vector_store_idx %arg16[%get3A_618], %broadcast_in_dim3A_28 masked %eq3A_668 {add = true} : memref<10000xf32, #tpu.memory_space<vmem>>[vector<16xi32>], vector<16xf32>, vector<16xi1>
      %add3A_669 = arith.constant 1 : i32
      %add3A_670 = arith.addi %scan3A_385, %add3A_669 : i32
      %rem3A_671 = arith.constant 25 : i32
      %rem3A_672 = arith.remsi %add3A_670, %rem3A_671 : i32
      %eq3A_673 = arith.constant 0 : i32
      %eq3A_674 = arith.cmpi eq, %rem3A_672, %eq3A_673 : i32
      %convert_element_type3A_675 = arith.extui %eq3A_674 : i1 to i32
      %cond3A_676 = arith.constant 0 : i32
      %cond3A_677 = arith.cmpi ne, %convert_element_type3A_675, %cond3A_676 : i32
      scf.if %cond3A_677 {
        %add3A_740 = arith.constant 1 : i32
        %add3A_741 = arith.addi %scan3A_385, %add3A_740 : i32
        %jit3A = arith.constant 25 : i32
        %div3A = arith.divsi %add3A_741, %jit3A : i32
        %sign3A = arith.constant 0 : i32
        %sign3A_742 = arith.cmpi sgt, %add3A_741, %sign3A : i32
        %sign3A_743 = arith.extui %sign3A_742 : i1 to i32
        %sign3A_744 = arith.constant 0 : i32
        %sign3A_745 = arith.cmpi slt, %add3A_741, %sign3A_744 : i32
        %sign3A_746 = arith.extui %sign3A_745 : i1 to i32
        %sign3A_747 = arith.subi %sign3A_743, %sign3A_746 : i32
        %sign3A_748 = arith.constant 0 : i32
        %sign3A_749 = arith.cmpi sgt, %jit3A, %sign3A_748 : i32
        %sign3A_750 = arith.extui %sign3A_749 : i1 to i32
        %sign3A_751 = arith.constant 0 : i32
        %sign3A_752 = arith.cmpi slt, %jit3A, %sign3A_751 : i32
        %sign3A_753 = arith.extui %sign3A_752 : i1 to i32
        %sign3A_754 = arith.subi %sign3A_750, %sign3A_753 : i32
        %ne3A = arith.cmpi ne, %sign3A_747, %sign3A_754 : i32
        %rem3A_755 = arith.remsi %add3A_741, %jit3A : i32
        %ne3A_756 = arith.constant 0 : i32
        %ne3A_757 = arith.cmpi ne, %rem3A_755, %ne3A_756 : i32
        %and3A = arith.andi %ne3A, %ne3A_757 : i1
        %sub3A_758 = arith.constant 1 : i32
        %sub3A_759 = arith.subi %div3A, %sub3A_758 : i32
        %select_n3A_760 = arith.select %and3A, %sub3A_759, %div3A : i32
        %mul3A_761 = arith.constant 10000 : i32
        %mul3A_762 = arith.muli %add3A, %mul3A_761 : i32
        %mul3A_763 = arith.constant 25 : i32
        %mul3A_764 = arith.muli %select_n3A_760, %mul3A_763 : i32
        %mul3A_765 = arith.constant 80 : i32
        %mul3A_766 = arith.muli %mul3A_764, %mul3A_765 : i32
        %add3A_767 = arith.addi %mul3A_762, %mul3A_766 : i32
        %dma_start3A_768 = tpu.memref_slice %arg4[%add3A_767] : memref<960000xi32, #tpu.memory_space<hbm>> -> memref<2000xi32, #tpu.memory_space<hbm>>
        %dma_start3A_769 = tpu.memref_slice %arg4[%add3A_767] : memref<960000xi32, #tpu.memory_space<hbm>> -> memref<2000xi32, #tpu.memory_space<hbm>>
        tpu.enqueue_dma source(%dma_start3A_769 : memref<2000xi32, #tpu.memory_space<hbm>>) target(%arg9 : memref<2000xi32, #tpu.memory_space<vmem>>) target_semaphore(%arg19 : memref<!tpu.dma_semaphore, #tpu.memory_space<semaphore_mem>>)
        %add3A_770 = arith.constant 320000 : i32
        %add3A_771 = arith.addi %add3A_770, %add3A_767 : i32
        %dma_start3A_772 = tpu.memref_slice %arg4[%add3A_771] : memref<960000xi32, #tpu.memory_space<hbm>> -> memref<2000xi32, #tpu.memory_space<hbm>>
        %dma_start3A_773 = tpu.memref_slice %arg4[%add3A_771] : memref<960000xi32, #tpu.memory_space<hbm>> -> memref<2000xi32, #tpu.memory_space<hbm>>
        tpu.enqueue_dma source(%dma_start3A_773 : memref<2000xi32, #tpu.memory_space<hbm>>) target(%arg10 : memref<2000xi32, #tpu.memory_space<vmem>>) target_semaphore(%arg19 : memref<!tpu.dma_semaphore, #tpu.memory_space<semaphore_mem>>)
        %add3A_774 = arith.constant 640000 : i32
        %add3A_775 = arith.addi %add3A_774, %add3A_767 : i32
        %dma_start3A_776 = tpu.memref_slice %arg4[%add3A_775] : memref<960000xi32, #tpu.memory_space<hbm>> -> memref<2000xi32, #tpu.memory_space<hbm>>
        %dma_start3A_777 = tpu.memref_slice %arg4[%add3A_775] : memref<960000xi32, #tpu.memory_space<hbm>> -> memref<2000xi32, #tpu.memory_space<hbm>>
        tpu.enqueue_dma source(%dma_start3A_777 : memref<2000xi32, #tpu.memory_space<hbm>>) target(%arg11 : memref<2000xi32, #tpu.memory_space<vmem>>) target_semaphore(%arg19 : memref<!tpu.dma_semaphore, #tpu.memory_space<semaphore_mem>>)
        %dma_wait3A_778 = tpu.memref_slice %arg4[%add3A_767] : memref<960000xi32, #tpu.memory_space<hbm>> -> memref<2000xi32, #tpu.memory_space<hbm>>
        %dma_wait3A_779 = tpu.memref_slice %arg4[%add3A_767] : memref<960000xi32, #tpu.memory_space<hbm>> -> memref<2000xi32, #tpu.memory_space<hbm>>
        tpu.wait_dma2 semaphore(%arg19 : memref<!tpu.dma_semaphore, #tpu.memory_space<semaphore_mem>>) src(%dma_wait3A_779 : memref<2000xi32, #tpu.memory_space<hbm>>) dst(%arg9 : memref<2000xi32, #tpu.memory_space<vmem>>)
        %dma_wait3A_780 = tpu.memref_slice %arg4[%add3A_771] : memref<960000xi32, #tpu.memory_space<hbm>> -> memref<2000xi32, #tpu.memory_space<hbm>>
        %dma_wait3A_781 = tpu.memref_slice %arg4[%add3A_771] : memref<960000xi32, #tpu.memory_space<hbm>> -> memref<2000xi32, #tpu.memory_space<hbm>>
        tpu.wait_dma2 semaphore(%arg19 : memref<!tpu.dma_semaphore, #tpu.memory_space<semaphore_mem>>) src(%dma_wait3A_781 : memref<2000xi32, #tpu.memory_space<hbm>>) dst(%arg10 : memref<2000xi32, #tpu.memory_space<vmem>>)
        %dma_wait3A_782 = tpu.memref_slice %arg4[%add3A_775] : memref<960000xi32, #tpu.memory_space<hbm>> -> memref<2000xi32, #tpu.memory_space<hbm>>
        %dma_wait3A_783 = tpu.memref_slice %arg4[%add3A_775] : memref<960000xi32, #tpu.memory_space<hbm>> -> memref<2000xi32, #tpu.memory_space<hbm>>
        tpu.wait_dma2 semaphore(%arg19 : memref<!tpu.dma_semaphore, #tpu.memory_space<semaphore_mem>>) src(%dma_wait3A_783 : memref<2000xi32, #tpu.memory_space<hbm>>) dst(%arg11 : memref<2000xi32, #tpu.memory_space<vmem>>)
      } else {
      }
      %dma_start3A_678 = arith.constant 0 : i32
      %dma_start3A_679 = arith.constant 0 : i32
      %dma_start3A_680 = tpu.memref_slice %arg14[%sub3A_388, %dma_start3A_678, %dma_start3A_679] : memref<2x80x128xf32, #tpu.memory_space<vmem>> -> memref<1x80x128xf32, #tpu.memory_space<vmem>>
      %dma_start3A_681 = tpu.memref_squeeze %dma_start3A_680 : memref<1x80x128xf32, #tpu.memory_space<vmem>> -> memref<80x128xf32, #tpu.memory_space<vmem>>
      %dma_start3A_682 = tpu.memref_slice %arg9[%mul3A_398] : memref<2000xi32, #tpu.memory_space<vmem>> -> memref<80xi32, #tpu.memory_space<vmem>>
      %dma_start3A_683 = arith.constant 0 : i32
      %dma_start3A_684 = arith.constant 0 : i32
      %dma_start3A_685 = tpu.memref_slice %arg2[%dma_start3A_683, %dma_start3A_684] : memref<10000x128xf32, #tpu.memory_space<hbm>> -> memref<10000x128xf32, #tpu.memory_space<hbm>>
      %dma_start3A_686 = tpu.memref_slice %arg17[%sub3A_388] : memref<2x!tpu.dma_semaphore, #tpu.memory_space<semaphore_mem>> -> memref<1x!tpu.dma_semaphore, #tpu.memory_space<semaphore_mem>>
      %dma_start3A_687 = tpu.memref_squeeze %dma_start3A_686 : memref<1x!tpu.dma_semaphore, #tpu.memory_space<semaphore_mem>> -> memref<!tpu.dma_semaphore, #tpu.memory_space<semaphore_mem>>
      tpu.enqueue_indirect_dma source(%dma_start3A_685 : memref<10000x128xf32, #tpu.memory_space<hbm>>) target(%dma_start3A_681 : memref<80x128xf32, #tpu.memory_space<vmem>>) offsets(%dma_start3A_682 : memref<80xi32, #tpu.memory_space<vmem>>) semaphore(%dma_start3A_687 : memref<!tpu.dma_semaphore, #tpu.memory_space<semaphore_mem>>)
      %parallel_loop3A_688 = arith.constant 0 : i32
      %parallel_loop3A_689 = arith.constant 32 : i32
      %parallel_loop3A_690 = arith.constant 1 : i32
      scf.for %parallel_loop3A_740 = %parallel_loop3A_688 to %parallel_loop3A_689 step %parallel_loop3A_690  : i32 {
        %parallel_loop3A_741 = arith.index_cast %rem3A_387 : i32 to index
        %parallel_loop3A_742 = arith.index_cast %parallel_loop3A_740 : i32 to index
        %parallel_loop3A_743 = arith.constant 0 : index
        %parallel_loop3A_744 = tpu.vector_load %arg14[%parallel_loop3A_741, %parallel_loop3A_742, %parallel_loop3A_743] {strides = array<i32>} : memref<2x80x128xf32, #tpu.memory_space<vmem>>, vector<16xf32>,
        %parallel_loop3A_745 = arith.index_cast %parallel_loop3A_740 : i32 to index
        %parallel_loop3A_746 = arith.constant 0 : index
        %parallel_loop3A_747 = tpu.vector_load %arg15[%parallel_loop3A_745, %parallel_loop3A_746] {strides = array<i32>} : memref<80x128xf32, #tpu.memory_space<vmem>>, vector<16xf32>,
        %parallel_loop3A_748 = arith.addf %parallel_loop3A_744, %parallel_loop3A_747 : vector<16xf32>
        %parallel_loop3A_749 = arith.constant 0.000000e+00 : f32
        %parallel_loop3A_750 = vector.broadcast %parallel_loop3A_749 : f32 to vector<16xf32>
        %parallel_loop3A_751 = arith.maximumf %parallel_loop3A_748, %parallel_loop3A_750 : vector<16xf32>
        %parallel_loop3A_752 = arith.index_cast %rem3A_387 : i32 to index
        %parallel_loop3A_753 = arith.index_cast %parallel_loop3A_740 : i32 to index
        %parallel_loop3A_754 = arith.constant 0 : index
        %parallel_loop3A_755 = tpu.vector_load %arg14[%parallel_loop3A_752, %parallel_loop3A_753, %parallel_loop3A_754] {strides = array<i32>} : memref<2x80x128xf32, #tpu.memory_space<vmem>>, vector<16xf32>,
        tpu.vector_store %arg14[%parallel_loop3A_752, %parallel_loop3A_753, %parallel_loop3A_754], %parallel_loop3A_751 {strides = array<i32>} : memref<2x80x128xf32, #tpu.memory_space<vmem>>, vector<16xf32>,
        %parallel_loop3A_756 = arith.index_cast %rem3A_387 : i32 to index
        %parallel_loop3A_757 = arith.index_cast %parallel_loop3A_740 : i32 to index
        %parallel_loop3A_758 = arith.constant 16 : index
        %parallel_loop3A_759 = tpu.vector_load %arg14[%parallel_loop3A_756, %parallel_loop3A_757, %parallel_loop3A_758] {strides = array<i32>} : memref<2x80x128xf32, #tpu.memory_space<vmem>>, vector<16xf32>,
        %parallel_loop3A_760 = arith.index_cast %parallel_loop3A_740 : i32 to index
        %parallel_loop3A_761 = arith.constant 16 : index
        %parallel_loop3A_762 = tpu.vector_load %arg15[%parallel_loop3A_760, %parallel_loop3A_761] {strides = array<i32>} : memref<80x128xf32, #tpu.memory_space<vmem>>, vector<16xf32>,
        %parallel_loop3A_763 = arith.addf %parallel_loop3A_759, %parallel_loop3A_762 : vector<16xf32>
        %parallel_loop3A_764 = arith.constant 0.000000e+00 : f32
        %parallel_loop3A_765 = vector.broadcast %parallel_loop3A_764 : f32 to vector<16xf32>
        %parallel_loop3A_766 = arith.maximumf %parallel_loop3A_763, %parallel_loop3A_765 : vector<16xf32>
        %parallel_loop3A_767 = arith.index_cast %rem3A_387 : i32 to index
        %parallel_loop3A_768 = arith.index_cast %parallel_loop3A_740 : i32 to index
        %parallel_loop3A_769 = arith.constant 16 : index
        %parallel_loop3A_770 = tpu.vector_load %arg14[%parallel_loop3A_767, %parallel_loop3A_768, %parallel_loop3A_769] {strides = array<i32>} : memref<2x80x128xf32, #tpu.memory_space<vmem>>, vector<16xf32>,
        tpu.vector_store %arg14[%parallel_loop3A_767, %parallel_loop3A_768, %parallel_loop3A_769], %parallel_loop3A_766 {strides = array<i32>} : memref<2x80x128xf32, #tpu.memory_space<vmem>>, vector<16xf32>,
        %parallel_loop3A_771 = arith.index_cast %rem3A_387 : i32 to index
        %parallel_loop3A_772 = arith.index_cast %parallel_loop3A_740 : i32 to index
        %parallel_loop3A_773 = arith.constant 32 : index
        %parallel_loop3A_774 = tpu.vector_load %arg14[%parallel_loop3A_771, %parallel_loop3A_772, %parallel_loop3A_773] {strides = array<i32>} : memref<2x80x128xf32, #tpu.memory_space<vmem>>, vector<16xf32>,
        %parallel_loop3A_775 = arith.index_cast %parallel_loop3A_740 : i32 to index
        %parallel_loop3A_776 = arith.constant 32 : index
        %parallel_loop3A_777 = tpu.vector_load %arg15[%parallel_loop3A_775, %parallel_loop3A_776] {strides = array<i32>} : memref<80x128xf32, #tpu.memory_space<vmem>>, vector<16xf32>,
        %parallel_loop3A_778 = arith.addf %parallel_loop3A_774, %parallel_loop3A_777 : vector<16xf32>
        %parallel_loop3A_779 = arith.constant 0.000000e+00 : f32
        %parallel_loop3A_780 = vector.broadcast %parallel_loop3A_779 : f32 to vector<16xf32>
        %parallel_loop3A_781 = arith.maximumf %parallel_loop3A_778, %parallel_loop3A_780 : vector<16xf32>
        %parallel_loop3A_782 = arith.index_cast %rem3A_387 : i32 to index
        %parallel_loop3A_783 = arith.index_cast %parallel_loop3A_740 : i32 to index
        %parallel_loop3A_784 = arith.constant 32 : index
        %parallel_loop3A_785 = tpu.vector_load %arg14[%parallel_loop3A_782, %parallel_loop3A_783, %parallel_loop3A_784] {strides = array<i32>} : memref<2x80x128xf32, #tpu.memory_space<vmem>>, vector<16xf32>,
        tpu.vector_store %arg14[%parallel_loop3A_782, %parallel_loop3A_783, %parallel_loop3A_784], %parallel_loop3A_781 {strides = array<i32>} : memref<2x80x128xf32, #tpu.memory_space<vmem>>, vector<16xf32>,
        %parallel_loop3A_786 = arith.index_cast %rem3A_387 : i32 to index
        %parallel_loop3A_787 = arith.index_cast %parallel_loop3A_740 : i32 to index
        %parallel_loop3A_788 = arith.constant 48 : index
        %parallel_loop3A_789 = tpu.vector_load %arg14[%parallel_loop3A_786, %parallel_loop3A_787, %parallel_loop3A_788] {strides = array<i32>} : memref<2x80x128xf32, #tpu.memory_space<vmem>>, vector<16xf32>,
        %parallel_loop3A_790 = arith.index_cast %parallel_loop3A_740 : i32 to index
        %parallel_loop3A_791 = arith.constant 48 : index
        %parallel_loop3A_792 = tpu.vector_load %arg15[%parallel_loop3A_790, %parallel_loop3A_791] {strides = array<i32>} : memref<80x128xf32, #tpu.memory_space<vmem>>, vector<16xf32>,
        %parallel_loop3A_793 = arith.addf %parallel_loop3A_789, %parallel_loop3A_792 : vector<16xf32>
        %parallel_loop3A_794 = arith.constant 0.000000e+00 : f32
        %parallel_loop3A_795 = vector.broadcast %parallel_loop3A_794 : f32 to vector<16xf32>
        %parallel_loop3A_796 = arith.maximumf %parallel_loop3A_793, %parallel_loop3A_795 : vector<16xf32>
        %parallel_loop3A_797 = arith.index_cast %rem3A_387 : i32 to index
        %parallel_loop3A_798 = arith.index_cast %parallel_loop3A_740 : i32 to index
        %parallel_loop3A_799 = arith.constant 48 : index
        %parallel_loop3A_800 = tpu.vector_load %arg14[%parallel_loop3A_797, %parallel_loop3A_798, %parallel_loop3A_799] {strides = array<i32>} : memref<2x80x128xf32, #tpu.memory_space<vmem>>, vector<16xf32>,
        tpu.vector_store %arg14[%parallel_loop3A_797, %parallel_loop3A_798, %parallel_loop3A_799], %parallel_loop3A_796 {strides = array<i32>} : memref<2x80x128xf32, #tpu.memory_space<vmem>>, vector<16xf32>,
        %parallel_loop3A_801 = arith.index_cast %rem3A_387 : i32 to index
        %parallel_loop3A_802 = arith.index_cast %parallel_loop3A_740 : i32 to index
        %parallel_loop3A_803 = arith.constant 64 : index
        %parallel_loop3A_804 = tpu.vector_load %arg14[%parallel_loop3A_801, %parallel_loop3A_802, %parallel_loop3A_803] {strides = array<i32>} : memref<2x80x128xf32, #tpu.memory_space<vmem>>, vector<16xf32>,
        %parallel_loop3A_805 = arith.index_cast %parallel_loop3A_740 : i32 to index
        %parallel_loop3A_806 = arith.constant 64 : index
        %parallel_loop3A_807 = tpu.vector_load %arg15[%parallel_loop3A_805, %parallel_loop3A_806] {strides = array<i32>} : memref<80x128xf32, #tpu.memory_space<vmem>>, vector<16xf32>,
        %parallel_loop3A_808 = arith.addf %parallel_loop3A_804, %parallel_loop3A_807 : vector<16xf32>
        %parallel_loop3A_809 = arith.constant 0.000000e+00 : f32
        %parallel_loop3A_810 = vector.broadcast %parallel_loop3A_809 : f32 to vector<16xf32>
        %parallel_loop3A_811 = arith.maximumf %parallel_loop3A_808, %parallel_loop3A_810 : vector<16xf32>
        %parallel_loop3A_812 = arith.index_cast %rem3A_387 : i32 to index
        %parallel_loop3A_813 = arith.index_cast %parallel_loop3A_740 : i32 to index
        %parallel_loop3A_814 = arith.constant 64 : index
        %parallel_loop3A_815 = tpu.vector_load %arg14[%parallel_loop3A_812, %parallel_loop3A_813, %parallel_loop3A_814] {strides = array<i32>} : memref<2x80x128xf32, #tpu.memory_space<vmem>>, vector<16xf32>,
        tpu.vector_store %arg14[%parallel_loop3A_812, %parallel_loop3A_813, %parallel_loop3A_814], %parallel_loop3A_811 {strides = array<i32>} : memref<2x80x128xf32, #tpu.memory_space<vmem>>, vector<16xf32>,
        %parallel_loop3A_816 = arith.index_cast %rem3A_387 : i32 to index
        %parallel_loop3A_817 = arith.index_cast %parallel_loop3A_740 : i32 to index
        %parallel_loop3A_818 = arith.constant 80 : index
        %parallel_loop3A_819 = tpu.vector_load %arg14[%parallel_loop3A_816, %parallel_loop3A_817, %parallel_loop3A_818] {strides = array<i32>} : memref<2x80x128xf32, #tpu.memory_space<vmem>>, vector<16xf32>,
        %parallel_loop3A_820 = arith.index_cast %parallel_loop3A_740 : i32 to index
        %parallel_loop3A_821 = arith.constant 80 : index
        %parallel_loop3A_822 = tpu.vector_load %arg15[%parallel_loop3A_820, %parallel_loop3A_821] {strides = array<i32>} : memref<80x128xf32, #tpu.memory_space<vmem>>, vector<16xf32>,
        %parallel_loop3A_823 = arith.addf %parallel_loop3A_819, %parallel_loop3A_822 : vector<16xf32>
        %parallel_loop3A_824 = arith.constant 0.000000e+00 : f32
        %parallel_loop3A_825 = vector.broadcast %parallel_loop3A_824 : f32 to vector<16xf32>
        %parallel_loop3A_826 = arith.maximumf %parallel_loop3A_823, %parallel_loop3A_825 : vector<16xf32>
        %parallel_loop3A_827 = arith.index_cast %rem3A_387 : i32 to index
        %parallel_loop3A_828 = arith.index_cast %parallel_loop3A_740 : i32 to index
        %parallel_loop3A_829 = arith.constant 80 : index
        %parallel_loop3A_830 = tpu.vector_load %arg14[%parallel_loop3A_827, %parallel_loop3A_828, %parallel_loop3A_829] {strides = array<i32>} : memref<2x80x128xf32, #tpu.memory_space<vmem>>, vector<16xf32>,
        tpu.vector_store %arg14[%parallel_loop3A_827, %parallel_loop3A_828, %parallel_loop3A_829], %parallel_loop3A_826 {strides = array<i32>} : memref<2x80x128xf32, #tpu.memory_space<vmem>>, vector<16xf32>,
        %parallel_loop3A_831 = arith.index_cast %rem3A_387 : i32 to index
        %parallel_loop3A_832 = arith.index_cast %parallel_loop3A_740 : i32 to index
        %parallel_loop3A_833 = arith.constant 96 : index
        %parallel_loop3A_834 = tpu.vector_load %arg14[%parallel_loop3A_831, %parallel_loop3A_832, %parallel_loop3A_833] {strides = array<i32>} : memref<2x80x128xf32, #tpu.memory_space<vmem>>, vector<16xf32>,
        %parallel_loop3A_835 = arith.index_cast %parallel_loop3A_740 : i32 to index
        %parallel_loop3A_836 = arith.constant 96 : index
        %parallel_loop3A_837 = tpu.vector_load %arg15[%parallel_loop3A_835, %parallel_loop3A_836] {strides = array<i32>} : memref<80x128xf32, #tpu.memory_space<vmem>>, vector<16xf32>,
        %parallel_loop3A_838 = arith.addf %parallel_loop3A_834, %parallel_loop3A_837 : vector<16xf32>
        %parallel_loop3A_839 = arith.constant 0.000000e+00 : f32
        %parallel_loop3A_840 = vector.broadcast %parallel_loop3A_839 : f32 to vector<16xf32>
        %parallel_loop3A_841 = arith.maximumf %parallel_loop3A_838, %parallel_loop3A_840 : vector<16xf32>
        %parallel_loop3A_842 = arith.index_cast %rem3A_387 : i32 to index
        %parallel_loop3A_843 = arith.index_cast %parallel_loop3A_740 : i32 to index
        %parallel_loop3A_844 = arith.constant 96 : index
        %parallel_loop3A_845 = tpu.vector_load %arg14[%parallel_loop3A_842, %parallel_loop3A_843, %parallel_loop3A_844] {strides = array<i32>} : memref<2x80x128xf32, #tpu.memory_space<vmem>>, vector<16xf32>,
        tpu.vector_store %arg14[%parallel_loop3A_842, %parallel_loop3A_843, %parallel_loop3A_844], %parallel_loop3A_841 {strides = array<i32>} : memref<2x80x128xf32, #tpu.memory_space<vmem>>, vector<16xf32>,
        %parallel_loop3A_846 = arith.index_cast %rem3A_387 : i32 to index
        %parallel_loop3A_847 = arith.index_cast %parallel_loop3A_740 : i32 to index
        %parallel_loop3A_848 = arith.constant 112 : index
        %parallel_loop3A_849 = tpu.vector_load %arg14[%parallel_loop3A_846, %parallel_loop3A_847, %parallel_loop3A_848] {strides = array<i32>} : memref<2x80x128xf32, #tpu.memory_space<vmem>>, vector<16xf32>,
        %parallel_loop3A_850 = arith.index_cast %parallel_loop3A_740 : i32 to index
        %parallel_loop3A_851 = arith.constant 112 : index
        %parallel_loop3A_852 = tpu.vector_load %arg15[%parallel_loop3A_850, %parallel_loop3A_851] {strides = array<i32>} : memref<80x128xf32, #tpu.memory_space<vmem>>, vector<16xf32>,
        %parallel_loop3A_853 = arith.addf %parallel_loop3A_849, %parallel_loop3A_852 : vector<16xf32>
        %parallel_loop3A_854 = arith.constant 0.000000e+00 : f32
        %parallel_loop3A_855 = vector.broadcast %parallel_loop3A_854 : f32 to vector<16xf32>
        %parallel_loop3A_856 = arith.maximumf %parallel_loop3A_853, %parallel_loop3A_855 : vector<16xf32>
        %parallel_loop3A_857 = arith.index_cast %rem3A_387 : i32 to index
        %parallel_loop3A_858 = arith.index_cast %parallel_loop3A_740 : i32 to index
        %parallel_loop3A_859 = arith.constant 112 : index
        %parallel_loop3A_860 = tpu.vector_load %arg14[%parallel_loop3A_857, %parallel_loop3A_858, %parallel_loop3A_859] {strides = array<i32>} : memref<2x80x128xf32, #tpu.memory_space<vmem>>, vector<16xf32>,
        tpu.vector_store %arg14[%parallel_loop3A_857, %parallel_loop3A_858, %parallel_loop3A_859], %parallel_loop3A_856 {strides = array<i32>} : memref<2x80x128xf32, #tpu.memory_space<vmem>>, vector<16xf32>,
      } {sc.loop_unroll_factor = 4 : i64, sc.parallel_access}
      %dma_start3A_691 = arith.constant 0 : i32
      %dma_start3A_692 = arith.constant 0 : i32
      %dma_start3A_693 = tpu.memref_slice %arg14[%rem3A_387, %dma_start3A_691, %dma_start3A_692] : memref<2x80x128xf32, #tpu.memory_space<vmem>> -> memref<1x32x128xf32, #tpu.memory_space<vmem>>
      %dma_start3A_694 = tpu.memref_squeeze %dma_start3A_693 : memref<1x32x128xf32, #tpu.memory_space<vmem>> -> memref<32x128xf32, #tpu.memory_space<vmem>>
      %dma_start3A_695 = arith.constant 0 : i32
      %dma_start3A_696 = arith.constant 0 : i32
      %dma_start3A_697 = tpu.memref_slice %arg7[%dma_start3A_695, %dma_start3A_696] : memref<10000x128xf32, #tpu.memory_space<vmem_shared>> -> memref<10000x128xf32, #tpu.memory_space<vmem_shared>>
      tpu.enqueue_indirect_dma source(%dma_start3A_694 : memref<32x128xf32, #tpu.memory_space<vmem>>) target(%dma_start3A_697 : memref<10000x128xf32, #tpu.memory_space<vmem_shared>>) offsets(%arg12 : memref<32xi32, #tpu.memory_space<vmem>>) semaphore(%arg20 : memref<!tpu.dma_semaphore, #tpu.memory_space<semaphore_mem>>) {add = true}
      %parallel_loop3A_698 = arith.constant 32 : i32
      %parallel_loop3A_699 = arith.constant 80 : i32
      %parallel_loop3A_700 = arith.constant 1 : i32
      scf.for %parallel_loop3A_740 = %parallel_loop3A_698 to %parallel_loop3A_699 step %parallel_loop3A_700  : i32 {
        %parallel_loop3A_741 = arith.index_cast %rem3A_387 : i32 to index
        %parallel_loop3A_742 = arith.index_cast %parallel_loop3A_740 : i32 to index
        %parallel_loop3A_743 = arith.constant 0 : index
        %parallel_loop3A_744 = tpu.vector_load %arg14[%parallel_loop3A_741, %parallel_loop3A_742, %parallel_loop3A_743] {strides = array<i32>} : memref<2x80x128xf32, #tpu.memory_space<vmem>>, vector<16xf32>,
        %parallel_loop3A_745 = arith.index_cast %parallel_loop3A_740 : i32 to index
        %parallel_loop3A_746 = arith.constant 0 : index
        %parallel_loop3A_747 = tpu.vector_load %arg15[%parallel_loop3A_745, %parallel_loop3A_746] {strides = array<i32>} : memref<80x128xf32, #tpu.memory_space<vmem>>, vector<16xf32>,
        %parallel_loop3A_748 = arith.addf %parallel_loop3A_744, %parallel_loop3A_747 : vector<16xf32>
        %parallel_loop3A_749 = arith.constant 0.000000e+00 : f32
        %parallel_loop3A_750 = vector.broadcast %parallel_loop3A_749 : f32 to vector<16xf32>
        %parallel_loop3A_751 = arith.maximumf %parallel_loop3A_748, %parallel_loop3A_750 : vector<16xf32>
        %parallel_loop3A_752 = arith.index_cast %rem3A_387 : i32 to index
        %parallel_loop3A_753 = arith.index_cast %parallel_loop3A_740 : i32 to index
        %parallel_loop3A_754 = arith.constant 0 : index
        %parallel_loop3A_755 = tpu.vector_load %arg14[%parallel_loop3A_752, %parallel_loop3A_753, %parallel_loop3A_754] {strides = array<i32>} : memref<2x80x128xf32, #tpu.memory_space<vmem>>, vector<16xf32>,
        tpu.vector_store %arg14[%parallel_loop3A_752, %parallel_loop3A_753, %parallel_loop3A_754], %parallel_loop3A_751 {strides = array<i32>} : memref<2x80x128xf32, #tpu.memory_space<vmem>>, vector<16xf32>,
        %parallel_loop3A_756 = arith.index_cast %rem3A_387 : i32 to index
        %parallel_loop3A_757 = arith.index_cast %parallel_loop3A_740 : i32 to index
        %parallel_loop3A_758 = arith.constant 16 : index
        %parallel_loop3A_759 = tpu.vector_load %arg14[%parallel_loop3A_756, %parallel_loop3A_757, %parallel_loop3A_758] {strides = array<i32>} : memref<2x80x128xf32, #tpu.memory_space<vmem>>, vector<16xf32>,
        %parallel_loop3A_760 = arith.index_cast %parallel_loop3A_740 : i32 to index
        %parallel_loop3A_761 = arith.constant 16 : index
        %parallel_loop3A_762 = tpu.vector_load %arg15[%parallel_loop3A_760, %parallel_loop3A_761] {strides = array<i32>} : memref<80x128xf32, #tpu.memory_space<vmem>>, vector<16xf32>,
        %parallel_loop3A_763 = arith.addf %parallel_loop3A_759, %parallel_loop3A_762 : vector<16xf32>
        %parallel_loop3A_764 = arith.constant 0.000000e+00 : f32
        %parallel_loop3A_765 = vector.broadcast %parallel_loop3A_764 : f32 to vector<16xf32>
        %parallel_loop3A_766 = arith.maximumf %parallel_loop3A_763, %parallel_loop3A_765 : vector<16xf32>
        %parallel_loop3A_767 = arith.index_cast %rem3A_387 : i32 to index
        %parallel_loop3A_768 = arith.index_cast %parallel_loop3A_740 : i32 to index
        %parallel_loop3A_769 = arith.constant 16 : index
        %parallel_loop3A_770 = tpu.vector_load %arg14[%parallel_loop3A_767, %parallel_loop3A_768, %parallel_loop3A_769] {strides = array<i32>} : memref<2x80x128xf32, #tpu.memory_space<vmem>>, vector<16xf32>,
        tpu.vector_store %arg14[%parallel_loop3A_767, %parallel_loop3A_768, %parallel_loop3A_769], %parallel_loop3A_766 {strides = array<i32>} : memref<2x80x128xf32, #tpu.memory_space<vmem>>, vector<16xf32>,
        %parallel_loop3A_771 = arith.index_cast %rem3A_387 : i32 to index
        %parallel_loop3A_772 = arith.index_cast %parallel_loop3A_740 : i32 to index
        %parallel_loop3A_773 = arith.constant 32 : index
        %parallel_loop3A_774 = tpu.vector_load %arg14[%parallel_loop3A_771, %parallel_loop3A_772, %parallel_loop3A_773] {strides = array<i32>} : memref<2x80x128xf32, #tpu.memory_space<vmem>>, vector<16xf32>,
        %parallel_loop3A_775 = arith.index_cast %parallel_loop3A_740 : i32 to index
        %parallel_loop3A_776 = arith.constant 32 : index
        %parallel_loop3A_777 = tpu.vector_load %arg15[%parallel_loop3A_775, %parallel_loop3A_776] {strides = array<i32>} : memref<80x128xf32, #tpu.memory_space<vmem>>, vector<16xf32>,
        %parallel_loop3A_778 = arith.addf %parallel_loop3A_774, %parallel_loop3A_777 : vector<16xf32>
        %parallel_loop3A_779 = arith.constant 0.000000e+00 : f32
        %parallel_loop3A_780 = vector.broadcast %parallel_loop3A_779 : f32 to vector<16xf32>
        %parallel_loop3A_781 = arith.maximumf %parallel_loop3A_778, %parallel_loop3A_780 : vector<16xf32>
        %parallel_loop3A_782 = arith.index_cast %rem3A_387 : i32 to index
        %parallel_loop3A_783 = arith.index_cast %parallel_loop3A_740 : i32 to index
        %parallel_loop3A_784 = arith.constant 32 : index
        %parallel_loop3A_785 = tpu.vector_load %arg14[%parallel_loop3A_782, %parallel_loop3A_783, %parallel_loop3A_784] {strides = array<i32>} : memref<2x80x128xf32, #tpu.memory_space<vmem>>, vector<16xf32>,
        tpu.vector_store %arg14[%parallel_loop3A_782, %parallel_loop3A_783, %parallel_loop3A_784], %parallel_loop3A_781 {strides = array<i32>} : memref<2x80x128xf32, #tpu.memory_space<vmem>>, vector<16xf32>,
        %parallel_loop3A_786 = arith.index_cast %rem3A_387 : i32 to index
        %parallel_loop3A_787 = arith.index_cast %parallel_loop3A_740 : i32 to index
        %parallel_loop3A_788 = arith.constant 48 : index
        %parallel_loop3A_789 = tpu.vector_load %arg14[%parallel_loop3A_786, %parallel_loop3A_787, %parallel_loop3A_788] {strides = array<i32>} : memref<2x80x128xf32, #tpu.memory_space<vmem>>, vector<16xf32>,
        %parallel_loop3A_790 = arith.index_cast %parallel_loop3A_740 : i32 to index
        %parallel_loop3A_791 = arith.constant 48 : index
        %parallel_loop3A_792 = tpu.vector_load %arg15[%parallel_loop3A_790, %parallel_loop3A_791] {strides = array<i32>} : memref<80x128xf32, #tpu.memory_space<vmem>>, vector<16xf32>,
        %parallel_loop3A_793 = arith.addf %parallel_loop3A_789, %parallel_loop3A_792 : vector<16xf32>
        %parallel_loop3A_794 = arith.constant 0.000000e+00 : f32
        %parallel_loop3A_795 = vector.broadcast %parallel_loop3A_794 : f32 to vector<16xf32>
        %parallel_loop3A_796 = arith.maximumf %parallel_loop3A_793, %parallel_loop3A_795 : vector<16xf32>
        %parallel_loop3A_797 = arith.index_cast %rem3A_387 : i32 to index
        %parallel_loop3A_798 = arith.index_cast %parallel_loop3A_740 : i32 to index
        %parallel_loop3A_799 = arith.constant 48 : index
        %parallel_loop3A_800 = tpu.vector_load %arg14[%parallel_loop3A_797, %parallel_loop3A_798, %parallel_loop3A_799] {strides = array<i32>} : memref<2x80x128xf32, #tpu.memory_space<vmem>>, vector<16xf32>,
        tpu.vector_store %arg14[%parallel_loop3A_797, %parallel_loop3A_798, %parallel_loop3A_799], %parallel_loop3A_796 {strides = array<i32>} : memref<2x80x128xf32, #tpu.memory_space<vmem>>, vector<16xf32>,
        %parallel_loop3A_801 = arith.index_cast %rem3A_387 : i32 to index
        %parallel_loop3A_802 = arith.index_cast %parallel_loop3A_740 : i32 to index
        %parallel_loop3A_803 = arith.constant 64 : index
        %parallel_loop3A_804 = tpu.vector_load %arg14[%parallel_loop3A_801, %parallel_loop3A_802, %parallel_loop3A_803] {strides = array<i32>} : memref<2x80x128xf32, #tpu.memory_space<vmem>>, vector<16xf32>,
        %parallel_loop3A_805 = arith.index_cast %parallel_loop3A_740 : i32 to index
        %parallel_loop3A_806 = arith.constant 64 : index
        %parallel_loop3A_807 = tpu.vector_load %arg15[%parallel_loop3A_805, %parallel_loop3A_806] {strides = array<i32>} : memref<80x128xf32, #tpu.memory_space<vmem>>, vector<16xf32>,
        %parallel_loop3A_808 = arith.addf %parallel_loop3A_804, %parallel_loop3A_807 : vector<16xf32>
        %parallel_loop3A_809 = arith.constant 0.000000e+00 : f32
        %parallel_loop3A_810 = vector.broadcast %parallel_loop3A_809 : f32 to vector<16xf32>
        %parallel_loop3A_811 = arith.maximumf %parallel_loop3A_808, %parallel_loop3A_810 : vector<16xf32>
        %parallel_loop3A_812 = arith.index_cast %rem3A_387 : i32 to index
        %parallel_loop3A_813 = arith.index_cast %parallel_loop3A_740 : i32 to index
        %parallel_loop3A_814 = arith.constant 64 : index
        %parallel_loop3A_815 = tpu.vector_load %arg14[%parallel_loop3A_812, %parallel_loop3A_813, %parallel_loop3A_814] {strides = array<i32>} : memref<2x80x128xf32, #tpu.memory_space<vmem>>, vector<16xf32>,
        tpu.vector_store %arg14[%parallel_loop3A_812, %parallel_loop3A_813, %parallel_loop3A_814], %parallel_loop3A_811 {strides = array<i32>} : memref<2x80x128xf32, #tpu.memory_space<vmem>>, vector<16xf32>,
        %parallel_loop3A_816 = arith.index_cast %rem3A_387 : i32 to index
        %parallel_loop3A_817 = arith.index_cast %parallel_loop3A_740 : i32 to index
        %parallel_loop3A_818 = arith.constant 80 : index
        %parallel_loop3A_819 = tpu.vector_load %arg14[%parallel_loop3A_816, %parallel_loop3A_817, %parallel_loop3A_818] {strides = array<i32>} : memref<2x80x128xf32, #tpu.memory_space<vmem>>, vector<16xf32>,
        %parallel_loop3A_820 = arith.index_cast %parallel_loop3A_740 : i32 to index
        %parallel_loop3A_821 = arith.constant 80 : index
        %parallel_loop3A_822 = tpu.vector_load %arg15[%parallel_loop3A_820, %parallel_loop3A_821] {strides = array<i32>} : memref<80x128xf32, #tpu.memory_space<vmem>>, vector<16xf32>,
        %parallel_loop3A_823 = arith.addf %parallel_loop3A_819, %parallel_loop3A_822 : vector<16xf32>
        %parallel_loop3A_824 = arith.constant 0.000000e+00 : f32
        %parallel_loop3A_825 = vector.broadcast %parallel_loop3A_824 : f32 to vector<16xf32>
        %parallel_loop3A_826 = arith.maximumf %parallel_loop3A_823, %parallel_loop3A_825 : vector<16xf32>
        %parallel_loop3A_827 = arith.index_cast %rem3A_387 : i32 to index
        %parallel_loop3A_828 = arith.index_cast %parallel_loop3A_740 : i32 to index
        %parallel_loop3A_829 = arith.constant 80 : index
        %parallel_loop3A_830 = tpu.vector_load %arg14[%parallel_loop3A_827, %parallel_loop3A_828, %parallel_loop3A_829] {strides = array<i32>} : memref<2x80x128xf32, #tpu.memory_space<vmem>>, vector<16xf32>,
        tpu.vector_store %arg14[%parallel_loop3A_827, %parallel_loop3A_828, %parallel_loop3A_829], %parallel_loop3A_826 {strides = array<i32>} : memref<2x80x128xf32, #tpu.memory_space<vmem>>, vector<16xf32>,
        %parallel_loop3A_831 = arith.index_cast %rem3A_387 : i32 to index
        %parallel_loop3A_832 = arith.index_cast %parallel_loop3A_740 : i32 to index
        %parallel_loop3A_833 = arith.constant 96 : index
        %parallel_loop3A_834 = tpu.vector_load %arg14[%parallel_loop3A_831, %parallel_loop3A_832, %parallel_loop3A_833] {strides = array<i32>} : memref<2x80x128xf32, #tpu.memory_space<vmem>>, vector<16xf32>,
        %parallel_loop3A_835 = arith.index_cast %parallel_loop3A_740 : i32 to index
        %parallel_loop3A_836 = arith.constant 96 : index
        %parallel_loop3A_837 = tpu.vector_load %arg15[%parallel_loop3A_835, %parallel_loop3A_836] {strides = array<i32>} : memref<80x128xf32, #tpu.memory_space<vmem>>, vector<16xf32>,
        %parallel_loop3A_838 = arith.addf %parallel_loop3A_834, %parallel_loop3A_837 : vector<16xf32>
        %parallel_loop3A_839 = arith.constant 0.000000e+00 : f32
        %parallel_loop3A_840 = vector.broadcast %parallel_loop3A_839 : f32 to vector<16xf32>
        %parallel_loop3A_841 = arith.maximumf %parallel_loop3A_838, %parallel_loop3A_840 : vector<16xf32>
        %parallel_loop3A_842 = arith.index_cast %rem3A_387 : i32 to index
        %parallel_loop3A_843 = arith.index_cast %parallel_loop3A_740 : i32 to index
        %parallel_loop3A_844 = arith.constant 96 : index
        %parallel_loop3A_845 = tpu.vector_load %arg14[%parallel_loop3A_842, %parallel_loop3A_843, %parallel_loop3A_844] {strides = array<i32>} : memref<2x80x128xf32, #tpu.memory_space<vmem>>, vector<16xf32>,
        tpu.vector_store %arg14[%parallel_loop3A_842, %parallel_loop3A_843, %parallel_loop3A_844], %parallel_loop3A_841 {strides = array<i32>} : memref<2x80x128xf32, #tpu.memory_space<vmem>>, vector<16xf32>,
        %parallel_loop3A_846 = arith.index_cast %rem3A_387 : i32 to index
        %parallel_loop3A_847 = arith.index_cast %parallel_loop3A_740 : i32 to index
        %parallel_loop3A_848 = arith.constant 112 : index
        %parallel_loop3A_849 = tpu.vector_load %arg14[%parallel_loop3A_846, %parallel_loop3A_847, %parallel_loop3A_848] {strides = array<i32>} : memref<2x80x128xf32, #tpu.memory_space<vmem>>, vector<16xf32>,
        %parallel_loop3A_850 = arith.index_cast %parallel_loop3A_740 : i32 to index
        %parallel_loop3A_851 = arith.constant 112 : index
        %parallel_loop3A_852 = tpu.vector_load %arg15[%parallel_loop3A_850, %parallel_loop3A_851] {strides = array<i32>} : memref<80x128xf32, #tpu.memory_space<vmem>>, vector<16xf32>,
        %parallel_loop3A_853 = arith.addf %parallel_loop3A_849, %parallel_loop3A_852 : vector<16xf32>
        %parallel_loop3A_854 = arith.constant 0.000000e+00 : f32
        %parallel_loop3A_855 = vector.broadcast %parallel_loop3A_854 : f32 to vector<16xf32>
        %parallel_loop3A_856 = arith.maximumf %parallel_loop3A_853, %parallel_loop3A_855 : vector<16xf32>
        %parallel_loop3A_857 = arith.index_cast %rem3A_387 : i32 to index
        %parallel_loop3A_858 = arith.index_cast %parallel_loop3A_740 : i32 to index
        %parallel_loop3A_859 = arith.constant 112 : index
        %parallel_loop3A_860 = tpu.vector_load %arg14[%parallel_loop3A_857, %parallel_loop3A_858, %parallel_loop3A_859] {strides = array<i32>} : memref<2x80x128xf32, #tpu.memory_space<vmem>>, vector<16xf32>,
        tpu.vector_store %arg14[%parallel_loop3A_857, %parallel_loop3A_858, %parallel_loop3A_859], %parallel_loop3A_856 {strides = array<i32>} : memref<2x80x128xf32, #tpu.memory_space<vmem>>, vector<16xf32>,
      } {sc.loop_unroll_factor = 4 : i64, sc.parallel_access}
      %dma_start3A_701 = tpu.memref_slice %arg11[%mul3A_398] : memref<2000xi32, #tpu.memory_space<vmem>> -> memref<80xi32, #tpu.memory_space<vmem>>
      %dma_start3A_702 = arith.constant 0 : i32
      %dma_start3A_703 = arith.constant 0 : i32
      %dma_start3A_704 = tpu.memref_slice %arg8[%dma_start3A_702, %dma_start3A_703] : memref<256x128xf32, #tpu.memory_space<vmem_shared>> -> memref<256x128xf32, #tpu.memory_space<vmem_shared>>
      tpu.enqueue_indirect_dma source(%dma_start3A_704 : memref<256x128xf32, #tpu.memory_space<vmem_shared>>) target(%arg15 : memref<80x128xf32, #tpu.memory_space<vmem>>) offsets(%dma_start3A_701 : memref<80xi32, #tpu.memory_space<vmem>>) semaphore(%arg18 : memref<!tpu.dma_semaphore, #tpu.memory_space<semaphore_mem>>)
      %dma_start3A_705 = arith.constant 32 : i32
      %dma_start3A_706 = arith.constant 0 : i32
      %dma_start3A_707 = tpu.memref_slice %arg14[%rem3A_387, %dma_start3A_705, %dma_start3A_706] : memref<2x80x128xf32, #tpu.memory_space<vmem>> -> memref<1x48x128xf32, #tpu.memory_space<vmem>>
      %dma_start3A_708 = tpu.memref_squeeze %dma_start3A_707 : memref<1x48x128xf32, #tpu.memory_space<vmem>> -> memref<48x128xf32, #tpu.memory_space<vmem>>
      %dma_start3A_709 = arith.constant 0 : i32
      %dma_start3A_710 = arith.constant 0 : i32
      %dma_start3A_711 = tpu.memref_slice %arg7[%dma_start3A_709, %dma_start3A_710] : memref<10000x128xf32, #tpu.memory_space<vmem_shared>> -> memref<10000x128xf32, #tpu.memory_space<vmem_shared>>
      tpu.enqueue_indirect_dma source(%dma_start3A_708 : memref<48x128xf32, #tpu.memory_space<vmem>>) target(%dma_start3A_711 : memref<10000x128xf32, #tpu.memory_space<vmem_shared>>) offsets(%arg13 : memref<48xi32, #tpu.memory_space<vmem>>) semaphore(%arg20 : memref<!tpu.dma_semaphore, #tpu.memory_space<semaphore_mem>>) {add = true}
      %dma_wait3A_712 = arith.constant 0 : i32
      %dma_wait3A_713 = arith.constant 0 : i32
      %dma_wait3A_714 = tpu.memref_slice %arg14[%sub3A_388, %dma_wait3A_712, %dma_wait3A_713] : memref<2x80x128xf32, #tpu.memory_space<vmem>> -> memref<1x80x128xf32, #tpu.memory_space<vmem>>
      %dma_wait3A_715 = tpu.memref_squeeze %dma_wait3A_714 : memref<1x80x128xf32, #tpu.memory_space<vmem>> -> memref<80x128xf32, #tpu.memory_space<vmem>>
      %dma_wait3A_716 = tpu.memref_slice %arg9[%mul3A_398] : memref<2000xi32, #tpu.memory_space<vmem>> -> memref<80xi32, #tpu.memory_space<vmem>>
      %dma_wait3A_717 = arith.constant 0 : i32
      %dma_wait3A_718 = arith.constant 0 : i32
      %dma_wait3A_719 = tpu.memref_slice %arg2[%dma_wait3A_717, %dma_wait3A_718] : memref<10000x128xf32, #tpu.memory_space<hbm>> -> memref<10000x128xf32, #tpu.memory_space<hbm>>
      %dma_wait3A_720 = tpu.memref_slice %arg17[%sub3A_388] : memref<2x!tpu.dma_semaphore, #tpu.memory_space<semaphore_mem>> -> memref<1x!tpu.dma_semaphore, #tpu.memory_space<semaphore_mem>>
      %dma_wait3A_721 = tpu.memref_squeeze %dma_wait3A_720 : memref<1x!tpu.dma_semaphore, #tpu.memory_space<semaphore_mem>> -> memref<!tpu.dma_semaphore, #tpu.memory_space<semaphore_mem>>
      tpu.wait_indirect_dma semaphore(%dma_wait3A_721 : memref<!tpu.dma_semaphore, #tpu.memory_space<semaphore_mem>>) src(%dma_wait3A_719 : memref<10000x128xf32, #tpu.memory_space<hbm>>) dst(%dma_wait3A_715 : memref<80x128xf32, #tpu.memory_space<vmem>>)
      %dma_wait3A_722 = tpu.memref_slice %arg11[%mul3A_398] : memref<2000xi32, #tpu.memory_space<vmem>> -> memref<80xi32, #tpu.memory_space<vmem>>
      %dma_wait3A_723 = arith.constant 0 : i32
      %dma_wait3A_724 = arith.constant 0 : i32
      %dma_wait3A_725 = tpu.memref_slice %arg8[%dma_wait3A_723, %dma_wait3A_724] : memref<256x128xf32, #tpu.memory_space<vmem_shared>> -> memref<256x128xf32, #tpu.memory_space<vmem_shared>>
      tpu.wait_indirect_dma semaphore(%arg18 : memref<!tpu.dma_semaphore, #tpu.memory_space<semaphore_mem>>) src(%dma_wait3A_725 : memref<256x128xf32, #tpu.memory_space<vmem_shared>>) dst(%arg15 : memref<80x128xf32, #tpu.memory_space<vmem>>)
      %dma_wait3A_726 = arith.constant 0 : i32
      %dma_wait3A_727 = arith.constant 0 : i32
      %dma_wait3A_728 = tpu.memref_slice %arg14[%rem3A_387, %dma_wait3A_726, %dma_wait3A_727] : memref<2x80x128xf32, #tpu.memory_space<vmem>> -> memref<1x32x128xf32, #tpu.memory_space<vmem>>
      %dma_wait3A_729 = tpu.memref_squeeze %dma_wait3A_728 : memref<1x32x128xf32, #tpu.memory_space<vmem>> -> memref<32x128xf32, #tpu.memory_space<vmem>>
      %dma_wait3A_730 = arith.constant 0 : i32
      %dma_wait3A_731 = arith.constant 0 : i32
      %dma_wait3A_732 = tpu.memref_slice %arg7[%dma_wait3A_730, %dma_wait3A_731] : memref<10000x128xf32, #tpu.memory_space<vmem_shared>> -> memref<10000x128xf32, #tpu.memory_space<vmem_shared>>
      tpu.wait_indirect_dma semaphore(%arg20 : memref<!tpu.dma_semaphore, #tpu.memory_space<semaphore_mem>>) src(%dma_wait3A_729 : memref<32x128xf32, #tpu.memory_space<vmem>>) dst(%dma_wait3A_732 : memref<10000x128xf32, #tpu.memory_space<vmem_shared>>)
      %dma_wait3A_733 = arith.constant 32 : i32
      %dma_wait3A_734 = arith.constant 0 : i32
      %dma_wait3A_735 = tpu.memref_slice %arg14[%rem3A_387, %dma_wait3A_733, %dma_wait3A_734] : memref<2x80x128xf32, #tpu.memory_space<vmem>> -> memref<1x48x128xf32, #tpu.memory_space<vmem>>
      %dma_wait3A_736 = tpu.memref_squeeze %dma_wait3A_735 : memref<1x48x128xf32, #tpu.memory_space<vmem>> -> memref<48x128xf32, #tpu.memory_space<vmem>>
      %dma_wait3A_737 = arith.constant 0 : i32
      %dma_wait3A_738 = arith.constant 0 : i32
      %dma_wait3A_739 = tpu.memref_slice %arg7[%dma_wait3A_737, %dma_wait3A_738] : memref<10000x128xf32, #tpu.memory_space<vmem_shared>> -> memref<10000x128xf32, #tpu.memory_space<vmem_shared>>
      tpu.wait_indirect_dma semaphore(%arg20 : memref<!tpu.dma_semaphore, #tpu.memory_space<semaphore_mem>>) src(%dma_wait3A_736 : memref<48x128xf32, #tpu.memory_space<vmem>>) dst(%dma_wait3A_739 : memref<10000x128xf32, #tpu.memory_space<vmem_shared>>)
    }
    %scan3A_88 = arith.constant 124 : i32
    %rem3A = arith.constant 124 : i32
    %rem3A_89 = arith.constant 25 : i32
    %rem3A_90 = arith.remsi %rem3A, %rem3A_89 : i32
    %mul3A_91 = arith.constant 80 : i32
    %mul3A_92 = arith.muli %rem3A_90, %mul3A_91 : i32
    %add3A_93 = arith.constant 0 : i32
    %add3A_94 = arith.addi %mul3A_92, %add3A_93 : i32
    %get3A = arith.index_cast %add3A_94 : i32 to index
    %get3A_95 = tpu.vector_load %arg10[%get3A] {strides = array<i32>} : memref<2000xi32, #tpu.memory_space<vmem>>, vector<16xi32>,
    %swap3A = arith.constant 0 : index
    %swap3A_96 = tpu.vector_load %arg12[%swap3A] {strides = array<i32>} : memref<32xi32, #tpu.memory_space<vmem>>, vector<16xi32>,
    tpu.vector_store %arg12[%swap3A], %get3A_95 {strides = array<i32>} : memref<32xi32, #tpu.memory_space<vmem>>, vector<16xi32>,
    %eq3A_97 = arith.constant 0 : i32
    %eq3A_98 = vector.broadcast %eq3A_97 : i32 to vector<16xi32>
    %eq3A_99 = arith.cmpi eq, %iota3A, %eq3A_98 : vector<16xi32>
    tpu.vector_store_idx %arg16[%get3A_95], %broadcast_in_dim3A_28 masked %eq3A_99 {add = true} : memref<10000xf32, #tpu.memory_space<vmem>>[vector<16xi32>], vector<16xf32>, vector<16xi1>
    %eq3A_100 = arith.constant 1 : i32
    %eq3A_101 = vector.broadcast %eq3A_100 : i32 to vector<16xi32>
    %eq3A_102 = arith.cmpi eq, %iota3A, %eq3A_101 : vector<16xi32>
    tpu.vector_store_idx %arg16[%get3A_95], %broadcast_in_dim3A_28 masked %eq3A_102 {add = true} : memref<10000xf32, #tpu.memory_space<vmem>>[vector<16xi32>], vector<16xf32>, vector<16xi1>
    %eq3A_103 = arith.constant 2 : i32
    %eq3A_104 = vector.broadcast %eq3A_103 : i32 to vector<16xi32>
    %eq3A_105 = arith.cmpi eq, %iota3A, %eq3A_104 : vector<16xi32>
    tpu.vector_store_idx %arg16[%get3A_95], %broadcast_in_dim3A_28 masked %eq3A_105 {add = true} : memref<10000xf32, #tpu.memory_space<vmem>>[vector<16xi32>], vector<16xf32>, vector<16xi1>
    %eq3A_106 = arith.constant 3 : i32
    %eq3A_107 = vector.broadcast %eq3A_106 : i32 to vector<16xi32>
    %eq3A_108 = arith.cmpi eq, %iota3A, %eq3A_107 : vector<16xi32>
    tpu.vector_store_idx %arg16[%get3A_95], %broadcast_in_dim3A_28 masked %eq3A_108 {add = true} : memref<10000xf32, #tpu.memory_space<vmem>>[vector<16xi32>], vector<16xf32>, vector<16xi1>
    %eq3A_109 = arith.constant 4 : i32
    %eq3A_110 = vector.broadcast %eq3A_109 : i32 to vector<16xi32>
    %eq3A_111 = arith.cmpi eq, %iota3A, %eq3A_110 : vector<16xi32>
    tpu.vector_store_idx %arg16[%get3A_95], %broadcast_in_dim3A_28 masked %eq3A_111 {add = true} : memref<10000xf32, #tpu.memory_space<vmem>>[vector<16xi32>], vector<16xf32>, vector<16xi1>
    %eq3A_112 = arith.constant 5 : i32
    %eq3A_113 = vector.broadcast %eq3A_112 : i32 to vector<16xi32>
    %eq3A_114 = arith.cmpi eq, %iota3A, %eq3A_113 : vector<16xi32>
    tpu.vector_store_idx %arg16[%get3A_95], %broadcast_in_dim3A_28 masked %eq3A_114 {add = true} : memref<10000xf32, #tpu.memory_space<vmem>>[vector<16xi32>], vector<16xf32>, vector<16xi1>
    %eq3A_115 = arith.constant 6 : i32
    %eq3A_116 = vector.broadcast %eq3A_115 : i32 to vector<16xi32>
    %eq3A_117 = arith.cmpi eq, %iota3A, %eq3A_116 : vector<16xi32>
    tpu.vector_store_idx %arg16[%get3A_95], %broadcast_in_dim3A_28 masked %eq3A_117 {add = true} : memref<10000xf32, #tpu.memory_space<vmem>>[vector<16xi32>], vector<16xf32>, vector<16xi1>
    %eq3A_118 = arith.constant 7 : i32
    %eq3A_119 = vector.broadcast %eq3A_118 : i32 to vector<16xi32>
    %eq3A_120 = arith.cmpi eq, %iota3A, %eq3A_119 : vector<16xi32>
    tpu.vector_store_idx %arg16[%get3A_95], %broadcast_in_dim3A_28 masked %eq3A_120 {add = true} : memref<10000xf32, #tpu.memory_space<vmem>>[vector<16xi32>], vector<16xf32>, vector<16xi1>
    %eq3A_121 = arith.constant 8 : i32
    %eq3A_122 = vector.broadcast %eq3A_121 : i32 to vector<16xi32>
    %eq3A_123 = arith.cmpi eq, %iota3A, %eq3A_122 : vector<16xi32>
    tpu.vector_store_idx %arg16[%get3A_95], %broadcast_in_dim3A_28 masked %eq3A_123 {add = true} : memref<10000xf32, #tpu.memory_space<vmem>>[vector<16xi32>], vector<16xf32>, vector<16xi1>
    %eq3A_124 = arith.constant 9 : i32
    %eq3A_125 = vector.broadcast %eq3A_124 : i32 to vector<16xi32>
    %eq3A_126 = arith.cmpi eq, %iota3A, %eq3A_125 : vector<16xi32>
    tpu.vector_store_idx %arg16[%get3A_95], %broadcast_in_dim3A_28 masked %eq3A_126 {add = true} : memref<10000xf32, #tpu.memory_space<vmem>>[vector<16xi32>], vector<16xf32>, vector<16xi1>
    %eq3A_127 = arith.constant 10 : i32
    %eq3A_128 = vector.broadcast %eq3A_127 : i32 to vector<16xi32>
    %eq3A_129 = arith.cmpi eq, %iota3A, %eq3A_128 : vector<16xi32>
    tpu.vector_store_idx %arg16[%get3A_95], %broadcast_in_dim3A_28 masked %eq3A_129 {add = true} : memref<10000xf32, #tpu.memory_space<vmem>>[vector<16xi32>], vector<16xf32>, vector<16xi1>
    %eq3A_130 = arith.constant 11 : i32
    %eq3A_131 = vector.broadcast %eq3A_130 : i32 to vector<16xi32>
    %eq3A_132 = arith.cmpi eq, %iota3A, %eq3A_131 : vector<16xi32>
    tpu.vector_store_idx %arg16[%get3A_95], %broadcast_in_dim3A_28 masked %eq3A_132 {add = true} : memref<10000xf32, #tpu.memory_space<vmem>>[vector<16xi32>], vector<16xf32>, vector<16xi1>
    %eq3A_133 = arith.constant 12 : i32
    %eq3A_134 = vector.broadcast %eq3A_133 : i32 to vector<16xi32>
    %eq3A_135 = arith.cmpi eq, %iota3A, %eq3A_134 : vector<16xi32>
    tpu.vector_store_idx %arg16[%get3A_95], %broadcast_in_dim3A_28 masked %eq3A_135 {add = true} : memref<10000xf32, #tpu.memory_space<vmem>>[vector<16xi32>], vector<16xf32>, vector<16xi1>
    %eq3A_136 = arith.constant 13 : i32
    %eq3A_137 = vector.broadcast %eq3A_136 : i32 to vector<16xi32>
    %eq3A_138 = arith.cmpi eq, %iota3A, %eq3A_137 : vector<16xi32>
    tpu.vector_store_idx %arg16[%get3A_95], %broadcast_in_dim3A_28 masked %eq3A_138 {add = true} : memref<10000xf32, #tpu.memory_space<vmem>>[vector<16xi32>], vector<16xf32>, vector<16xi1>
    %eq3A_139 = arith.constant 14 : i32
    %eq3A_140 = vector.broadcast %eq3A_139 : i32 to vector<16xi32>
    %eq3A_141 = arith.cmpi eq, %iota3A, %eq3A_140 : vector<16xi32>
    tpu.vector_store_idx %arg16[%get3A_95], %broadcast_in_dim3A_28 masked %eq3A_141 {add = true} : memref<10000xf32, #tpu.memory_space<vmem>>[vector<16xi32>], vector<16xf32>, vector<16xi1>
    %eq3A_142 = arith.constant 15 : i32
    %eq3A_143 = vector.broadcast %eq3A_142 : i32 to vector<16xi32>
    %eq3A_144 = arith.cmpi eq, %iota3A, %eq3A_143 : vector<16xi32>
    tpu.vector_store_idx %arg16[%get3A_95], %broadcast_in_dim3A_28 masked %eq3A_144 {add = true} : memref<10000xf32, #tpu.memory_space<vmem>>[vector<16xi32>], vector<16xf32>, vector<16xi1>
    %add3A_145 = arith.constant 16 : i32
    %add3A_146 = arith.addi %mul3A_92, %add3A_145 : i32
    %get3A_147 = arith.index_cast %add3A_146 : i32 to index
    %get3A_148 = tpu.vector_load %arg10[%get3A_147] {strides = array<i32>} : memref<2000xi32, #tpu.memory_space<vmem>>, vector<16xi32>,
    %swap3A_149 = arith.constant 16 : index
    %swap3A_150 = tpu.vector_load %arg12[%swap3A_149] {strides = array<i32>} : memref<32xi32, #tpu.memory_space<vmem>>, vector<16xi32>,
    tpu.vector_store %arg12[%swap3A_149], %get3A_148 {strides = array<i32>} : memref<32xi32, #tpu.memory_space<vmem>>, vector<16xi32>,
    %eq3A_151 = arith.constant 0 : i32
    %eq3A_152 = vector.broadcast %eq3A_151 : i32 to vector<16xi32>
    %eq3A_153 = arith.cmpi eq, %iota3A, %eq3A_152 : vector<16xi32>
    tpu.vector_store_idx %arg16[%get3A_148], %broadcast_in_dim3A_28 masked %eq3A_153 {add = true} : memref<10000xf32, #tpu.memory_space<vmem>>[vector<16xi32>], vector<16xf32>, vector<16xi1>
    %eq3A_154 = arith.constant 1 : i32
    %eq3A_155 = vector.broadcast %eq3A_154 : i32 to vector<16xi32>
    %eq3A_156 = arith.cmpi eq, %iota3A, %eq3A_155 : vector<16xi32>
    tpu.vector_store_idx %arg16[%get3A_148], %broadcast_in_dim3A_28 masked %eq3A_156 {add = true} : memref<10000xf32, #tpu.memory_space<vmem>>[vector<16xi32>], vector<16xf32>, vector<16xi1>
    %eq3A_157 = arith.constant 2 : i32
    %eq3A_158 = vector.broadcast %eq3A_157 : i32 to vector<16xi32>
    %eq3A_159 = arith.cmpi eq, %iota3A, %eq3A_158 : vector<16xi32>
    tpu.vector_store_idx %arg16[%get3A_148], %broadcast_in_dim3A_28 masked %eq3A_159 {add = true} : memref<10000xf32, #tpu.memory_space<vmem>>[vector<16xi32>], vector<16xf32>, vector<16xi1>
    %eq3A_160 = arith.constant 3 : i32
    %eq3A_161 = vector.broadcast %eq3A_160 : i32 to vector<16xi32>
    %eq3A_162 = arith.cmpi eq, %iota3A, %eq3A_161 : vector<16xi32>
    tpu.vector_store_idx %arg16[%get3A_148], %broadcast_in_dim3A_28 masked %eq3A_162 {add = true} : memref<10000xf32, #tpu.memory_space<vmem>>[vector<16xi32>], vector<16xf32>, vector<16xi1>
    %eq3A_163 = arith.constant 4 : i32
    %eq3A_164 = vector.broadcast %eq3A_163 : i32 to vector<16xi32>
    %eq3A_165 = arith.cmpi eq, %iota3A, %eq3A_164 : vector<16xi32>
    tpu.vector_store_idx %arg16[%get3A_148], %broadcast_in_dim3A_28 masked %eq3A_165 {add = true} : memref<10000xf32, #tpu.memory_space<vmem>>[vector<16xi32>], vector<16xf32>, vector<16xi1>
    %eq3A_166 = arith.constant 5 : i32
    %eq3A_167 = vector.broadcast %eq3A_166 : i32 to vector<16xi32>
    %eq3A_168 = arith.cmpi eq, %iota3A, %eq3A_167 : vector<16xi32>
    tpu.vector_store_idx %arg16[%get3A_148], %broadcast_in_dim3A_28 masked %eq3A_168 {add = true} : memref<10000xf32, #tpu.memory_space<vmem>>[vector<16xi32>], vector<16xf32>, vector<16xi1>
    %eq3A_169 = arith.constant 6 : i32
    %eq3A_170 = vector.broadcast %eq3A_169 : i32 to vector<16xi32>
    %eq3A_171 = arith.cmpi eq, %iota3A, %eq3A_170 : vector<16xi32>
    tpu.vector_store_idx %arg16[%get3A_148], %broadcast_in_dim3A_28 masked %eq3A_171 {add = true} : memref<10000xf32, #tpu.memory_space<vmem>>[vector<16xi32>], vector<16xf32>, vector<16xi1>
    %eq3A_172 = arith.constant 7 : i32
    %eq3A_173 = vector.broadcast %eq3A_172 : i32 to vector<16xi32>
    %eq3A_174 = arith.cmpi eq, %iota3A, %eq3A_173 : vector<16xi32>
    tpu.vector_store_idx %arg16[%get3A_148], %broadcast_in_dim3A_28 masked %eq3A_174 {add = true} : memref<10000xf32, #tpu.memory_space<vmem>>[vector<16xi32>], vector<16xf32>, vector<16xi1>
    %eq3A_175 = arith.constant 8 : i32
    %eq3A_176 = vector.broadcast %eq3A_175 : i32 to vector<16xi32>
    %eq3A_177 = arith.cmpi eq, %iota3A, %eq3A_176 : vector<16xi32>
    tpu.vector_store_idx %arg16[%get3A_148], %broadcast_in_dim3A_28 masked %eq3A_177 {add = true} : memref<10000xf32, #tpu.memory_space<vmem>>[vector<16xi32>], vector<16xf32>, vector<16xi1>
    %eq3A_178 = arith.constant 9 : i32
    %eq3A_179 = vector.broadcast %eq3A_178 : i32 to vector<16xi32>
    %eq3A_180 = arith.cmpi eq, %iota3A, %eq3A_179 : vector<16xi32>
    tpu.vector_store_idx %arg16[%get3A_148], %broadcast_in_dim3A_28 masked %eq3A_180 {add = true} : memref<10000xf32, #tpu.memory_space<vmem>>[vector<16xi32>], vector<16xf32>, vector<16xi1>
    %eq3A_181 = arith.constant 10 : i32
    %eq3A_182 = vector.broadcast %eq3A_181 : i32 to vector<16xi32>
    %eq3A_183 = arith.cmpi eq, %iota3A, %eq3A_182 : vector<16xi32>
    tpu.vector_store_idx %arg16[%get3A_148], %broadcast_in_dim3A_28 masked %eq3A_183 {add = true} : memref<10000xf32, #tpu.memory_space<vmem>>[vector<16xi32>], vector<16xf32>, vector<16xi1>
    %eq3A_184 = arith.constant 11 : i32
    %eq3A_185 = vector.broadcast %eq3A_184 : i32 to vector<16xi32>
    %eq3A_186 = arith.cmpi eq, %iota3A, %eq3A_185 : vector<16xi32>
    tpu.vector_store_idx %arg16[%get3A_148], %broadcast_in_dim3A_28 masked %eq3A_186 {add = true} : memref<10000xf32, #tpu.memory_space<vmem>>[vector<16xi32>], vector<16xf32>, vector<16xi1>
    %eq3A_187 = arith.constant 12 : i32
    %eq3A_188 = vector.broadcast %eq3A_187 : i32 to vector<16xi32>
    %eq3A_189 = arith.cmpi eq, %iota3A, %eq3A_188 : vector<16xi32>
    tpu.vector_store_idx %arg16[%get3A_148], %broadcast_in_dim3A_28 masked %eq3A_189 {add = true} : memref<10000xf32, #tpu.memory_space<vmem>>[vector<16xi32>], vector<16xf32>, vector<16xi1>
    %eq3A_190 = arith.constant 13 : i32
    %eq3A_191 = vector.broadcast %eq3A_190 : i32 to vector<16xi32>
    %eq3A_192 = arith.cmpi eq, %iota3A, %eq3A_191 : vector<16xi32>
    tpu.vector_store_idx %arg16[%get3A_148], %broadcast_in_dim3A_28 masked %eq3A_192 {add = true} : memref<10000xf32, #tpu.memory_space<vmem>>[vector<16xi32>], vector<16xf32>, vector<16xi1>
    %eq3A_193 = arith.constant 14 : i32
    %eq3A_194 = vector.broadcast %eq3A_193 : i32 to vector<16xi32>
    %eq3A_195 = arith.cmpi eq, %iota3A, %eq3A_194 : vector<16xi32>
    tpu.vector_store_idx %arg16[%get3A_148], %broadcast_in_dim3A_28 masked %eq3A_195 {add = true} : memref<10000xf32, #tpu.memory_space<vmem>>[vector<16xi32>], vector<16xf32>, vector<16xi1>
    %eq3A_196 = arith.constant 15 : i32
    %eq3A_197 = vector.broadcast %eq3A_196 : i32 to vector<16xi32>
    %eq3A_198 = arith.cmpi eq, %iota3A, %eq3A_197 : vector<16xi32>
    tpu.vector_store_idx %arg16[%get3A_148], %broadcast_in_dim3A_28 masked %eq3A_198 {add = true} : memref<10000xf32, #tpu.memory_space<vmem>>[vector<16xi32>], vector<16xf32>, vector<16xi1>
    %add3A_199 = arith.constant 32 : i32
    %add3A_200 = arith.addi %mul3A_92, %add3A_199 : i32
    %get3A_201 = arith.index_cast %add3A_200 : i32 to index
    %get3A_202 = tpu.vector_load %arg10[%get3A_201] {strides = array<i32>} : memref<2000xi32, #tpu.memory_space<vmem>>, vector<16xi32>,
    %swap3A_203 = arith.constant 0 : index
    %swap3A_204 = tpu.vector_load %arg13[%swap3A_203] {strides = array<i32>} : memref<48xi32, #tpu.memory_space<vmem>>, vector<16xi32>,
    tpu.vector_store %arg13[%swap3A_203], %get3A_202 {strides = array<i32>} : memref<48xi32, #tpu.memory_space<vmem>>, vector<16xi32>,
    %eq3A_205 = arith.constant 0 : i32
    %eq3A_206 = vector.broadcast %eq3A_205 : i32 to vector<16xi32>
    %eq3A_207 = arith.cmpi eq, %iota3A, %eq3A_206 : vector<16xi32>
    tpu.vector_store_idx %arg16[%get3A_202], %broadcast_in_dim3A_28 masked %eq3A_207 {add = true} : memref<10000xf32, #tpu.memory_space<vmem>>[vector<16xi32>], vector<16xf32>, vector<16xi1>
    %eq3A_208 = arith.constant 1 : i32
    %eq3A_209 = vector.broadcast %eq3A_208 : i32 to vector<16xi32>
    %eq3A_210 = arith.cmpi eq, %iota3A, %eq3A_209 : vector<16xi32>
    tpu.vector_store_idx %arg16[%get3A_202], %broadcast_in_dim3A_28 masked %eq3A_210 {add = true} : memref<10000xf32, #tpu.memory_space<vmem>>[vector<16xi32>], vector<16xf32>, vector<16xi1>
    %eq3A_211 = arith.constant 2 : i32
    %eq3A_212 = vector.broadcast %eq3A_211 : i32 to vector<16xi32>
    %eq3A_213 = arith.cmpi eq, %iota3A, %eq3A_212 : vector<16xi32>
    tpu.vector_store_idx %arg16[%get3A_202], %broadcast_in_dim3A_28 masked %eq3A_213 {add = true} : memref<10000xf32, #tpu.memory_space<vmem>>[vector<16xi32>], vector<16xf32>, vector<16xi1>
    %eq3A_214 = arith.constant 3 : i32
    %eq3A_215 = vector.broadcast %eq3A_214 : i32 to vector<16xi32>
    %eq3A_216 = arith.cmpi eq, %iota3A, %eq3A_215 : vector<16xi32>
    tpu.vector_store_idx %arg16[%get3A_202], %broadcast_in_dim3A_28 masked %eq3A_216 {add = true} : memref<10000xf32, #tpu.memory_space<vmem>>[vector<16xi32>], vector<16xf32>, vector<16xi1>
    %eq3A_217 = arith.constant 4 : i32
    %eq3A_218 = vector.broadcast %eq3A_217 : i32 to vector<16xi32>
    %eq3A_219 = arith.cmpi eq, %iota3A, %eq3A_218 : vector<16xi32>
    tpu.vector_store_idx %arg16[%get3A_202], %broadcast_in_dim3A_28 masked %eq3A_219 {add = true} : memref<10000xf32, #tpu.memory_space<vmem>>[vector<16xi32>], vector<16xf32>, vector<16xi1>
    %eq3A_220 = arith.constant 5 : i32
    %eq3A_221 = vector.broadcast %eq3A_220 : i32 to vector<16xi32>
    %eq3A_222 = arith.cmpi eq, %iota3A, %eq3A_221 : vector<16xi32>
    tpu.vector_store_idx %arg16[%get3A_202], %broadcast_in_dim3A_28 masked %eq3A_222 {add = true} : memref<10000xf32, #tpu.memory_space<vmem>>[vector<16xi32>], vector<16xf32>, vector<16xi1>
    %eq3A_223 = arith.constant 6 : i32
    %eq3A_224 = vector.broadcast %eq3A_223 : i32 to vector<16xi32>
    %eq3A_225 = arith.cmpi eq, %iota3A, %eq3A_224 : vector<16xi32>
    tpu.vector_store_idx %arg16[%get3A_202], %broadcast_in_dim3A_28 masked %eq3A_225 {add = true} : memref<10000xf32, #tpu.memory_space<vmem>>[vector<16xi32>], vector<16xf32>, vector<16xi1>
    %eq3A_226 = arith.constant 7 : i32
    %eq3A_227 = vector.broadcast %eq3A_226 : i32 to vector<16xi32>
    %eq3A_228 = arith.cmpi eq, %iota3A, %eq3A_227 : vector<16xi32>
    tpu.vector_store_idx %arg16[%get3A_202], %broadcast_in_dim3A_28 masked %eq3A_228 {add = true} : memref<10000xf32, #tpu.memory_space<vmem>>[vector<16xi32>], vector<16xf32>, vector<16xi1>
    %eq3A_229 = arith.constant 8 : i32
    %eq3A_230 = vector.broadcast %eq3A_229 : i32 to vector<16xi32>
    %eq3A_231 = arith.cmpi eq, %iota3A, %eq3A_230 : vector<16xi32>
    tpu.vector_store_idx %arg16[%get3A_202], %broadcast_in_dim3A_28 masked %eq3A_231 {add = true} : memref<10000xf32, #tpu.memory_space<vmem>>[vector<16xi32>], vector<16xf32>, vector<16xi1>
    %eq3A_232 = arith.constant 9 : i32
    %eq3A_233 = vector.broadcast %eq3A_232 : i32 to vector<16xi32>
    %eq3A_234 = arith.cmpi eq, %iota3A, %eq3A_233 : vector<16xi32>
    tpu.vector_store_idx %arg16[%get3A_202], %broadcast_in_dim3A_28 masked %eq3A_234 {add = true} : memref<10000xf32, #tpu.memory_space<vmem>>[vector<16xi32>], vector<16xf32>, vector<16xi1>
    %eq3A_235 = arith.constant 10 : i32
    %eq3A_236 = vector.broadcast %eq3A_235 : i32 to vector<16xi32>
    %eq3A_237 = arith.cmpi eq, %iota3A, %eq3A_236 : vector<16xi32>
    tpu.vector_store_idx %arg16[%get3A_202], %broadcast_in_dim3A_28 masked %eq3A_237 {add = true} : memref<10000xf32, #tpu.memory_space<vmem>>[vector<16xi32>], vector<16xf32>, vector<16xi1>
    %eq3A_238 = arith.constant 11 : i32
    %eq3A_239 = vector.broadcast %eq3A_238 : i32 to vector<16xi32>
    %eq3A_240 = arith.cmpi eq, %iota3A, %eq3A_239 : vector<16xi32>
    tpu.vector_store_idx %arg16[%get3A_202], %broadcast_in_dim3A_28 masked %eq3A_240 {add = true} : memref<10000xf32, #tpu.memory_space<vmem>>[vector<16xi32>], vector<16xf32>, vector<16xi1>
    %eq3A_241 = arith.constant 12 : i32
    %eq3A_242 = vector.broadcast %eq3A_241 : i32 to vector<16xi32>
    %eq3A_243 = arith.cmpi eq, %iota3A, %eq3A_242 : vector<16xi32>
    tpu.vector_store_idx %arg16[%get3A_202], %broadcast_in_dim3A_28 masked %eq3A_243 {add = true} : memref<10000xf32, #tpu.memory_space<vmem>>[vector<16xi32>], vector<16xf32>, vector<16xi1>
    %eq3A_244 = arith.constant 13 : i32
    %eq3A_245 = vector.broadcast %eq3A_244 : i32 to vector<16xi32>
    %eq3A_246 = arith.cmpi eq, %iota3A, %eq3A_245 : vector<16xi32>
    tpu.vector_store_idx %arg16[%get3A_202], %broadcast_in_dim3A_28 masked %eq3A_246 {add = true} : memref<10000xf32, #tpu.memory_space<vmem>>[vector<16xi32>], vector<16xf32>, vector<16xi1>
    %eq3A_247 = arith.constant 14 : i32
    %eq3A_248 = vector.broadcast %eq3A_247 : i32 to vector<16xi32>
    %eq3A_249 = arith.cmpi eq, %iota3A, %eq3A_248 : vector<16xi32>
    tpu.vector_store_idx %arg16[%get3A_202], %broadcast_in_dim3A_28 masked %eq3A_249 {add = true} : memref<10000xf32, #tpu.memory_space<vmem>>[vector<16xi32>], vector<16xf32>, vector<16xi1>
    %eq3A_250 = arith.constant 15 : i32
    %eq3A_251 = vector.broadcast %eq3A_250 : i32 to vector<16xi32>
    %eq3A_252 = arith.cmpi eq, %iota3A, %eq3A_251 : vector<16xi32>
    tpu.vector_store_idx %arg16[%get3A_202], %broadcast_in_dim3A_28 masked %eq3A_252 {add = true} : memref<10000xf32, #tpu.memory_space<vmem>>[vector<16xi32>], vector<16xf32>, vector<16xi1>
    %add3A_253 = arith.constant 48 : i32
    %add3A_254 = arith.addi %mul3A_92, %add3A_253 : i32
    %get3A_255 = arith.index_cast %add3A_254 : i32 to index
    %get3A_256 = tpu.vector_load %arg10[%get3A_255] {strides = array<i32>} : memref<2000xi32, #tpu.memory_space<vmem>>, vector<16xi32>,
    %swap3A_257 = arith.constant 16 : index
    %swap3A_258 = tpu.vector_load %arg13[%swap3A_257] {strides = array<i32>} : memref<48xi32, #tpu.memory_space<vmem>>, vector<16xi32>,
    tpu.vector_store %arg13[%swap3A_257], %get3A_256 {strides = array<i32>} : memref<48xi32, #tpu.memory_space<vmem>>, vector<16xi32>,
    %eq3A_259 = arith.constant 0 : i32
    %eq3A_260 = vector.broadcast %eq3A_259 : i32 to vector<16xi32>
    %eq3A_261 = arith.cmpi eq, %iota3A, %eq3A_260 : vector<16xi32>
    tpu.vector_store_idx %arg16[%get3A_256], %broadcast_in_dim3A_28 masked %eq3A_261 {add = true} : memref<10000xf32, #tpu.memory_space<vmem>>[vector<16xi32>], vector<16xf32>, vector<16xi1>
    %eq3A_262 = arith.constant 1 : i32
    %eq3A_263 = vector.broadcast %eq3A_262 : i32 to vector<16xi32>
    %eq3A_264 = arith.cmpi eq, %iota3A, %eq3A_263 : vector<16xi32>
    tpu.vector_store_idx %arg16[%get3A_256], %broadcast_in_dim3A_28 masked %eq3A_264 {add = true} : memref<10000xf32, #tpu.memory_space<vmem>>[vector<16xi32>], vector<16xf32>, vector<16xi1>
    %eq3A_265 = arith.constant 2 : i32
    %eq3A_266 = vector.broadcast %eq3A_265 : i32 to vector<16xi32>
    %eq3A_267 = arith.cmpi eq, %iota3A, %eq3A_266 : vector<16xi32>
    tpu.vector_store_idx %arg16[%get3A_256], %broadcast_in_dim3A_28 masked %eq3A_267 {add = true} : memref<10000xf32, #tpu.memory_space<vmem>>[vector<16xi32>], vector<16xf32>, vector<16xi1>
    %eq3A_268 = arith.constant 3 : i32
    %eq3A_269 = vector.broadcast %eq3A_268 : i32 to vector<16xi32>
    %eq3A_270 = arith.cmpi eq, %iota3A, %eq3A_269 : vector<16xi32>
    tpu.vector_store_idx %arg16[%get3A_256], %broadcast_in_dim3A_28 masked %eq3A_270 {add = true} : memref<10000xf32, #tpu.memory_space<vmem>>[vector<16xi32>], vector<16xf32>, vector<16xi1>
    %eq3A_271 = arith.constant 4 : i32
    %eq3A_272 = vector.broadcast %eq3A_271 : i32 to vector<16xi32>
    %eq3A_273 = arith.cmpi eq, %iota3A, %eq3A_272 : vector<16xi32>
    tpu.vector_store_idx %arg16[%get3A_256], %broadcast_in_dim3A_28 masked %eq3A_273 {add = true} : memref<10000xf32, #tpu.memory_space<vmem>>[vector<16xi32>], vector<16xf32>, vector<16xi1>
    %eq3A_274 = arith.constant 5 : i32
    %eq3A_275 = vector.broadcast %eq3A_274 : i32 to vector<16xi32>
    %eq3A_276 = arith.cmpi eq, %iota3A, %eq3A_275 : vector<16xi32>
    tpu.vector_store_idx %arg16[%get3A_256], %broadcast_in_dim3A_28 masked %eq3A_276 {add = true} : memref<10000xf32, #tpu.memory_space<vmem>>[vector<16xi32>], vector<16xf32>, vector<16xi1>
    %eq3A_277 = arith.constant 6 : i32
    %eq3A_278 = vector.broadcast %eq3A_277 : i32 to vector<16xi32>
    %eq3A_279 = arith.cmpi eq, %iota3A, %eq3A_278 : vector<16xi32>
    tpu.vector_store_idx %arg16[%get3A_256], %broadcast_in_dim3A_28 masked %eq3A_279 {add = true} : memref<10000xf32, #tpu.memory_space<vmem>>[vector<16xi32>], vector<16xf32>, vector<16xi1>
    %eq3A_280 = arith.constant 7 : i32
    %eq3A_281 = vector.broadcast %eq3A_280 : i32 to vector<16xi32>
    %eq3A_282 = arith.cmpi eq, %iota3A, %eq3A_281 : vector<16xi32>
    tpu.vector_store_idx %arg16[%get3A_256], %broadcast_in_dim3A_28 masked %eq3A_282 {add = true} : memref<10000xf32, #tpu.memory_space<vmem>>[vector<16xi32>], vector<16xf32>, vector<16xi1>
    %eq3A_283 = arith.constant 8 : i32
    %eq3A_284 = vector.broadcast %eq3A_283 : i32 to vector<16xi32>
    %eq3A_285 = arith.cmpi eq, %iota3A, %eq3A_284 : vector<16xi32>
    tpu.vector_store_idx %arg16[%get3A_256], %broadcast_in_dim3A_28 masked %eq3A_285 {add = true} : memref<10000xf32, #tpu.memory_space<vmem>>[vector<16xi32>], vector<16xf32>, vector<16xi1>
    %eq3A_286 = arith.constant 9 : i32
    %eq3A_287 = vector.broadcast %eq3A_286 : i32 to vector<16xi32>
    %eq3A_288 = arith.cmpi eq, %iota3A, %eq3A_287 : vector<16xi32>
    tpu.vector_store_idx %arg16[%get3A_256], %broadcast_in_dim3A_28 masked %eq3A_288 {add = true} : memref<10000xf32, #tpu.memory_space<vmem>>[vector<16xi32>], vector<16xf32>, vector<16xi1>
    %eq3A_289 = arith.constant 10 : i32
    %eq3A_290 = vector.broadcast %eq3A_289 : i32 to vector<16xi32>
    %eq3A_291 = arith.cmpi eq, %iota3A, %eq3A_290 : vector<16xi32>
    tpu.vector_store_idx %arg16[%get3A_256], %broadcast_in_dim3A_28 masked %eq3A_291 {add = true} : memref<10000xf32, #tpu.memory_space<vmem>>[vector<16xi32>], vector<16xf32>, vector<16xi1>
    %eq3A_292 = arith.constant 11 : i32
    %eq3A_293 = vector.broadcast %eq3A_292 : i32 to vector<16xi32>
    %eq3A_294 = arith.cmpi eq, %iota3A, %eq3A_293 : vector<16xi32>
    tpu.vector_store_idx %arg16[%get3A_256], %broadcast_in_dim3A_28 masked %eq3A_294 {add = true} : memref<10000xf32, #tpu.memory_space<vmem>>[vector<16xi32>], vector<16xf32>, vector<16xi1>
    %eq3A_295 = arith.constant 12 : i32
    %eq3A_296 = vector.broadcast %eq3A_295 : i32 to vector<16xi32>
    %eq3A_297 = arith.cmpi eq, %iota3A, %eq3A_296 : vector<16xi32>
    tpu.vector_store_idx %arg16[%get3A_256], %broadcast_in_dim3A_28 masked %eq3A_297 {add = true} : memref<10000xf32, #tpu.memory_space<vmem>>[vector<16xi32>], vector<16xf32>, vector<16xi1>
    %eq3A_298 = arith.constant 13 : i32
    %eq3A_299 = vector.broadcast %eq3A_298 : i32 to vector<16xi32>
    %eq3A_300 = arith.cmpi eq, %iota3A, %eq3A_299 : vector<16xi32>
    tpu.vector_store_idx %arg16[%get3A_256], %broadcast_in_dim3A_28 masked %eq3A_300 {add = true} : memref<10000xf32, #tpu.memory_space<vmem>>[vector<16xi32>], vector<16xf32>, vector<16xi1>
    %eq3A_301 = arith.constant 14 : i32
    %eq3A_302 = vector.broadcast %eq3A_301 : i32 to vector<16xi32>
    %eq3A_303 = arith.cmpi eq, %iota3A, %eq3A_302 : vector<16xi32>
    tpu.vector_store_idx %arg16[%get3A_256], %broadcast_in_dim3A_28 masked %eq3A_303 {add = true} : memref<10000xf32, #tpu.memory_space<vmem>>[vector<16xi32>], vector<16xf32>, vector<16xi1>
    %eq3A_304 = arith.constant 15 : i32
    %eq3A_305 = vector.broadcast %eq3A_304 : i32 to vector<16xi32>
    %eq3A_306 = arith.cmpi eq, %iota3A, %eq3A_305 : vector<16xi32>
    tpu.vector_store_idx %arg16[%get3A_256], %broadcast_in_dim3A_28 masked %eq3A_306 {add = true} : memref<10000xf32, #tpu.memory_space<vmem>>[vector<16xi32>], vector<16xf32>, vector<16xi1>
    %add3A_307 = arith.constant 64 : i32
    %add3A_308 = arith.addi %mul3A_92, %add3A_307 : i32
    %get3A_309 = arith.index_cast %add3A_308 : i32 to index
    %get3A_310 = tpu.vector_load %arg10[%get3A_309] {strides = array<i32>} : memref<2000xi32, #tpu.memory_space<vmem>>, vector<16xi32>,
    %swap3A_311 = arith.constant 32 : index
    %swap3A_312 = tpu.vector_load %arg13[%swap3A_311] {strides = array<i32>} : memref<48xi32, #tpu.memory_space<vmem>>, vector<16xi32>,
    tpu.vector_store %arg13[%swap3A_311], %get3A_310 {strides = array<i32>} : memref<48xi32, #tpu.memory_space<vmem>>, vector<16xi32>,
    %eq3A_313 = arith.constant 0 : i32
    %eq3A_314 = vector.broadcast %eq3A_313 : i32 to vector<16xi32>
    %eq3A_315 = arith.cmpi eq, %iota3A, %eq3A_314 : vector<16xi32>
    tpu.vector_store_idx %arg16[%get3A_310], %broadcast_in_dim3A_28 masked %eq3A_315 {add = true} : memref<10000xf32, #tpu.memory_space<vmem>>[vector<16xi32>], vector<16xf32>, vector<16xi1>
    %eq3A_316 = arith.constant 1 : i32
    %eq3A_317 = vector.broadcast %eq3A_316 : i32 to vector<16xi32>
    %eq3A_318 = arith.cmpi eq, %iota3A, %eq3A_317 : vector<16xi32>
    tpu.vector_store_idx %arg16[%get3A_310], %broadcast_in_dim3A_28 masked %eq3A_318 {add = true} : memref<10000xf32, #tpu.memory_space<vmem>>[vector<16xi32>], vector<16xf32>, vector<16xi1>
    %eq3A_319 = arith.constant 2 : i32
    %eq3A_320 = vector.broadcast %eq3A_319 : i32 to vector<16xi32>
    %eq3A_321 = arith.cmpi eq, %iota3A, %eq3A_320 : vector<16xi32>
    tpu.vector_store_idx %arg16[%get3A_310], %broadcast_in_dim3A_28 masked %eq3A_321 {add = true} : memref<10000xf32, #tpu.memory_space<vmem>>[vector<16xi32>], vector<16xf32>, vector<16xi1>
    %eq3A_322 = arith.constant 3 : i32
    %eq3A_323 = vector.broadcast %eq3A_322 : i32 to vector<16xi32>
    %eq3A_324 = arith.cmpi eq, %iota3A, %eq3A_323 : vector<16xi32>
    tpu.vector_store_idx %arg16[%get3A_310], %broadcast_in_dim3A_28 masked %eq3A_324 {add = true} : memref<10000xf32, #tpu.memory_space<vmem>>[vector<16xi32>], vector<16xf32>, vector<16xi1>
    %eq3A_325 = arith.constant 4 : i32
    %eq3A_326 = vector.broadcast %eq3A_325 : i32 to vector<16xi32>
    %eq3A_327 = arith.cmpi eq, %iota3A, %eq3A_326 : vector<16xi32>
    tpu.vector_store_idx %arg16[%get3A_310], %broadcast_in_dim3A_28 masked %eq3A_327 {add = true} : memref<10000xf32, #tpu.memory_space<vmem>>[vector<16xi32>], vector<16xf32>, vector<16xi1>
    %eq3A_328 = arith.constant 5 : i32
    %eq3A_329 = vector.broadcast %eq3A_328 : i32 to vector<16xi32>
    %eq3A_330 = arith.cmpi eq, %iota3A, %eq3A_329 : vector<16xi32>
    tpu.vector_store_idx %arg16[%get3A_310], %broadcast_in_dim3A_28 masked %eq3A_330 {add = true} : memref<10000xf32, #tpu.memory_space<vmem>>[vector<16xi32>], vector<16xf32>, vector<16xi1>
    %eq3A_331 = arith.constant 6 : i32
    %eq3A_332 = vector.broadcast %eq3A_331 : i32 to vector<16xi32>
    %eq3A_333 = arith.cmpi eq, %iota3A, %eq3A_332 : vector<16xi32>
    tpu.vector_store_idx %arg16[%get3A_310], %broadcast_in_dim3A_28 masked %eq3A_333 {add = true} : memref<10000xf32, #tpu.memory_space<vmem>>[vector<16xi32>], vector<16xf32>, vector<16xi1>
    %eq3A_334 = arith.constant 7 : i32
    %eq3A_335 = vector.broadcast %eq3A_334 : i32 to vector<16xi32>
    %eq3A_336 = arith.cmpi eq, %iota3A, %eq3A_335 : vector<16xi32>
    tpu.vector_store_idx %arg16[%get3A_310], %broadcast_in_dim3A_28 masked %eq3A_336 {add = true} : memref<10000xf32, #tpu.memory_space<vmem>>[vector<16xi32>], vector<16xf32>, vector<16xi1>
    %eq3A_337 = arith.constant 8 : i32
    %eq3A_338 = vector.broadcast %eq3A_337 : i32 to vector<16xi32>
    %eq3A_339 = arith.cmpi eq, %iota3A, %eq3A_338 : vector<16xi32>
    tpu.vector_store_idx %arg16[%get3A_310], %broadcast_in_dim3A_28 masked %eq3A_339 {add = true} : memref<10000xf32, #tpu.memory_space<vmem>>[vector<16xi32>], vector<16xf32>, vector<16xi1>
    %eq3A_340 = arith.constant 9 : i32
    %eq3A_341 = vector.broadcast %eq3A_340 : i32 to vector<16xi32>
    %eq3A_342 = arith.cmpi eq, %iota3A, %eq3A_341 : vector<16xi32>
    tpu.vector_store_idx %arg16[%get3A_310], %broadcast_in_dim3A_28 masked %eq3A_342 {add = true} : memref<10000xf32, #tpu.memory_space<vmem>>[vector<16xi32>], vector<16xf32>, vector<16xi1>
    %eq3A_343 = arith.constant 10 : i32
    %eq3A_344 = vector.broadcast %eq3A_343 : i32 to vector<16xi32>
    %eq3A_345 = arith.cmpi eq, %iota3A, %eq3A_344 : vector<16xi32>
    tpu.vector_store_idx %arg16[%get3A_310], %broadcast_in_dim3A_28 masked %eq3A_345 {add = true} : memref<10000xf32, #tpu.memory_space<vmem>>[vector<16xi32>], vector<16xf32>, vector<16xi1>
    %eq3A_346 = arith.constant 11 : i32
    %eq3A_347 = vector.broadcast %eq3A_346 : i32 to vector<16xi32>
    %eq3A_348 = arith.cmpi eq, %iota3A, %eq3A_347 : vector<16xi32>
    tpu.vector_store_idx %arg16[%get3A_310], %broadcast_in_dim3A_28 masked %eq3A_348 {add = true} : memref<10000xf32, #tpu.memory_space<vmem>>[vector<16xi32>], vector<16xf32>, vector<16xi1>
    %eq3A_349 = arith.constant 12 : i32
    %eq3A_350 = vector.broadcast %eq3A_349 : i32 to vector<16xi32>
    %eq3A_351 = arith.cmpi eq, %iota3A, %eq3A_350 : vector<16xi32>
    tpu.vector_store_idx %arg16[%get3A_310], %broadcast_in_dim3A_28 masked %eq3A_351 {add = true} : memref<10000xf32, #tpu.memory_space<vmem>>[vector<16xi32>], vector<16xf32>, vector<16xi1>
    %eq3A_352 = arith.constant 13 : i32
    %eq3A_353 = vector.broadcast %eq3A_352 : i32 to vector<16xi32>
    %eq3A_354 = arith.cmpi eq, %iota3A, %eq3A_353 : vector<16xi32>
    tpu.vector_store_idx %arg16[%get3A_310], %broadcast_in_dim3A_28 masked %eq3A_354 {add = true} : memref<10000xf32, #tpu.memory_space<vmem>>[vector<16xi32>], vector<16xf32>, vector<16xi1>
    %eq3A_355 = arith.constant 14 : i32
    %eq3A_356 = vector.broadcast %eq3A_355 : i32 to vector<16xi32>
    %eq3A_357 = arith.cmpi eq, %iota3A, %eq3A_356 : vector<16xi32>
    tpu.vector_store_idx %arg16[%get3A_310], %broadcast_in_dim3A_28 masked %eq3A_357 {add = true} : memref<10000xf32, #tpu.memory_space<vmem>>[vector<16xi32>], vector<16xf32>, vector<16xi1>
    %eq3A_358 = arith.constant 15 : i32
    %eq3A_359 = vector.broadcast %eq3A_358 : i32 to vector<16xi32>
    %eq3A_360 = arith.cmpi eq, %iota3A, %eq3A_359 : vector<16xi32>
    tpu.vector_store_idx %arg16[%get3A_310], %broadcast_in_dim3A_28 masked %eq3A_360 {add = true} : memref<10000xf32, #tpu.memory_space<vmem>>[vector<16xi32>], vector<16xf32>, vector<16xi1>
    %rem3A_361 = arith.constant 124 : i32
    %rem3A_362 = arith.constant 2 : i32
    %rem3A_363 = arith.remsi %rem3A_361, %rem3A_362 : i32
    %parallel_loop3A = arith.constant 0 : i32
    %parallel_loop3A_364 = arith.constant 80 : i32
    %parallel_loop3A_365 = arith.constant 1 : i32
    scf.for %parallel_loop3A_385 = %parallel_loop3A to %parallel_loop3A_364 step %parallel_loop3A_365  : i32 {
      %parallel_loop3A_386 = arith.index_cast %rem3A_363 : i32 to index
      %parallel_loop3A_387 = arith.index_cast %parallel_loop3A_385 : i32 to index
      %parallel_loop3A_388 = arith.constant 0 : index
      %parallel_loop3A_389 = tpu.vector_load %arg14[%parallel_loop3A_386, %parallel_loop3A_387, %parallel_loop3A_388] {strides = array<i32>} : memref<2x80x128xf32, #tpu.memory_space<vmem>>, vector<16xf32>,
      %parallel_loop3A_390 = arith.index_cast %parallel_loop3A_385 : i32 to index
      %parallel_loop3A_391 = arith.constant 0 : index
      %parallel_loop3A_392 = tpu.vector_load %arg15[%parallel_loop3A_390, %parallel_loop3A_391] {strides = array<i32>} : memref<80x128xf32, #tpu.memory_space<vmem>>, vector<16xf32>,
      %parallel_loop3A_393 = arith.addf %parallel_loop3A_389, %parallel_loop3A_392 : vector<16xf32>
      %parallel_loop3A_394 = arith.constant 0.000000e+00 : f32
      %parallel_loop3A_395 = vector.broadcast %parallel_loop3A_394 : f32 to vector<16xf32>
      %parallel_loop3A_396 = arith.maximumf %parallel_loop3A_393, %parallel_loop3A_395 : vector<16xf32>
      %parallel_loop3A_397 = arith.index_cast %rem3A_363 : i32 to index
      %parallel_loop3A_398 = arith.index_cast %parallel_loop3A_385 : i32 to index
      %parallel_loop3A_399 = arith.constant 0 : index
      %parallel_loop3A_400 = tpu.vector_load %arg14[%parallel_loop3A_397, %parallel_loop3A_398, %parallel_loop3A_399] {strides = array<i32>} : memref<2x80x128xf32, #tpu.memory_space<vmem>>, vector<16xf32>,
      tpu.vector_store %arg14[%parallel_loop3A_397, %parallel_loop3A_398, %parallel_loop3A_399], %parallel_loop3A_396 {strides = array<i32>} : memref<2x80x128xf32, #tpu.memory_space<vmem>>, vector<16xf32>,
      %parallel_loop3A_401 = arith.index_cast %rem3A_363 : i32 to index
      %parallel_loop3A_402 = arith.index_cast %parallel_loop3A_385 : i32 to index
      %parallel_loop3A_403 = arith.constant 16 : index
      %parallel_loop3A_404 = tpu.vector_load %arg14[%parallel_loop3A_401, %parallel_loop3A_402, %parallel_loop3A_403] {strides = array<i32>} : memref<2x80x128xf32, #tpu.memory_space<vmem>>, vector<16xf32>,
      %parallel_loop3A_405 = arith.index_cast %parallel_loop3A_385 : i32 to index
      %parallel_loop3A_406 = arith.constant 16 : index
      %parallel_loop3A_407 = tpu.vector_load %arg15[%parallel_loop3A_405, %parallel_loop3A_406] {strides = array<i32>} : memref<80x128xf32, #tpu.memory_space<vmem>>, vector<16xf32>,
      %parallel_loop3A_408 = arith.addf %parallel_loop3A_404, %parallel_loop3A_407 : vector<16xf32>
      %parallel_loop3A_409 = arith.constant 0.000000e+00 : f32
      %parallel_loop3A_410 = vector.broadcast %parallel_loop3A_409 : f32 to vector<16xf32>
      %parallel_loop3A_411 = arith.maximumf %parallel_loop3A_408, %parallel_loop3A_410 : vector<16xf32>
      %parallel_loop3A_412 = arith.index_cast %rem3A_363 : i32 to index
      %parallel_loop3A_413 = arith.index_cast %parallel_loop3A_385 : i32 to index
      %parallel_loop3A_414 = arith.constant 16 : index
      %parallel_loop3A_415 = tpu.vector_load %arg14[%parallel_loop3A_412, %parallel_loop3A_413, %parallel_loop3A_414] {strides = array<i32>} : memref<2x80x128xf32, #tpu.memory_space<vmem>>, vector<16xf32>,
      tpu.vector_store %arg14[%parallel_loop3A_412, %parallel_loop3A_413, %parallel_loop3A_414], %parallel_loop3A_411 {strides = array<i32>} : memref<2x80x128xf32, #tpu.memory_space<vmem>>, vector<16xf32>,
      %parallel_loop3A_416 = arith.index_cast %rem3A_363 : i32 to index
      %parallel_loop3A_417 = arith.index_cast %parallel_loop3A_385 : i32 to index
      %parallel_loop3A_418 = arith.constant 32 : index
      %parallel_loop3A_419 = tpu.vector_load %arg14[%parallel_loop3A_416, %parallel_loop3A_417, %parallel_loop3A_418] {strides = array<i32>} : memref<2x80x128xf32, #tpu.memory_space<vmem>>, vector<16xf32>,
      %parallel_loop3A_420 = arith.index_cast %parallel_loop3A_385 : i32 to index
      %parallel_loop3A_421 = arith.constant 32 : index
      %parallel_loop3A_422 = tpu.vector_load %arg15[%parallel_loop3A_420, %parallel_loop3A_421] {strides = array<i32>} : memref<80x128xf32, #tpu.memory_space<vmem>>, vector<16xf32>,
      %parallel_loop3A_423 = arith.addf %parallel_loop3A_419, %parallel_loop3A_422 : vector<16xf32>
      %parallel_loop3A_424 = arith.constant 0.000000e+00 : f32
      %parallel_loop3A_425 = vector.broadcast %parallel_loop3A_424 : f32 to vector<16xf32>
      %parallel_loop3A_426 = arith.maximumf %parallel_loop3A_423, %parallel_loop3A_425 : vector<16xf32>
      %parallel_loop3A_427 = arith.index_cast %rem3A_363 : i32 to index
      %parallel_loop3A_428 = arith.index_cast %parallel_loop3A_385 : i32 to index
      %parallel_loop3A_429 = arith.constant 32 : index
      %parallel_loop3A_430 = tpu.vector_load %arg14[%parallel_loop3A_427, %parallel_loop3A_428, %parallel_loop3A_429] {strides = array<i32>} : memref<2x80x128xf32, #tpu.memory_space<vmem>>, vector<16xf32>,
      tpu.vector_store %arg14[%parallel_loop3A_427, %parallel_loop3A_428, %parallel_loop3A_429], %parallel_loop3A_426 {strides = array<i32>} : memref<2x80x128xf32, #tpu.memory_space<vmem>>, vector<16xf32>,
      %parallel_loop3A_431 = arith.index_cast %rem3A_363 : i32 to index
      %parallel_loop3A_432 = arith.index_cast %parallel_loop3A_385 : i32 to index
      %parallel_loop3A_433 = arith.constant 48 : index
      %parallel_loop3A_434 = tpu.vector_load %arg14[%parallel_loop3A_431, %parallel_loop3A_432, %parallel_loop3A_433] {strides = array<i32>} : memref<2x80x128xf32, #tpu.memory_space<vmem>>, vector<16xf32>,
      %parallel_loop3A_435 = arith.index_cast %parallel_loop3A_385 : i32 to index
      %parallel_loop3A_436 = arith.constant 48 : index
      %parallel_loop3A_437 = tpu.vector_load %arg15[%parallel_loop3A_435, %parallel_loop3A_436] {strides = array<i32>} : memref<80x128xf32, #tpu.memory_space<vmem>>, vector<16xf32>,
      %parallel_loop3A_438 = arith.addf %parallel_loop3A_434, %parallel_loop3A_437 : vector<16xf32>
      %parallel_loop3A_439 = arith.constant 0.000000e+00 : f32
      %parallel_loop3A_440 = vector.broadcast %parallel_loop3A_439 : f32 to vector<16xf32>
      %parallel_loop3A_441 = arith.maximumf %parallel_loop3A_438, %parallel_loop3A_440 : vector<16xf32>
      %parallel_loop3A_442 = arith.index_cast %rem3A_363 : i32 to index
      %parallel_loop3A_443 = arith.index_cast %parallel_loop3A_385 : i32 to index
      %parallel_loop3A_444 = arith.constant 48 : index
      %parallel_loop3A_445 = tpu.vector_load %arg14[%parallel_loop3A_442, %parallel_loop3A_443, %parallel_loop3A_444] {strides = array<i32>} : memref<2x80x128xf32, #tpu.memory_space<vmem>>, vector<16xf32>,
      tpu.vector_store %arg14[%parallel_loop3A_442, %parallel_loop3A_443, %parallel_loop3A_444], %parallel_loop3A_441 {strides = array<i32>} : memref<2x80x128xf32, #tpu.memory_space<vmem>>, vector<16xf32>,
      %parallel_loop3A_446 = arith.index_cast %rem3A_363 : i32 to index
      %parallel_loop3A_447 = arith.index_cast %parallel_loop3A_385 : i32 to index
      %parallel_loop3A_448 = arith.constant 64 : index
      %parallel_loop3A_449 = tpu.vector_load %arg14[%parallel_loop3A_446, %parallel_loop3A_447, %parallel_loop3A_448] {strides = array<i32>} : memref<2x80x128xf32, #tpu.memory_space<vmem>>, vector<16xf32>,
      %parallel_loop3A_450 = arith.index_cast %parallel_loop3A_385 : i32 to index
      %parallel_loop3A_451 = arith.constant 64 : index
      %parallel_loop3A_452 = tpu.vector_load %arg15[%parallel_loop3A_450, %parallel_loop3A_451] {strides = array<i32>} : memref<80x128xf32, #tpu.memory_space<vmem>>, vector<16xf32>,
      %parallel_loop3A_453 = arith.addf %parallel_loop3A_449, %parallel_loop3A_452 : vector<16xf32>
      %parallel_loop3A_454 = arith.constant 0.000000e+00 : f32
      %parallel_loop3A_455 = vector.broadcast %parallel_loop3A_454 : f32 to vector<16xf32>
      %parallel_loop3A_456 = arith.maximumf %parallel_loop3A_453, %parallel_loop3A_455 : vector<16xf32>
      %parallel_loop3A_457 = arith.index_cast %rem3A_363 : i32 to index
      %parallel_loop3A_458 = arith.index_cast %parallel_loop3A_385 : i32 to index
      %parallel_loop3A_459 = arith.constant 64 : index
      %parallel_loop3A_460 = tpu.vector_load %arg14[%parallel_loop3A_457, %parallel_loop3A_458, %parallel_loop3A_459] {strides = array<i32>} : memref<2x80x128xf32, #tpu.memory_space<vmem>>, vector<16xf32>,
      tpu.vector_store %arg14[%parallel_loop3A_457, %parallel_loop3A_458, %parallel_loop3A_459], %parallel_loop3A_456 {strides = array<i32>} : memref<2x80x128xf32, #tpu.memory_space<vmem>>, vector<16xf32>,
      %parallel_loop3A_461 = arith.index_cast %rem3A_363 : i32 to index
      %parallel_loop3A_462 = arith.index_cast %parallel_loop3A_385 : i32 to index
      %parallel_loop3A_463 = arith.constant 80 : index
      %parallel_loop3A_464 = tpu.vector_load %arg14[%parallel_loop3A_461, %parallel_loop3A_462, %parallel_loop3A_463] {strides = array<i32>} : memref<2x80x128xf32, #tpu.memory_space<vmem>>, vector<16xf32>,
      %parallel_loop3A_465 = arith.index_cast %parallel_loop3A_385 : i32 to index
      %parallel_loop3A_466 = arith.constant 80 : index
      %parallel_loop3A_467 = tpu.vector_load %arg15[%parallel_loop3A_465, %parallel_loop3A_466] {strides = array<i32>} : memref<80x128xf32, #tpu.memory_space<vmem>>, vector<16xf32>,
      %parallel_loop3A_468 = arith.addf %parallel_loop3A_464, %parallel_loop3A_467 : vector<16xf32>
      %parallel_loop3A_469 = arith.constant 0.000000e+00 : f32
      %parallel_loop3A_470 = vector.broadcast %parallel_loop3A_469 : f32 to vector<16xf32>
      %parallel_loop3A_471 = arith.maximumf %parallel_loop3A_468, %parallel_loop3A_470 : vector<16xf32>
      %parallel_loop3A_472 = arith.index_cast %rem3A_363 : i32 to index
      %parallel_loop3A_473 = arith.index_cast %parallel_loop3A_385 : i32 to index
      %parallel_loop3A_474 = arith.constant 80 : index
      %parallel_loop3A_475 = tpu.vector_load %arg14[%parallel_loop3A_472, %parallel_loop3A_473, %parallel_loop3A_474] {strides = array<i32>} : memref<2x80x128xf32, #tpu.memory_space<vmem>>, vector<16xf32>,
      tpu.vector_store %arg14[%parallel_loop3A_472, %parallel_loop3A_473, %parallel_loop3A_474], %parallel_loop3A_471 {strides = array<i32>} : memref<2x80x128xf32, #tpu.memory_space<vmem>>, vector<16xf32>,
      %parallel_loop3A_476 = arith.index_cast %rem3A_363 : i32 to index
      %parallel_loop3A_477 = arith.index_cast %parallel_loop3A_385 : i32 to index
      %parallel_loop3A_478 = arith.constant 96 : index
      %parallel_loop3A_479 = tpu.vector_load %arg14[%parallel_loop3A_476, %parallel_loop3A_477, %parallel_loop3A_478] {strides = array<i32>} : memref<2x80x128xf32, #tpu.memory_space<vmem>>, vector<16xf32>,
      %parallel_loop3A_480 = arith.index_cast %parallel_loop3A_385 : i32 to index
      %parallel_loop3A_481 = arith.constant 96 : index
      %parallel_loop3A_482 = tpu.vector_load %arg15[%parallel_loop3A_480, %parallel_loop3A_481] {strides = array<i32>} : memref<80x128xf32, #tpu.memory_space<vmem>>, vector<16xf32>,
      %parallel_loop3A_483 = arith.addf %parallel_loop3A_479, %parallel_loop3A_482 : vector<16xf32>
      %parallel_loop3A_484 = arith.constant 0.000000e+00 : f32
      %parallel_loop3A_485 = vector.broadcast %parallel_loop3A_484 : f32 to vector<16xf32>
      %parallel_loop3A_486 = arith.maximumf %parallel_loop3A_483, %parallel_loop3A_485 : vector<16xf32>
      %parallel_loop3A_487 = arith.index_cast %rem3A_363 : i32 to index
      %parallel_loop3A_488 = arith.index_cast %parallel_loop3A_385 : i32 to index
      %parallel_loop3A_489 = arith.constant 96 : index
      %parallel_loop3A_490 = tpu.vector_load %arg14[%parallel_loop3A_487, %parallel_loop3A_488, %parallel_loop3A_489] {strides = array<i32>} : memref<2x80x128xf32, #tpu.memory_space<vmem>>, vector<16xf32>,
      tpu.vector_store %arg14[%parallel_loop3A_487, %parallel_loop3A_488, %parallel_loop3A_489], %parallel_loop3A_486 {strides = array<i32>} : memref<2x80x128xf32, #tpu.memory_space<vmem>>, vector<16xf32>,
      %parallel_loop3A_491 = arith.index_cast %rem3A_363 : i32 to index
      %parallel_loop3A_492 = arith.index_cast %parallel_loop3A_385 : i32 to index
      %parallel_loop3A_493 = arith.constant 112 : index
      %parallel_loop3A_494 = tpu.vector_load %arg14[%parallel_loop3A_491, %parallel_loop3A_492, %parallel_loop3A_493] {strides = array<i32>} : memref<2x80x128xf32, #tpu.memory_space<vmem>>, vector<16xf32>,
      %parallel_loop3A_495 = arith.index_cast %parallel_loop3A_385 : i32 to index
      %parallel_loop3A_496 = arith.constant 112 : index
      %parallel_loop3A_497 = tpu.vector_load %arg15[%parallel_loop3A_495, %parallel_loop3A_496] {strides = array<i32>} : memref<80x128xf32, #tpu.memory_space<vmem>>, vector<16xf32>,
      %parallel_loop3A_498 = arith.addf %parallel_loop3A_494, %parallel_loop3A_497 : vector<16xf32>
      %parallel_loop3A_499 = arith.constant 0.000000e+00 : f32
      %parallel_loop3A_500 = vector.broadcast %parallel_loop3A_499 : f32 to vector<16xf32>
      %parallel_loop3A_501 = arith.maximumf %parallel_loop3A_498, %parallel_loop3A_500 : vector<16xf32>
      %parallel_loop3A_502 = arith.index_cast %rem3A_363 : i32 to index
      %parallel_loop3A_503 = arith.index_cast %parallel_loop3A_385 : i32 to index
      %parallel_loop3A_504 = arith.constant 112 : index
      %parallel_loop3A_505 = tpu.vector_load %arg14[%parallel_loop3A_502, %parallel_loop3A_503, %parallel_loop3A_504] {strides = array<i32>} : memref<2x80x128xf32, #tpu.memory_space<vmem>>, vector<16xf32>,
      tpu.vector_store %arg14[%parallel_loop3A_502, %parallel_loop3A_503, %parallel_loop3A_504], %parallel_loop3A_501 {strides = array<i32>} : memref<2x80x128xf32, #tpu.memory_space<vmem>>, vector<16xf32>,
    } {sc.loop_unroll_factor = 4 : i64, sc.parallel_access}
    %rem3A_366 = arith.constant 124 : i32
    %rem3A_367 = arith.constant 2 : i32
    %rem3A_368 = arith.remsi %rem3A_366, %rem3A_367 : i32
    "tpu.region"() ({
      %run_scoped3A = tpu.sem_alloc : memref<!tpu.dma_semaphore, #tpu.memory_space<semaphore_mem>>
      %dma_start3A_385 = arith.constant 0 : i32
      %dma_start3A_386 = arith.constant 0 : i32
      %dma_start3A_387 = tpu.memref_slice %arg14[%rem3A_368, %dma_start3A_385, %dma_start3A_386] : memref<2x80x128xf32, #tpu.memory_space<vmem>> -> memref<1x32x128xf32, #tpu.memory_space<vmem>>
      %dma_start3A_388 = tpu.memref_squeeze %dma_start3A_387 : memref<1x32x128xf32, #tpu.memory_space<vmem>> -> memref<32x128xf32, #tpu.memory_space<vmem>>
      %dma_start3A_389 = arith.constant 0 : i32
      %dma_start3A_390 = arith.constant 0 : i32
      %dma_start3A_391 = tpu.memref_slice %arg7[%dma_start3A_389, %dma_start3A_390] : memref<10000x128xf32, #tpu.memory_space<vmem_shared>> -> memref<10000x128xf32, #tpu.memory_space<vmem_shared>>
      tpu.enqueue_indirect_dma source(%dma_start3A_388 : memref<32x128xf32, #tpu.memory_space<vmem>>) target(%dma_start3A_391 : memref<10000x128xf32, #tpu.memory_space<vmem_shared>>) offsets(%arg12 : memref<32xi32, #tpu.memory_space<vmem>>) semaphore(%run_scoped3A : memref<!tpu.dma_semaphore, #tpu.memory_space<semaphore_mem>>) {add = true}
      %dma_wait3A_392 = arith.constant 0 : i32
      %dma_wait3A_393 = arith.constant 0 : i32
      %dma_wait3A_394 = tpu.memref_slice %arg14[%rem3A_368, %dma_wait3A_392, %dma_wait3A_393] : memref<2x80x128xf32, #tpu.memory_space<vmem>> -> memref<1x32x128xf32, #tpu.memory_space<vmem>>
      %dma_wait3A_395 = tpu.memref_squeeze %dma_wait3A_394 : memref<1x32x128xf32, #tpu.memory_space<vmem>> -> memref<32x128xf32, #tpu.memory_space<vmem>>
      %dma_wait3A_396 = arith.constant 0 : i32
      %dma_wait3A_397 = arith.constant 0 : i32
      %dma_wait3A_398 = tpu.memref_slice %arg7[%dma_wait3A_396, %dma_wait3A_397] : memref<10000x128xf32, #tpu.memory_space<vmem_shared>> -> memref<10000x128xf32, #tpu.memory_space<vmem_shared>>
      tpu.wait_indirect_dma semaphore(%run_scoped3A : memref<!tpu.dma_semaphore, #tpu.memory_space<semaphore_mem>>) src(%dma_wait3A_395 : memref<32x128xf32, #tpu.memory_space<vmem>>) dst(%dma_wait3A_398 : memref<10000x128xf32, #tpu.memory_space<vmem_shared>>)
      tpu.yield
    }) : () -> ()
    %rem3A_369 = arith.constant 124 : i32
    %rem3A_370 = arith.constant 2 : i32
    %rem3A_371 = arith.remsi %rem3A_369, %rem3A_370 : i32
    "tpu.region"() ({
      %run_scoped3A = tpu.sem_alloc : memref<!tpu.dma_semaphore, #tpu.memory_space<semaphore_mem>>
      %dma_start3A_385 = arith.constant 32 : i32
      %dma_start3A_386 = arith.constant 0 : i32
      %dma_start3A_387 = tpu.memref_slice %arg14[%rem3A_371, %dma_start3A_385, %dma_start3A_386] : memref<2x80x128xf32, #tpu.memory_space<vmem>> -> memref<1x48x128xf32, #tpu.memory_space<vmem>>
      %dma_start3A_388 = tpu.memref_squeeze %dma_start3A_387 : memref<1x48x128xf32, #tpu.memory_space<vmem>> -> memref<48x128xf32, #tpu.memory_space<vmem>>
      %dma_start3A_389 = arith.constant 0 : i32
      %dma_start3A_390 = arith.constant 0 : i32
      %dma_start3A_391 = tpu.memref_slice %arg7[%dma_start3A_389, %dma_start3A_390] : memref<10000x128xf32, #tpu.memory_space<vmem_shared>> -> memref<10000x128xf32, #tpu.memory_space<vmem_shared>>
      tpu.enqueue_indirect_dma source(%dma_start3A_388 : memref<48x128xf32, #tpu.memory_space<vmem>>) target(%dma_start3A_391 : memref<10000x128xf32, #tpu.memory_space<vmem_shared>>) offsets(%arg13 : memref<48xi32, #tpu.memory_space<vmem>>) semaphore(%run_scoped3A : memref<!tpu.dma_semaphore, #tpu.memory_space<semaphore_mem>>) {add = true}
      %dma_wait3A_392 = arith.constant 32 : i32
      %dma_wait3A_393 = arith.constant 0 : i32
      %dma_wait3A_394 = tpu.memref_slice %arg14[%rem3A_371, %dma_wait3A_392, %dma_wait3A_393] : memref<2x80x128xf32, #tpu.memory_space<vmem>> -> memref<1x48x128xf32, #tpu.memory_space<vmem>>
      %dma_wait3A_395 = tpu.memref_squeeze %dma_wait3A_394 : memref<1x48x128xf32, #tpu.memory_space<vmem>> -> memref<48x128xf32, #tpu.memory_space<vmem>>
      %dma_wait3A_396 = arith.constant 0 : i32
      %dma_wait3A_397 = arith.constant 0 : i32
      %dma_wait3A_398 = tpu.memref_slice %arg7[%dma_wait3A_396, %dma_wait3A_397] : memref<10000x128xf32, #tpu.memory_space<vmem_shared>> -> memref<10000x128xf32, #tpu.memory_space<vmem_shared>>
      tpu.wait_indirect_dma semaphore(%run_scoped3A : memref<!tpu.dma_semaphore, #tpu.memory_space<semaphore_mem>>) src(%dma_wait3A_395 : memref<48x128xf32, #tpu.memory_space<vmem>>) dst(%dma_wait3A_398 : memref<10000x128xf32, #tpu.memory_space<vmem_shared>>)
      tpu.yield
    }) : () -> ()
    %barrier3A_372 = arith.constant 0 : index
    tpu.barrier barrier_id(%barrier3A_372)
    %lt3A_373 = arith.constant 15 : i32
    %lt3A_374 = arith.cmpi slt, %arg1, %lt3A_373 : i32
    %convert_element_type3A_375 = arith.extui %lt3A_374 : i1 to i32
    %cond3A_376 = arith.constant 0 : i32
    %cond3A_377 = arith.cmpi ne, %convert_element_type3A_375, %cond3A_376 : i32
    scf.if %cond3A_377 {
      "tpu.region"() ({
        %run_scoped3A = tpu.sem_alloc : memref<!tpu.dma_semaphore, #tpu.memory_space<semaphore_mem>>
        %dma_start3A_385 = arith.constant 0 : i32
        %dma_start3A_386 = tpu.memref_slice %arg5[%arg0, %mul3A_13, %dma_start3A_385] : memref<2x10000x128xf32, #tpu.memory_space<hbm>> -> memref<1x640x128xf32, #tpu.memory_space<hbm>>
        %dma_start3A_387 = tpu.memref_squeeze %dma_start3A_386 : memref<1x640x128xf32, #tpu.memory_space<hbm>> -> memref<640x128xf32, #tpu.memory_space<hbm>>
        %dma_start3A_388 = arith.constant 0 : i32
        %dma_start3A_389 = tpu.memref_slice %arg7[%mul3A_13, %dma_start3A_388] : memref<10000x128xf32, #tpu.memory_space<vmem_shared>> -> memref<640x128xf32, #tpu.memory_space<vmem_shared>>
        tpu.enqueue_dma source(%dma_start3A_389 : memref<640x128xf32, #tpu.memory_space<vmem_shared>>) target(%dma_start3A_387 : memref<640x128xf32, #tpu.memory_space<hbm>>) target_semaphore(%run_scoped3A : memref<!tpu.dma_semaphore, #tpu.memory_space<semaphore_mem>>)
        %dma_wait3A_390 = arith.constant 0 : i32
        %dma_wait3A_391 = tpu.memref_slice %arg5[%arg0, %mul3A_13, %dma_wait3A_390] : memref<2x10000x128xf32, #tpu.memory_space<hbm>> -> memref<1x640x128xf32, #tpu.memory_space<hbm>>
        %dma_wait3A_392 = tpu.memref_squeeze %dma_wait3A_391 : memref<1x640x128xf32, #tpu.memory_space<hbm>> -> memref<640x128xf32, #tpu.memory_space<hbm>>
        %dma_wait3A_393 = arith.constant 0 : i32
        %dma_wait3A_394 = tpu.memref_slice %arg7[%mul3A_13, %dma_wait3A_393] : memref<10000x128xf32, #tpu.memory_space<vmem_shared>> -> memref<640x128xf32, #tpu.memory_space<vmem_shared>>
        tpu.wait_dma2 semaphore(%run_scoped3A : memref<!tpu.dma_semaphore, #tpu.memory_space<semaphore_mem>>) src(%dma_wait3A_394 : memref<640x128xf32, #tpu.memory_space<vmem_shared>>) dst(%dma_wait3A_392 : memref<640x128xf32, #tpu.memory_space<hbm>>)
        tpu.yield
      }) : () -> ()
    } else {
    }
    %eq3A_378 = arith.constant 15 : i32
    %eq3A_379 = arith.cmpi eq, %arg1, %eq3A_378 : i32
    %convert_element_type3A_380 = arith.extui %eq3A_379 : i1 to i32
    %cond3A_381 = arith.constant 0 : i32
    %cond3A_382 = arith.cmpi ne, %convert_element_type3A_380, %cond3A_381 : i32
    scf.if %cond3A_382 {
      "tpu.region"() ({
        %run_scoped3A = tpu.sem_alloc : memref<!tpu.dma_semaphore, #tpu.memory_space<semaphore_mem>>
        %dma_start3A_385 = arith.constant 9600 : i32
        %dma_start3A_386 = arith.constant 0 : i32
        %dma_start3A_387 = tpu.memref_slice %arg5[%arg0, %dma_start3A_385, %dma_start3A_386] : memref<2x10000x128xf32, #tpu.memory_space<hbm>> -> memref<1x400x128xf32, #tpu.memory_space<hbm>>
        %dma_start3A_388 = tpu.memref_squeeze %dma_start3A_387 : memref<1x400x128xf32, #tpu.memory_space<hbm>> -> memref<400x128xf32, #tpu.memory_space<hbm>>
        %dma_start3A_389 = arith.constant 9600 : i32
        %dma_start3A_390 = arith.constant 0 : i32
        %dma_start3A_391 = tpu.memref_slice %arg7[%dma_start3A_389, %dma_start3A_390] : memref<10000x128xf32, #tpu.memory_space<vmem_shared>> -> memref<400x128xf32, #tpu.memory_space<vmem_shared>>
        tpu.enqueue_dma source(%dma_start3A_391 : memref<400x128xf32, #tpu.memory_space<vmem_shared>>) target(%dma_start3A_388 : memref<400x128xf32, #tpu.memory_space<hbm>>) target_semaphore(%run_scoped3A : memref<!tpu.dma_semaphore, #tpu.memory_space<semaphore_mem>>)
        %dma_wait3A_392 = arith.constant 9600 : i32
        %dma_wait3A_393 = arith.constant 0 : i32
        %dma_wait3A_394 = tpu.memref_slice %arg5[%arg0, %dma_wait3A_392, %dma_wait3A_393] : memref<2x10000x128xf32, #tpu.memory_space<hbm>> -> memref<1x400x128xf32, #tpu.memory_space<hbm>>
        %dma_wait3A_395 = tpu.memref_squeeze %dma_wait3A_394 : memref<1x400x128xf32, #tpu.memory_space<hbm>> -> memref<400x128xf32, #tpu.memory_space<hbm>>
        %dma_wait3A_396 = arith.constant 9600 : i32
        %dma_wait3A_397 = arith.constant 0 : i32
        %dma_wait3A_398 = tpu.memref_slice %arg7[%dma_wait3A_396, %dma_wait3A_397] : memref<10000x128xf32, #tpu.memory_space<vmem_shared>> -> memref<400x128xf32, #tpu.memory_space<vmem_shared>>
        tpu.wait_dma2 semaphore(%run_scoped3A : memref<!tpu.dma_semaphore, #tpu.memory_space<semaphore_mem>>) src(%dma_wait3A_398 : memref<400x128xf32, #tpu.memory_space<vmem_shared>>) dst(%dma_wait3A_395 : memref<400x128xf32, #tpu.memory_space<hbm>>)
        tpu.yield
      }) : () -> ()
    } else {
    }
    %mul3A_383 = arith.constant 10000 : i32
    %mul3A_384 = arith.muli %add3A, %mul3A_383 : i32
    "tpu.region"() ({
      %run_scoped3A = tpu.sem_alloc : memref<!tpu.dma_semaphore, #tpu.memory_space<semaphore_mem>>
      %dma_start3A_385 = tpu.memref_slice %arg6[%mul3A_384] : memref<320000xf32, #tpu.memory_space<hbm>> -> memref<10000xf32, #tpu.memory_space<hbm>>
      %dma_start3A_386 = tpu.memref_slice %arg6[%mul3A_384] : memref<320000xf32, #tpu.memory_space<hbm>> -> memref<10000xf32, #tpu.memory_space<hbm>>
      tpu.enqueue_dma source(%arg16 : memref<10000xf32, #tpu.memory_space<vmem>>) target(%dma_start3A_386 : memref<10000xf32, #tpu.memory_space<hbm>>) target_semaphore(%run_scoped3A : memref<!tpu.dma_semaphore, #tpu.memory_space<semaphore_mem>>)
      %dma_wait3A_387 = tpu.memref_slice %arg6[%mul3A_384] : memref<320000xf32, #tpu.memory_space<hbm>> -> memref<10000xf32, #tpu.memory_space<hbm>>
      %dma_wait3A_388 = tpu.memref_slice %arg6[%mul3A_384] : memref<320000xf32, #tpu.memory_space<hbm>> -> memref<10000xf32, #tpu.memory_space<hbm>>
      tpu.wait_dma2 semaphore(%run_scoped3A : memref<!tpu.dma_semaphore, #tpu.memory_space<semaphore_mem>>) src(%arg16 : memref<10000xf32, #tpu.memory_space<vmem>>) dst(%dma_wait3A_388 : memref<10000xf32, #tpu.memory_space<hbm>>)
      tpu.yield
    }) : () -> ()
    return
  }
}

module attributes {stable_mosaic.version = 14 : i64} {
  func.func @_tabs_body(%arg0: i32, %arg1: memref<1000x128xf32, #tpu.memory_space<vmem>>, %arg2: memref<256x128xf32, #tpu.memory_space<vmem>>, %arg3: memref<128x128xf32, #tpu.memory_space<vmem>>, %arg4: memref<128x128xf32, #tpu.memory_space<vmem>>, %arg5: memref<1000x128xf32, #tpu.memory_space<vmem>>, %arg6: memref<256x128xf32, #tpu.memory_space<vmem>>) attributes {dimension_semantics = [#tpu.dimension_semantics<arbitrary>], iteration_bounds = array<i64: 10>, scalar_prefetch = 0 : i64, scratch_operands = 0 : i64, tpu.core_type = #tpu.core_type<tc>, window_params = [{transform_indices = @transform_0, window_bounds = array<i64: 1000, 128>}, {pipeline_mode = #tpu.pipeline_mode<synchronous>, transform_indices = @transform_1, window_bounds = array<i64: 256, 128>}, {pipeline_mode = #tpu.pipeline_mode<synchronous>, transform_indices = @transform_2, window_bounds = array<i64: 128, 128>}, {pipeline_mode = #tpu.pipeline_mode<synchronous>, transform_indices = @transform_3, window_bounds = array<i64: 128, 128>}, {transform_indices = @transform_4, window_bounds = array<i64: 1000, 128>}, {pipeline_mode = #tpu.pipeline_mode<synchronous>, transform_indices = @transform_5, window_bounds = array<i64: 256, 128>}]} {
    %get3A = arith.constant 0 : index
    %get3A_0 = arith.constant 0 : index
    %get3A_1 = vector.load %arg1[%get3A, %get3A_0] : memref<1000x128xf32, #tpu.memory_space<vmem>>, vector<1000x128xf32>
    %get3A_2 = arith.constant 0 : index
    %get3A_3 = arith.constant 0 : index
    %get3A_4 = vector.load %arg3[%get3A_2, %get3A_3] : memref<128x128xf32, #tpu.memory_space<vmem>>, vector<128x128xf32>
    %dot_general3A = arith.constant dense<0.000000e+00> : vector<1000x128xf32>
    %dot_general3A_5 = tpu.matmul %get3A_1, %get3A_4, %dot_general3A {dimension_numbers = #tpu.dot_dimension_numbers<[1], [0], [0], [1], [0, 0, 1, 1], [], []>, transpose_lhs_hint = false} : vector<1000x128xf32>, vector<128x128xf32>, vector<1000x128xf32> -> vector<1000x128xf32>
    %swap3A = arith.constant 0 : index
    %swap3A_6 = arith.constant 0 : index
    %swap3A_7 = vector.load %arg5[%swap3A, %swap3A_6] : memref<1000x128xf32, #tpu.memory_space<vmem>>, vector<1000x128xf32>
    tpu.vector_store %arg5[%swap3A, %swap3A_6], %dot_general3A_5 {strides = array<i32>} : memref<1000x128xf32, #tpu.memory_space<vmem>>, vector<1000x128xf32>,
    %eq3A = arith.constant 0 : i32
    %eq3A_8 = arith.cmpi eq, %arg0, %eq3A : i32
    %convert_element_type3A = arith.extui %eq3A_8 : i1 to i32
    %cond3A = arith.constant 0 : i32
    %cond3A_9 = arith.cmpi ne, %convert_element_type3A, %cond3A : i32
    scf.if %cond3A_9 {
      %get3A_10 = arith.constant 0 : index
      %get3A_11 = arith.constant 0 : index
      %get3A_12 = vector.load %arg2[%get3A_10, %get3A_11] : memref<256x128xf32, #tpu.memory_space<vmem>>, vector<256x128xf32>
      %get3A_13 = arith.constant 0 : index
      %get3A_14 = arith.constant 0 : index
      %get3A_15 = vector.load %arg4[%get3A_13, %get3A_14] : memref<128x128xf32, #tpu.memory_space<vmem>>, vector<128x128xf32>
      %dot_general3A_16 = arith.constant dense<0.000000e+00> : vector<256x128xf32>
      %dot_general3A_17 = tpu.matmul %get3A_12, %get3A_15, %dot_general3A_16 {dimension_numbers = #tpu.dot_dimension_numbers<[1], [0], [0], [1], [0, 0, 1, 1], [], []>, transpose_lhs_hint = false} : vector<256x128xf32>, vector<128x128xf32>, vector<256x128xf32> -> vector<256x128xf32>
      %swap3A_18 = arith.constant 0 : index
      %swap3A_19 = arith.constant 0 : index
      %swap3A_20 = vector.load %arg6[%swap3A_18, %swap3A_19] : memref<256x128xf32, #tpu.memory_space<vmem>>, vector<256x128xf32>
      tpu.vector_store %arg6[%swap3A_18, %swap3A_19], %dot_general3A_17 {strides = array<i32>} : memref<256x128xf32, #tpu.memory_space<vmem>>, vector<256x128xf32>,
    } else {
    }
    return
  }
  func.func @transform_0(%arg0: i32) -> (i32, i32) {
    %c0_i32 = arith.constant 0 : i32
    %c0_i32_0 = arith.constant 0 : i32
    return %arg0, %c0_i32 : i32, i32
  }
  func.func @transform_1(%arg0: i32) -> (i32, i32) {
    %c0_i32 = arith.constant 0 : i32
    %c0_i32_0 = arith.constant 0 : i32
    %c0_i32_1 = arith.constant 0 : i32
    return %c0_i32, %c0_i32_0 : i32, i32
  }
  func.func @transform_2(%arg0: i32) -> (i32, i32) {
    %c0_i32 = arith.constant 0 : i32
    %c0_i32_0 = arith.constant 0 : i32
    %c0_i32_1 = arith.constant 0 : i32
    return %c0_i32, %c0_i32_0 : i32, i32
  }
  func.func @transform_3(%arg0: i32) -> (i32, i32) {
    %c0_i32 = arith.constant 0 : i32
    %c0_i32_0 = arith.constant 0 : i32
    %c0_i32_1 = arith.constant 0 : i32
    return %c0_i32, %c0_i32_0 : i32, i32
  }
  func.func @transform_4(%arg0: i32) -> (i32, i32) {
    %c0_i32 = arith.constant 0 : i32
    %c0_i32_0 = arith.constant 0 : i32
    return %arg0, %c0_i32 : i32, i32
  }
  func.func @transform_5(%arg0: i32) -> (i32, i32) {
    %c0_i32 = arith.constant 0 : i32
    %c0_i32_0 = arith.constant 0 : i32
    %c0_i32_1 = arith.constant 0 : i32
    return %c0_i32, %c0_i32_0 : i32, i32
  }
}

module attributes {stable_mosaic.version = 14 : i64} {
  func.func @_out_body(%arg0: i32, %arg1: memref<1000x128xf32, #tpu.memory_space<vmem>>, %arg2: memref<2x1000x128xf32, #tpu.memory_space<vmem>>, %arg3: memref<1000x32xf32, #tpu.memory_space<vmem>>, %arg4: memref<128x128xf32, #tpu.memory_space<vmem>>, %arg5: memref<128x128xf32, #tpu.memory_space<vmem>>, %arg6: memref<1000x128xf32, #tpu.memory_space<vmem>>) attributes {dimension_semantics = [#tpu.dimension_semantics<arbitrary>], iteration_bounds = array<i64: 10>, scalar_prefetch = 0 : i64, scratch_operands = 0 : i64, tpu.core_type = #tpu.core_type<tc>, window_params = [{transform_indices = @transform_0, window_bounds = array<i64: 1000, 128>}, {transform_indices = @transform_1, window_bounds = array<i64: 2, 1000, 128>}, {transform_indices = @transform_2, window_bounds = array<i64: 1000, 32>}, {pipeline_mode = #tpu.pipeline_mode<synchronous>, transform_indices = @transform_3, window_bounds = array<i64: 128, 128>}, {pipeline_mode = #tpu.pipeline_mode<synchronous>, transform_indices = @transform_4, window_bounds = array<i64: 128, 128>}, {transform_indices = @transform_5, window_bounds = array<i64: 1000, 128>}]} {
    %get3A = arith.constant 0 : index
    %get3A_0 = arith.constant 0 : index
    %get3A_1 = arith.constant 0 : index
    %get3A_2 = vector.load %arg2[%get3A, %get3A_0, %get3A_1] : memref<2x1000x128xf32, #tpu.memory_space<vmem>>, vector<1x1000x128xf32>
    %get3A_3 = vector.shape_cast %get3A_2 : vector<1x1000x128xf32> to vector<1000x128xf32>
    %get3A_4 = arith.constant 1 : index
    %get3A_5 = arith.constant 0 : index
    %get3A_6 = arith.constant 0 : index
    %get3A_7 = vector.load %arg2[%get3A_4, %get3A_5, %get3A_6] : memref<2x1000x128xf32, #tpu.memory_space<vmem>>, vector<1x1000x128xf32>
    %get3A_8 = vector.shape_cast %get3A_7 : vector<1x1000x128xf32> to vector<1000x128xf32>
    %add3A = arith.addf %get3A_3, %get3A_8 : vector<1000x128xf32>
    %get3A_9 = arith.constant 0 : index
    %get3A_10 = arith.constant 0 : index
    %get3A_11 = vector.load %arg3[%get3A_9, %get3A_10] : memref<1000x32xf32, #tpu.memory_space<vmem>>, vector<1000x32xf32>
    %reduce_sum3A = arith.constant dense<0.000000e+00> : vector<1000xf32>
    %reduce_sum3A_12 = vector.multi_reduction <add>, %get3A_11, %reduce_sum3A [1] : vector<1000x32xf32> to vector<1000xf32>
    %broadcast_in_dim3A = vector.shape_cast %reduce_sum3A_12 : vector<1000xf32> to vector<1000x1xf32>
    %max3A = arith.constant 1.000000e+00 : f32
    %max3A_13 = vector.broadcast %max3A : f32 to vector<1000x1xf32>
    %max3A_14 = arith.maximumf %broadcast_in_dim3A, %max3A_13 : vector<1000x1xf32>
    %div3A = vector.broadcast %max3A_14 : vector<1000x1xf32> to vector<1000x128xf32>
    %div3A_15 = arith.divf %add3A, %div3A : vector<1000x128xf32>
    %get3A_16 = arith.constant 0 : index
    %get3A_17 = arith.constant 0 : index
    %get3A_18 = vector.load %arg1[%get3A_16, %get3A_17] : memref<1000x128xf32, #tpu.memory_space<vmem>>, vector<1000x128xf32>
    %get3A_19 = arith.constant 0 : index
    %get3A_20 = arith.constant 0 : index
    %get3A_21 = vector.load %arg4[%get3A_19, %get3A_20] : memref<128x128xf32, #tpu.memory_space<vmem>>, vector<128x128xf32>
    %dot_general3A = arith.constant dense<0.000000e+00> : vector<1000x128xf32>
    %dot_general3A_22 = tpu.matmul %get3A_18, %get3A_21, %dot_general3A {dimension_numbers = #tpu.dot_dimension_numbers<[1], [0], [0], [1], [0, 0, 1, 1], [], []>, transpose_lhs_hint = false} : vector<1000x128xf32>, vector<128x128xf32>, vector<1000x128xf32> -> vector<1000x128xf32>
    %get3A_23 = arith.constant 0 : index
    %get3A_24 = arith.constant 0 : index
    %get3A_25 = vector.load %arg5[%get3A_23, %get3A_24] : memref<128x128xf32, #tpu.memory_space<vmem>>, vector<128x128xf32>
    %dot_general3A_26 = arith.constant dense<0.000000e+00> : vector<1000x128xf32>
    %dot_general3A_27 = tpu.matmul %div3A_15, %get3A_25, %dot_general3A_26 {dimension_numbers = #tpu.dot_dimension_numbers<[1], [0], [0], [1], [0, 0, 1, 1], [], []>, transpose_lhs_hint = false} : vector<1000x128xf32>, vector<128x128xf32>, vector<1000x128xf32> -> vector<1000x128xf32>
    %add3A_28 = arith.addf %dot_general3A_22, %dot_general3A_27 : vector<1000x128xf32>
    %max3A_29 = arith.constant 0.000000e+00 : f32
    %max3A_30 = vector.broadcast %max3A_29 : f32 to vector<1000x128xf32>
    %max3A_31 = arith.maximumf %add3A_28, %max3A_30 : vector<1000x128xf32>
    %swap3A = arith.constant 0 : index
    %swap3A_32 = arith.constant 0 : index
    %swap3A_33 = vector.load %arg6[%swap3A, %swap3A_32] : memref<1000x128xf32, #tpu.memory_space<vmem>>, vector<1000x128xf32>
    tpu.vector_store %arg6[%swap3A, %swap3A_32], %max3A_31 {strides = array<i32>} : memref<1000x128xf32, #tpu.memory_space<vmem>>, vector<1000x128xf32>,
    return
  }
  func.func @transform_0(%arg0: i32) -> (i32, i32) {
    %c0_i32 = arith.constant 0 : i32
    %c0_i32_0 = arith.constant 0 : i32
    return %arg0, %c0_i32 : i32, i32
  }
  func.func @transform_1(%arg0: i32) -> (i32, i32, i32) {
    %c0_i32 = arith.constant 0 : i32
    %c0_i32_0 = arith.constant 0 : i32
    %c0_i32_1 = arith.constant 0 : i32
    return %c0_i32, %arg0, %c0_i32_0 : i32, i32, i32
  }
  func.func @transform_2(%arg0: i32) -> (i32, i32) {
    %c0_i32 = arith.constant 0 : i32
    %c0_i32_0 = arith.constant 0 : i32
    return %arg0, %c0_i32 : i32, i32
  }
  func.func @transform_3(%arg0: i32) -> (i32, i32) {
    %c0_i32 = arith.constant 0 : i32
    %c0_i32_0 = arith.constant 0 : i32
    %c0_i32_1 = arith.constant 0 : i32
    return %c0_i32, %c0_i32_0 : i32, i32
  }
  func.func @transform_4(%arg0: i32) -> (i32, i32) {
    %c0_i32 = arith.constant 0 : i32
    %c0_i32_0 = arith.constant 0 : i32
    %c0_i32_1 = arith.constant 0 : i32
    return %c0_i32, %c0_i32_0 : i32, i32
  }
  func.func @transform_5(%arg0: i32) -> (i32, i32) {
    %c0_i32 = arith.constant 0 : i32
    %c0_i32_0 = arith.constant 0 : i32
    return %arg0, %c0_i32 : i32, i32
  }
}

</mosaic_0001>

<sc_bundles>
// kernel: kernel.5.cloned.1.call-start
scs
__scs_entry_jumppad:
0x0: {  	(pc) =	sbr.rel $0x88, $3  }
0x1: {  	(tag) =	ssettag $0x0;
	lr =	simm.s32 $0x1  }
0x2: {  	[smem:$0x3F9B] =	sst lr;
	_ =	strace $0xD0000000  }
0x3: {  	_ = 	snop  }
0x4: {  	_ = 	snop  }
0x5: {  	_ = 	snop  }
0x6: {  	_ = 	snop  }
0x7: {  	_ = 	snop  }
__scs_overlays_trampoline_lowered:
0x8: {  	[smem:$0x3FAA] =	sst s0  }
0x9: {  	[smem:$0x3FAB] =	sst s1  }
0xa: {  	[smem:$0x3FAC] =	sst s2  }
0xb: {  	[smem:$0x3FAD] =	sst s3  }
0xc: {  	[smem:$0x3FAE] =	sst s4  }
0xd: {  	[smem:$0x3FAF] =	sst s5  }
0xe: {  	[smem:$0x3FB0] =	sst s6  }
0xf: {  	[smem:$0x3FB1] =	sst s7  }
0x10: {  	[smem:$0x3FB2] =	sst s8  }
0x11: {  	[smem:$0x3FB3] =	sst s9;
	s0 =	simm.s32 @!p0 $0x0  }
0x12: {  	s1 =	sld [smem:$0x3F99];
	s0 =	simm.s32 @p0 $0x1  }
0x13: {  	[smem:$0x3FB4] =	sst s0;
	s0 =	simm.s32 @!p1 $0x0  }
0x14: {  	s2 =	sld [smem:$0x3F98];
	s0 =	simm.s32 @p1 $0x1  }
0x15: {  	[smem:$0x3FB5] =	sst s0;
	s0 =	simm.s32 @!p2 $0x0  }
0x16: {  	s3 =	sld [smem:$0x3FDB];
	s0 =	simm.s32 @p2 $0x1  }
0x17: {  	s4 =	simm.s32 $0x1BF5;
	[smem:$0x3FB7] =	sst s0  }
0x18: {  	s0 =	sld [smem:$0x3F9A];
	_ =	swait.ge [sflag:s4], $0x0  }
0x19: {  	s7 =	sld [smem:$0x3F9B]  }
0x1a: {  	s8 =	sadd.s32 $0xFFFFE003, lr  }
0x1b: {  	s9 =	sadd.s32 $0xFFFFFEF7, lr;
	s5 =	simm.s32 $0xFFFFFFFF;
	p2 =	slt.u32 s8, $0xFFFFF086  }
0x1c: {  	p1 =	slt.u32 s9, $0xF7A;
	s5 =	simm.s32 @!p2 $0x0  }
0x1d: {  	s5 =	simm.s32 @p1 $0x1;
	p0 =	seq.s32 s7, s2  }
0x1e: {  	s7 =	smul.u32 @!p0 $0xF7A, s2;
	p2 =	seq.s32 @!p0 s5, $0x0  }
0x1f: {  	s9 =	smul.u32 $0xF7A, s1;
	s8 =	simm.s32 @!p0 $0x1BF5;
	p2 =	por !p2, p0  }
0x20: {  	[sflag:s8] =	ssyncset.s32 @!p0 $0xFFFFF086;
	s6 =	sadd.s32 @!p0 s3, s7;
	s7 =	simm.s32 @!p0 $0x108  }
0x21: {  	s3 =	sadd.s32 s3, s9;
	s6 =	sadd.s32 @!p0 $0x88, s6;
	s7 =	simm.s32 @p2 $0x1082  }
0x22: {  	[simem:s7], [sflag:s8] =	dma.local @!p0 [hbm:s6], $0xF7A  }
0x23: {  	s9 =	sor.u32 $0xD0000000, s2;
	s6 =	simm.s32 $0x108;
	_ =	swait.ge @!p0 [sflag:s8], $0x0  }
0x24: {  	s3 =	sadd.s32 $0x88, s3;
	s6 =	simm.s32 @!p1 $0x1082;
	[sflag:s4] =	ssyncset.s32 $0xFFFFF086  }
0x25: {  	[simem:s6], [sflag:s4] =	dma.local [hbm:s3], $0xF7A  }
0x26: {  	[smem:$0x3F9B] =	sst s1;
	(tag) =	ssettag s2;
	_ =	strace s9  }
0x27: {  	s1 =	sld [smem:$0x3FAB]  }
0x28: {  	s2 =	sld [smem:$0x3FAC]  }
0x29: {  	s4 =	sld [smem:$0x3FAE]  }
0x2a: {  	p0 =	seq.s32 s5, $0x0;
	s5 =	sld [smem:$0x3FAF]  }
0x2b: {  	s6 =	sld [smem:$0x3FB0]  }
0x2c: {  	s7 =	sld [smem:$0x3FB1]  }
0x2d: {  	s3 =	simm.s32 $0x108;
	s8 =	sld [smem:$0x3FB2]  }
0x2e: {  	s3 =	simm.s32 @!p0 $0x1082;
	s9 =	sld [smem:$0x3FB3]  }
0x2f: {  	lr =	sadd.s32 s0, s3;
	s0 =	sld [smem:$0x3FAA]  }
0x30: {  	s3 =	sld [smem:$0x3FAD]  }
0x31: {  	[smem:$0x3FB6] =	sst s10  }
0x32: {  	s10 =	sld [smem:$0x3FB4];
	_ =	sdelay $0x3  }
0x33: {  	p0 =	seq.s32 s10, $0x1;
	s10 =	sld [smem:$0x3FB6];
	_ =	sdelay $0x3  }
0x34: {  	[smem:$0x3FB6] =	sst s10  }
0x35: {  	s10 =	sld [smem:$0x3FB5];
	_ =	sdelay $0x3  }
0x36: {  	p1 =	seq.s32 s10, $0x1;
	s10 =	sld [smem:$0x3FB6];
	_ =	sdelay $0x3  }
0x37: {  	[smem:$0x3FB6] =	sst s10  }
0x38: {  	s10 =	sld [smem:$0x3FB7]  }
0x39: {  	_ = 	snop;
	(pc) =	sbr.ind lr, $3  }
0x3a: {  	_ = 	snop  }
0x3b: {  	_ = 	snop  }
0x3c: {  	p2 =	seq.s32 s10, $0x1;
	s10 =	sld [smem:$0x3FB6]  }
0x3d: {  	_ =	shalt  }
0x3e: {  	_ =	shalt  }
0x3f: {  	_ =	shalt  }
0x40: {  	_ =	shalt  }
0x41: {  	_ =	shalt  }
0x42: {  	_ =	shalt  }
0x43: {  	_ =	shalt  }
0x44: {  	_ =	shalt  }
0x45: {  	_ =	shalt  }
0x46: {  	_ =	shalt  }
0x47: {  	_ =	shalt  }
0x48: {  	_ =	shalt  }
0x49: {  	_ =	shalt  }
0x4a: {  	_ =	shalt  }
0x4b: {  	_ =	shalt  }
0x4c: {  	_ =	shalt  }
0x4d: {  	_ =	shalt  }
0x4e: {  	_ =	shalt  }
0x4f: {  	_ =	shalt  }
0x50: {  	_ =	shalt  }
0x51: {  	_ =	shalt  }
0x52: {  	_ =	shalt  }
0x53: {  	_ =	shalt  }
0x54: {  	_ =	shalt  }
0x55: {  	_ =	shalt  }
0x56: {  	_ =	shalt  }
0x57: {  	_ =	shalt  }
0x58: {  	_ =	shalt  }
0x59: {  	_ =	shalt  }
0x5a: {  	_ =	shalt  }
0x5b: {  	_ =	shalt  }
0x5c: {  	_ =	shalt  }
0x5d: {  	_ =	shalt  }
0x5e: {  	_ =	shalt  }
0x5f: {  	_ =	shalt  }
0x60: {  	_ =	shalt  }
0x61: {  	_ =	shalt  }
0x62: {  	_ =	shalt  }
0x63: {  	_ =	shalt  }
0x64: {  	_ =	shalt  }
0x65: {  	_ =	shalt  }
0x66: {  	_ =	shalt  }
0x67: {  	_ =	shalt  }
0x68: {  	_ =	shalt  }
0x69: {  	_ =	shalt  }
0x6a: {  	_ =	shalt  }
0x6b: {  	_ =	shalt  }
0x6c: {  	_ =	shalt  }
0x6d: {  	_ =	shalt  }
0x6e: {  	_ =	shalt  }
0x6f: {  	_ =	shalt  }
0x70: {  	_ =	shalt  }
0x71: {  	_ =	shalt  }
0x72: {  	_ =	shalt  }
0x73: {  	_ =	shalt  }
0x74: {  	_ =	shalt  }
0x75: {  	_ =	shalt  }
0x76: {  	_ =	shalt  }
0x77: {  	_ =	shalt  }
0x78: {  	_ =	shalt  }
0x79: {  	_ =	shalt  }
0x7a: {  	_ =	shalt  }
0x7b: {  	_ =	shalt  }
0x7c: {  	_ =	shalt  }
0x7d: {  	_ =	shalt  }
0x7e: {  	_ =	shalt  }
0x7f: {  	_ =	shalt  }
0x80: {  	_ =	shalt  }
0x81: {  	_ =	shalt  }
0x82: {  	_ =	shalt  }
0x83: {  	_ =	shalt  }
0x84: {  	_ =	shalt  }
0x85: {  	_ =	shalt  }
0x86: {  	_ =	shalt  }
0x87: {  	_ =	shalt  }
.Lfunc_end0:
.L_simem_size_0:
called_computation_lowered:
.L_overlay_start_0:
0x88: {  	s2 =	sld [smem:$0x3FD9]  }
0x89: {  	s3 =	sld [smem:$0x3FFE];
	_ =	sdelay $0x1  }
0x8a: {  	s1 =	srdreg.scid  }
0x8b: {  	s0 =	sand.u32 $0x1, s1  }
0x8c: {  	s17 =	sshll.u32 s0, $0xA;
	s2 =	sadd.s32 s3, s2  }
0x8d: {  	s2 =	sadd.s32 s2, s17  }
0x8e: {  	[smem:$0x3FC2] =	sst s2  }
0x8f: {  	_ = 	snop  }
0x90: {  	s2 =	sld [smem:$0x3FD0];
	(tm) =	ssettm $0x1  }
0x91: {  	s18 =	sld [smem:$0x3FFB];
	_ =	sdelay $0x3  }
0x92: {  	_ =	strace s18  }
0x93: {  	s3 =	sld [smem:$0x3FFC];
	_ =	sdelay $0x3  }
0x94: {  	_ =	strace s3  }
0x95: {  	s3 =	sld [smem:$0x3FFD];
	_ =	sdelay $0x3  }
0x96: {  	_ =	strace s3  }
0x97: {  	_ =	strace $0x8FFFFFFF  }
0x98: {  	s19 =	sld [smem:$0x3FDB];
	_ =	sdelay $0x1  }
0x99: {  	s4 =	simm.s32 $_scs_section_size  }
0x9a: {  	s5 =	simm.s32 $_size__tile_overlayer_lowered;
	s6 =	simm.s32 $_tile_overlayer_lowered  }
0x9b: {  	s22 =	simm.s32 $0x1BFF;
	s21 =	sshll.u32 s6, $0x1;
	s3 =	sadd.s32 s4, s19  }
0x9c: {  	s7 =	simm.s32 $0x0;
	s20 =	sshll.u32 s5, $0x1;
	s5 =	sadd.s32 s21, s3  }
0x9d: {  	[timem:s7], [sflag:s22] =	dma.local [hbm:s5], s20  }
0x9e: {  	_ =	swait.ge [sflag:s22], s20  }
0x9f: {  	s4 =	ssub.s32 $0x0, s20;
	[sflag:s22] =	ssyncset.done $0x0  }
0xa0: {  	[sflag:s22] =	ssyncadd.s32 s4;
	_ =	sdelay $0x1  }
0xa1: {  	s23 =	simm.s32 $0x1B8B  }
0xa2: {  	_ =	swait.ge [sflag:s23], $0x1  }
0xa3: {  	[sflag:s23] =	ssyncset.done $0x0  }
0xa4: {  	s25 =	simm.s32 $0x1B8E;
	s24 =	sld [smem:$0x3FFE];
	[sflag:s23] =	ssyncadd.s32 $0xFFFFFFFF  }
0xa5: {  	s26 =	simm.s32 $execute0_lowered;
	[smem:$0x3FD2] =	sst s25  }
0xa6: {  	s5 =	sshll.u32 s26, $0x1;
	_ =	strace $0x80000046;
	[dreg:$0x1] =	wrdreg $0xFFFFFFFF  }
0xa7: {  	s28 =	simm.s32 $_size_execute0_lowered;
	s3 =	sadd.s32 s3, s5;
	[dreg:$0x0] =	wrdreg $0x0  }
0xa8: {  	s5 =	sshll.u32 s28, $0x1;
	[dreg:$0x2] =	wrdreg s3  }
0xa9: {  	[dreg:$0x3] =	wrdreg s5  }
0xaa: {  	[dreg:$0x4] =	wrdreg $0xC0  }
0xab: {  	_ =	task [dreg:s7], $0x5FFFF  }
0xac: {  	[dreg:$0x1] =	wrdreg $0xFFFFFFFF  }
0xad: {  	[dreg:$0x0] =	wrdreg $0x60  }
0xae: {  	[dreg:$0x2] =	wrdreg s2  }
0xaf: {  	[dreg:$0x3] =	wrdreg s24  }
0xb0: {  	[dreg:$0x4] =	wrdreg $0x0  }
0xb1: {  	[dreg:$0x5] =	wrdreg $0x138800  }
0xb2: {  	[dreg:$0x6] =	wrdreg $0x9  }
0xb3: {  	_ =	task.clear_ibuf [dreg:s7], $0x7FFFF;
	_ =	strace $0x90000046  }
0xb4: {  	s29 =	simm.s32 $0x9;
	_ =	strace $0x80000048  }
0xb5: {  	_ =	swait.ge [sflag:s29], $0x1  }
0xb6: {  	[sflag:s29] =	ssyncadd.s32 $0xFFFFFFFF  }
0xb7: {  	_ =	strace $0x90000048  }
0xb8: {  	_ =	sfence  }
0xb9: {  	s30 =	sld [smem:$0x0];
	_ =	sdelay $0x2  }
0xba: {  	s31 =	sshll.u32 s1, $0xD;
	s1 =	sshrl.u32 s1, $0x2  }
0xbb: {  	s3 =	sand.u32 $0x4000, s31;
	s1 =	sadd.s32 s1, s30  }
0xbc: {  	s0 =	sor.u32 s3, s0;
	s1 =	sshll.u32 s1, $0x11  }
0xbd: {  	s0 =	sor.u32 s1, s0  }
0xbe: {  	s0 =	sadd.s32 $0x8F2B, s0  }
0xbf: {  	[sflag:s0] =	ssyncadd.remote.s32 $0x1  }
0xc0: {  	_ =	sfence.sel $0xFFFF  }
0xc1: {  	[dreg:$0x0] =	wrdreg $0xFFFFFFFF;
	(pc) =	sbr.abs _section_cstart, $3  }
0xc2: {  	[dreg:$0x1] =	wrdreg $0xFFFFFFFF  }
0xc3: {  	_ =	task.clear_ibuf [dreg:s7], $0x2FFFF;
	_ =	strace $0x9FFFFFFF  }
0xc4: {  	(tm) =	ssettm $0x7FFFFFFF  }
0xc5: {  	_ =	shalt  }
tec
execute0_lowered:
.L_overlay_start_1:
0x0: {  	(tag) =	ssettag $0x1  }
0x1: {  	s1 =	rddreg [dreg:$0x0]  }
0x2: {  	s0 =	rddreg [dreg:$0x1]  }
0x3: {  	s2 =	rddreg [dreg:$0x2]  }
0x4: {  	s3 =	rddreg [dreg:$0x3];
	s4 =	srdreg.scid  }
0x5: {  	s6 =	simm.s32 $0x0;
	s13 =	stileid.u32;
	s10 =	simm.s32 $0x5  }
0x6: {  	s19 =	simm.s32 $0x15980;
	s20 =	simm.s32 $0x6;
	s29 =	simm.s32 $0x1A980  }
0x7: {  	s30 =	simm.s32 $0x3;
	s31 =	simm.s32 $0x1D180;
	s4 =	sand.u32 $0x1, s4  }
0x8: {  	[smem:$0x7FF] =	sst s6;
	s22 =	sadd.s32 $0x1F600, s0;
	s8 =	sadd.s32 $0x2000, s0  }
0x9: {  	s7 =	sadd.s32 $0x2A400, s0;
	p0 =	seq.s32 s13, $0xF;
	s12 =	smul.u32 $0x14000, s13  }
0xa: {  	s25 =	smul.u32 $0x50000, s13;
	p1 =	sne.s32 s13, $0x0;
	s5 =	sshll.u32 s4, $0x4  }
0xb: {  	_ =	strace $0x80000047;
	[dreg:$0x5] =	wrdreg s22;
	s23 =	ssub.s32 $0x2, s4  }
0xc: {  	s4 =	smul.u32 $0x138800, s4;
	s22 =	simm.s32 $0x15880;
	s5 =	sor.u32 s13, s5  }
0xd: {  	s9 =	sshrl.u32 s23, $0x1;
	s26 =	sshrl.u32 s25, $0x2;
	s6 =	smul.u32 $0x2710, s5  }
0xe: {  	s5 =	ssub.s32 s23, s9;
	s9 =	simm.s32 $0x5;
	s24 =	sadd.s32 s12, s4  }
0xf: {  	s4 =	sshrl.u32 s4, $0x3;
	s15 =	sadd.s32 s26, s2;
	s26 =	simm.s32 $0x50  }
0x10: {  	s9 =	simm.s32 @!p0 $0x8;
	s4 =	sadd.s32 s7, s4;
	s28 =	smax.u32 s5, $0x1  }
0x11: {  	s11 =	sshrl.u32 s6, $0x3;
	s4 =	sadd.s32 $0x25800, s4;
	[dreg:$0xc] =	wrdreg s28  }
0x12: {  	s5 =	simm.s32 $0x15900;
	s14 =	sadd.s32 s8, s11;
	[dreg:$0xa] =	wrdreg s4  }
0x13: {  	v0 =	vimm.f32 $0.0e+00;
	v1 =	vimm.f32 $1.000000000e+00;
	s0 =	sadd.s32 s11, s0;
	s11 =	sadd.s32 $0x9C40, s14;
	[dreg:$0x6] =	wrdreg s14  }
0x14: {  	vm0 =	vcmask $0x704;
	vm1 =	vcmask $0xB08;
	vm2 =	vcmask $0xF0C;
	s4 =	sadd.s32 $0x12C000, s2;
	s14 =	sadd.s32 $0x13880, s14;
	[dreg:$0x7] =	wrdreg s11  }
0x15: {  	vm3 =	vcmask $0x1310;
	vm4 =	vcmask $0x1714;
	vm5 =	vcmask $0x1B18;
	s0 =	sadd.s32 $0x20600, s0;
	[dreg:$0x8] =	wrdreg s14;
	s11 =	sshrl.u32 s24, $0x3  }
0x16: {  	vm6 =	vcmask $0x1F1C;
	vm7 =	vcmask $0x2320;
	vm8 =	vcmask $0x2724;
	[dreg:$0xb] =	wrdreg s0;
	s24 =	simm.s32 $0x4;
	s0 =	sshrl.u32 @p0 s4, $0x3  }
0x17: {  	vm9 =	vcmask $0x2B28;
	vm10 =	vcmask $0x2F2C;
	vm11 =	vcmask $0x3330;
	s4 =	simm.s32 $0x30;
	s11 =	sadd.s32 s7, s11;
	[dreg:$0xd] =	wrdreg s0  }
0x18: {  	vm12 =	vcmask $0x3734;
	vm13 =	vcmask $0x3B38;
	vm14 =	vcmask $0x3F3C;
	s0 =	simm.s32 $0x20;
	s7 =	simm.s32 $0x0;
	[dreg:$0x9] =	wrdreg s11  }
.LBB2_1:
0x19: {  	s11 =	simm.s32 $0x0;
	s12 =	simm.s32 $0x200  }
.LBB2_2:
0x1a: {  	p2 =	sne.s32 s12, $0x9E00;
	[tilespmem:s11+$0x159F0] =	vst v0  }
0x1b: {  	[tilespmem:s11+$0x15980] =	vst v0  }
0x1c: {  	[tilespmem:s11+$0x15990] =	vst v0  }
.Ltmp0:
0x1d: {  	[tilespmem:s11+$0x159A0] =	vst v0;
	(pc) =	sbr.rel @p2 .LBB2_2-.Ltmp0, $4  }
0x1e: {  	[tilespmem:s11+$0x159B0] =	vst v0  }
0x1f: {  	[tilespmem:s11+$0x159C0] =	vst v0  }
0x20: {  	[tilespmem:s11+$0x159D0] =	vst v0  }
0x21: {  	[tilespmem:s11+$0x159E0] =	vst v0;
	s11 =	sshra.s32 s12, $0x2;
	s12 =	sadd.s32 $0x200, s12  }
0x22: {  	[tilespmem:s11+$0x159F0] =	vst v0  }
0x23: {  	[tilespmem:s11+$0x15980] =	vst v0  }
0x24: {  	[tilespmem:s11+$0x15990] =	vst v0  }
0x25: {  	[tilespmem:s11+$0x159A0] =	vst v0  }
0x26: {  	[tilespmem:s11+$0x159B0] =	vst v0  }
0x27: {  	[tilespmem:s11+$0x159C0] =	vst v0  }
0x28: {  	[tilespmem:s11+$0x159D0] =	vst v0  }
0x29: {  	[tilespmem:s11+$0x159E0] =	vst v0;
	s11 =	simm.s32 $0x40;
	s12 =	simm.s32 $0x0  }
.LBB2_4:
0x2a: {  	p2 =	sne.s32 s11, $0x9C00;
	[tilespmem:s12+$0x1D180] =	vst v0;
	s12 =	smov.u32 s11;
	s11 =	sadd.s32 $0x40, s11  }
.Ltmp1:
0x2b: {  	(pc) =	sbr.rel @p2 .LBB2_4-.Ltmp1, $2  }
0x2c: {  	_ =	sdelay $0x2  }
0x2d: {  	s12 =	sshra.s32 s12, $0x2  }
0x2e: {  	p2 =	sne.s32 s9, $0x1  }
.Ltmp2:
0x2f: {  	_ = 	snop;
	(pc) =	sbr.rel @!p2 .LBB2_7-.Ltmp2, $4  }
0x30: {  	[tilespmem:s12+$0x1D180] =	vst v0  }
0x31: {  	[spmem:s15] =	stream.linear.scatter [tilespmem:s19], [sflag:$0x6], $0x2800, $0x38;
	[tilespmem:$0x1F900] =	vst v63  }
0x32: {  	_ =	swait.ge [sflag:s20], $0x2800  }
0x33: {  	s11 =	sadd.s32 $0xFFFFFFFF, s9;
	s12 =	smov.u32 s15;
	[sflag:s20] =	ssyncset.done $0x0  }
.LBB2_6:
0x34: {  	p2 =	sne.s32 s11, $0x1;
	[sflag:s20] =	ssyncadd.s32 $0xFFFFD800;
	s12 =	sadd.s32 $0x2800, s12  }
.Ltmp3:
0x35: {  	s11 =	sadd.s32 $0xFFFFFFFF, s11;
	(pc) =	sbr.rel @p2 .LBB2_6-.Ltmp3, $4  }
0x36: {  	_ = 	snop  }
0x37: {  	[spmem:s12] =	stream.linear.scatter [tilespmem:s19], [sflag:$0x6], $0x2800, $0x38;
	[tilespmem:$0x1F900] =	vst v63  }
0x38: {  	_ =	swait.ge [sflag:s20], $0x2800  }
0x39: {  	[sflag:s20] =	ssyncset.done $0x0  }
.LBB2_7:
0x3a: {  	[sflag:s20] =	ssyncadd.s32 $0xFFFFD800  }
0x3b: {  	s11 =	sshrl.u32 @!p1 s3, $0x3;
	s12 =	simm.s32 @!p1 $0x1C06;
	s13 =	rddreg [dreg:$0x5]  }
0x3c: {  	[spmem:s11], [sflag:s12] =	dma.local @!p1 [hbm:s13], $0x1000  }
0x3d: {  	s11 =	simm.s32 @!p1 $0x6  }
0x3e: {  	_ =	swait.ge @!p1 [sflag:s11], $0x1000  }
0x3f: {  	[sflag:s11] =	ssyncset.done @!p1 $0x0  }
0x40: {  	[sflag:s11] =	ssyncadd.s32 @!p1 $0xFFFFF000  }
0x41: {  	[bflag:$0x0] =	sbarrier.arrive $0xFFFF  }
0x42: {  	s21 =	simm.s32 $0x0;
	s16 =	simm.s32 $0x14080;
	s14 =	rddreg [dreg:$0x6]  }
0x43: {  	[tilespmem:s16], [sflag:$0x4] =	stream.linear.gather [hbm4b:s14+s21], $0x7D0, $0x38;
	[tilespmem:$0x1F900] =	vst v63  }
0x44: {  	s18 =	simm.s32 $0x14880;
	s17 =	rddreg [dreg:$0x7]  }
0x45: {  	[tilespmem:s18], [sflag:$0x4] =	stream.linear.gather [hbm4b:s17+s21], $0x7D0, $0x38;
	[tilespmem:$0x1F900] =	vst v63  }
0x46: {  	s25 =	simm.s32 $0x15080;
	s23 =	rddreg [dreg:$0x8]  }
0x47: {  	[tilespmem:s25], [sflag:$0x4] =	stream.linear.gather [hbm4b:s23+s21], $0x7D0, $0x38;
	[tilespmem:$0x1F900] =	vst v63  }
0x48: {  	_ =	swait.ge [sflag:s24], $0x7D0  }
0x49: {  	[sflag:s24] =	ssyncset.done $0x0  }
0x4a: {  	[sflag:s24] =	ssyncadd.s32 $0xFFFFF830  }
0x4b: {  	_ =	swait.ge [sflag:s24], $0x7D0  }
0x4c: {  	[sflag:s24] =	ssyncset.done $0x0  }
0x4d: {  	[sflag:s24] =	ssyncadd.s32 $0xFFFFF830  }
0x4e: {  	_ =	swait.ge [sflag:s24], $0x7D0  }
0x4f: {  	[sflag:s24] =	ssyncset.done $0x0  }
0x50: {  	s28 =	simm.s32 $0x1;
	[sflag:s24] =	ssyncadd.s32 $0xFFFFF830  }
0x51: {  	[tilespmem:s19], [sflag:$0x1] =	stream.indirect.gather [hbm4b:s1+s26], $0x80, s16, s26, $0xb8;
	[tilespmem:$0x1F900] =	vst v63  }
0x52: {  	_ =	swait.ge [sflag:s28], $0x2800  }
0x53: {  	[sflag:s28] =	ssyncset.done $0x0  }
0x54: {  	[sflag:s28] =	ssyncadd.s32 $0xFFFFD800  }
0x55: {  	[tilespmem:s29], [sflag:$0x3] =	stream.indirect.gather [spmem:s3], $0x80, s25, s26, $0xb8;
	[tilespmem:$0x1F900] =	vst v63  }
0x56: {  	_ =	swait.ge [sflag:s30], $0x2800  }
0x57: {  	[sflag:s30] =	ssyncset.done $0x0  }
0x58: {  	p2 =	por $0x0, $0x0;
	[sflag:s30] =	ssyncadd.s32 $0xFFFFD800  }
.LBB2_8:
0x59: {  	s11 =	smul.u32 $0x29, s21;
	_ =	sdelay $0x1  }
0x5a: {  	s12 =	sshrl.u32 s11, $0xA  }
0x5b: {  	s12 =	sand.u32 $0x3F, s12  }
0x5c: {  	s12 =	smul.u32 $0x19, s12;
	_ =	sdelay $0x1  }
0x5d: {  	s12 =	ssub.s32 s21, s12  }
0x5e: {  	s12 =	sand.u32 $0xFF, s12  }
0x5f: {  	s12 =	smul.u32 $0x140, s12;
	_ =	sdelay $0x1  }
0x60: {  	s12 =	sshrl.u32 s12, $0x2  }
0x61: {  	v2 =	vld [tilespmem:s12+$0x14880];
	_ =	sdelay $0x6  }
0x62: {  	[tilespmem:$0x15880] =	vst v2  }
0x63: {  	[tilespmem:v2+s31+$0x0] =	vst.idx.add.f32.msk $0x1, v1  }
0x64: {  	[tilespmem:v2+s31+$0x0] =	vst.idx.add.f32.msk vm0, v1  }
0x65: {  	[tilespmem:v2+s31+$0x0] =	vst.idx.add.f32.msk vm1, v1  }
0x66: {  	[tilespmem:v2+s31+$0x0] =	vst.idx.add.f32.msk vm2, v1  }
0x67: {  	[tilespmem:v2+s31+$0x0] =	vst.idx.add.f32.msk vm3, v1  }
0x68: {  	[tilespmem:v2+s31+$0x0] =	vst.idx.add.f32.msk vm4, v1  }
0x69: {  	[tilespmem:v2+s31+$0x0] =	vst.idx.add.f32.msk vm5, v1  }
0x6a: {  	[tilespmem:v2+s31+$0x0] =	vst.idx.add.f32.msk vm6, v1  }
0x6b: {  	[tilespmem:v2+s31+$0x0] =	vst.idx.add.f32.msk vm7, v1  }
0x6c: {  	[tilespmem:v2+s31+$0x0] =	vst.idx.add.f32.msk vm8, v1  }
0x6d: {  	[tilespmem:v2+s31+$0x0] =	vst.idx.add.f32.msk vm9, v1  }
0x6e: {  	[tilespmem:v2+s31+$0x0] =	vst.idx.add.f32.msk vm10, v1  }
0x6f: {  	[tilespmem:v2+s31+$0x0] =	vst.idx.add.f32.msk vm11, v1  }
0x70: {  	[tilespmem:v2+s31+$0x0] =	vst.idx.add.f32.msk vm12, v1  }
0x71: {  	[tilespmem:v2+s31+$0x0] =	vst.idx.add.f32.msk vm13, v1  }
0x72: {  	[tilespmem:v2+s31+$0x0] =	vst.idx.add.f32.msk vm14, v1  }
0x73: {  	v2 =	vld [tilespmem:s12+$0x14890];
	_ =	sdelay $0x6  }
0x74: {  	[tilespmem:$0x15890] =	vst v2  }
0x75: {  	[tilespmem:v2+s31+$0x0] =	vst.idx.add.f32.msk $0x1, v1  }
0x76: {  	[tilespmem:v2+s31+$0x0] =	vst.idx.add.f32.msk vm0, v1  }
0x77: {  	[tilespmem:v2+s31+$0x0] =	vst.idx.add.f32.msk vm1, v1  }
0x78: {  	[tilespmem:v2+s31+$0x0] =	vst.idx.add.f32.msk vm2, v1  }
0x79: {  	[tilespmem:v2+s31+$0x0] =	vst.idx.add.f32.msk vm3, v1  }
0x7a: {  	[tilespmem:v2+s31+$0x0] =	vst.idx.add.f32.msk vm4, v1  }
0x7b: {  	[tilespmem:v2+s31+$0x0] =	vst.idx.add.f32.msk vm5, v1  }
0x7c: {  	[tilespmem:v2+s31+$0x0] =	vst.idx.add.f32.msk vm6, v1  }
0x7d: {  	[tilespmem:v2+s31+$0x0] =	vst.idx.add.f32.msk vm7, v1  }
0x7e: {  	[tilespmem:v2+s31+$0x0] =	vst.idx.add.f32.msk vm8, v1  }
0x7f: {  	[tilespmem:v2+s31+$0x0] =	vst.idx.add.f32.msk vm9, v1  }
0x80: {  	[tilespmem:v2+s31+$0x0] =	vst.idx.add.f32.msk vm10, v1  }
0x81: {  	[tilespmem:v2+s31+$0x0] =	vst.idx.add.f32.msk vm11, v1  }
0x82: {  	[tilespmem:v2+s31+$0x0] =	vst.idx.add.f32.msk vm12, v1  }
0x83: {  	[tilespmem:v2+s31+$0x0] =	vst.idx.add.f32.msk vm13, v1  }
0x84: {  	[tilespmem:v2+s31+$0x0] =	vst.idx.add.f32.msk vm14, v1  }
0x85: {  	v2 =	vld [tilespmem:s12+$0x148A0];
	_ =	sdelay $0x6  }
0x86: {  	[tilespmem:$0x15900] =	vst v2  }
0x87: {  	[tilespmem:v2+s31+$0x0] =	vst.idx.add.f32.msk $0x1, v1  }
0x88: {  	[tilespmem:v2+s31+$0x0] =	vst.idx.add.f32.msk vm0, v1  }
0x89: {  	[tilespmem:v2+s31+$0x0] =	vst.idx.add.f32.msk vm1, v1  }
0x8a: {  	[tilespmem:v2+s31+$0x0] =	vst.idx.add.f32.msk vm2, v1  }
0x8b: {  	[tilespmem:v2+s31+$0x0] =	vst.idx.add.f32.msk vm3, v1  }
0x8c: {  	[tilespmem:v2+s31+$0x0] =	vst.idx.add.f32.msk vm4, v1  }
0x8d: {  	[tilespmem:v2+s31+$0x0] =	vst.idx.add.f32.msk vm5, v1  }
0x8e: {  	[tilespmem:v2+s31+$0x0] =	vst.idx.add.f32.msk vm6, v1  }
0x8f: {  	[tilespmem:v2+s31+$0x0] =	vst.idx.add.f32.msk vm7, v1  }
0x90: {  	[tilespmem:v2+s31+$0x0] =	vst.idx.add.f32.msk vm8, v1  }
0x91: {  	[tilespmem:v2+s31+$0x0] =	vst.idx.add.f32.msk vm9, v1  }
0x92: {  	[tilespmem:v2+s31+$0x0] =	vst.idx.add.f32.msk vm10, v1  }
0x93: {  	[tilespmem:v2+s31+$0x0] =	vst.idx.add.f32.msk vm11, v1  }
0x94: {  	[tilespmem:v2+s31+$0x0] =	vst.idx.add.f32.msk vm12, v1  }
0x95: {  	[tilespmem:v2+s31+$0x0] =	vst.idx.add.f32.msk vm13, v1  }
0x96: {  	[tilespmem:v2+s31+$0x0] =	vst.idx.add.f32.msk vm14, v1  }
0x97: {  	v2 =	vld [tilespmem:s12+$0x148B0];
	_ =	sdelay $0x6  }
0x98: {  	[tilespmem:$0x15910] =	vst v2  }
0x99: {  	[tilespmem:v2+s31+$0x0] =	vst.idx.add.f32.msk $0x1, v1  }
0x9a: {  	[tilespmem:v2+s31+$0x0] =	vst.idx.add.f32.msk vm0, v1  }
0x9b: {  	[tilespmem:v2+s31+$0x0] =	vst.idx.add.f32.msk vm1, v1  }
0x9c: {  	[tilespmem:v2+s31+$0x0] =	vst.idx.add.f32.msk vm2, v1  }
0x9d: {  	[tilespmem:v2+s31+$0x0] =	vst.idx.add.f32.msk vm3, v1  }
0x9e: {  	[tilespmem:v2+s31+$0x0] =	vst.idx.add.f32.msk vm4, v1  }
0x9f: {  	[tilespmem:v2+s31+$0x0] =	vst.idx.add.f32.msk vm5, v1  }
0xa0: {  	[tilespmem:v2+s31+$0x0] =	vst.idx.add.f32.msk vm6, v1  }
0xa1: {  	[tilespmem:v2+s31+$0x0] =	vst.idx.add.f32.msk vm7, v1  }
0xa2: {  	[tilespmem:v2+s31+$0x0] =	vst.idx.add.f32.msk vm8, v1  }
0xa3: {  	[tilespmem:v2+s31+$0x0] =	vst.idx.add.f32.msk vm9, v1  }
0xa4: {  	[tilespmem:v2+s31+$0x0] =	vst.idx.add.f32.msk vm10, v1  }
0xa5: {  	[tilespmem:v2+s31+$0x0] =	vst.idx.add.f32.msk vm11, v1  }
0xa6: {  	[tilespmem:v2+s31+$0x0] =	vst.idx.add.f32.msk vm12, v1  }
0xa7: {  	[tilespmem:v2+s31+$0x0] =	vst.idx.add.f32.msk vm13, v1  }
0xa8: {  	[tilespmem:v2+s31+$0x0] =	vst.idx.add.f32.msk vm14, v1  }
0xa9: {  	v2 =	vld [tilespmem:s12+$0x148C0];
	_ =	sdelay $0x6  }
0xaa: {  	s11 =	sadd.s32 $0x29, s11;
	[tilespmem:$0x15920] =	vst v2  }
0xab: {  	s11 =	sshrl.u32 s11, $0xA;
	[tilespmem:v2+s31+$0x0] =	vst.idx.add.f32.msk $0x1, v1  }
0xac: {  	s25 =	sand.u32 $0x3F, s11;
	[tilespmem:v2+s31+$0x0] =	vst.idx.add.f32.msk vm0, v1  }
0xad: {  	s12 =	smul.u32 $0x19, s25;
	[tilespmem:v2+s31+$0x0] =	vst.idx.add.f32.msk vm1, v1  }
0xae: {  	s11 =	sand.u32 $0x1, s21;
	s21 =	sadd.s32 $0x1, s21;
	[tilespmem:v2+s31+$0x0] =	vst.idx.add.f32.msk vm2, v1  }
0xaf: {  	s12 =	ssub.s32 s21, s12;
	[tilespmem:v2+s31+$0x0] =	vst.idx.add.f32.msk vm3, v1  }
0xb0: {  	s12 =	sand.u32 $0xFF, s12;
	[tilespmem:v2+s31+$0x0] =	vst.idx.add.f32.msk vm4, v1  }
0xb1: {  	p3 =	sne.s32 s12, $0x0;
	[tilespmem:v2+s31+$0x0] =	vst.idx.add.f32.msk vm5, v1  }
0xb2: {  	s13 =	smul.u32 @!p3 $0x29, s21;
	[tilespmem:v2+s31+$0x0] =	vst.idx.add.f32.msk vm6, v1  }
0xb3: {  	[tilespmem:v2+s31+$0x0] =	vst.idx.add.f32.msk vm7, v1  }
0xb4: {  	s13 =	sshrl.u32 @!p3 s13, $0xA;
	[tilespmem:v2+s31+$0x0] =	vst.idx.add.f32.msk vm8, v1  }
0xb5: {  	s13 =	sand.u32 @!p3 $0x3F, s13;
	[tilespmem:v2+s31+$0x0] =	vst.idx.add.f32.msk vm9, v1  }
0xb6: {  	s13 =	smul.u32 @!p3 $0x7D0, s13;
	[tilespmem:v2+s31+$0x0] =	vst.idx.add.f32.msk vm10, v1  }
0xb7: {  	[tilespmem:v2+s31+$0x0] =	vst.idx.add.f32.msk vm11, v1  }
0xb8: {  	s13 =	sadd.s32 @!p3 s6, s13;
	[tilespmem:v2+s31+$0x0] =	vst.idx.add.f32.msk vm12, v1  }
0xb9: {  	s13 =	sshrl.u32 @!p3 s13, $0x3;
	[tilespmem:v2+s31+$0x0] =	vst.idx.add.f32.msk vm13, v1  }
0xba: {  	s14 =	simm.s32 @!p3 $0x0;
	s16 =	simm.s32 @!p3 $0x14080;
	s13 =	sadd.s32 @!p3 s8, s13;
	[tilespmem:v2+s31+$0x0] =	vst.idx.add.f32.msk vm14, v1  }
0xbb: {  	[tilespmem:s16], [sflag:$0x4] =	stream.linear.gather @!p3 [hbm4b:s13+s14], $0x7D0, $0x38;
	[tilespmem:$0x1F900] =	vst v63  }
0xbc: {  	s17 =	simm.s32 @!p3 $0x14880;
	s16 =	sadd.s32 @!p3 $0x9C40, s13  }
0xbd: {  	[tilespmem:s17], [sflag:$0x4] =	stream.linear.gather @!p3 [hbm4b:s16+s14], $0x7D0, $0x38;
	[tilespmem:$0x1F900] =	vst v63  }
0xbe: {  	s13 =	sadd.s32 @!p3 $0x13880, s13;
	s16 =	simm.s32 @!p3 $0x15080  }
0xbf: {  	[tilespmem:s16], [sflag:$0x4] =	stream.linear.gather @!p3 [hbm4b:s13+s14], $0x7D0, $0x38;
	[tilespmem:$0x1F900] =	vst v63  }
0xc0: {  	s13 =	simm.s32 @!p3 $0x4  }
0xc1: {  	_ =	swait.ge @!p3 [sflag:s13], $0x7D0  }
0xc2: {  	[sflag:s13] =	ssyncset.done @!p3 $0x0  }
0xc3: {  	[sflag:s13] =	ssyncadd.s32 @!p3 $0xFFFFF830  }
0xc4: {  	s23 =	smul.u32 $0x50, s12;
	_ =	swait.ge @!p3 [sflag:s13], $0x7D0  }
0xc5: {  	s17 =	sxor.u32 $0x1, s11;
	s14 =	simm.s32 $0x1;
	[sflag:s13] =	ssyncset.done @!p3 $0x0  }
0xc6: {  	s18 =	smul.u32 $0xA000, s17;
	s14 =	simm.s32 @!p2 $0x0;
	[sflag:s13] =	ssyncadd.s32 @!p3 $0xFFFFF830  }
0xc7: {  	s14 =	smul.u32 $0xA000, s14;
	_ =	swait.ge @!p3 [sflag:s13], $0x7D0  }
0xc8: {  	s25 =	sadd.s32 $0x14080, s23;
	[sflag:s13] =	ssyncset.done @!p3 $0x0  }
0xc9: {  	s14 =	sshrl.u32 s14, $0x2;
	[sflag:s13] =	ssyncadd.s32 @!p3 $0xFFFFF830;
	s13 =	sshrl.u32 s18, $0x2  }
0xca: {  	s12 =	sadd.s32 $0x1, s17;
	s16 =	sadd.s32 $0x15A80, s14;
	s18 =	sadd.s32 $0x15980, s13  }
0xcb: {  	[tilespmem:s18], [sflag:s12] =	stream.indirect.gather [hbm4b:s1+s26], $0x80, s25, s26, $0xb8;
	[tilespmem:$0x1F900] =	vst v63  }
0xcc: {  	s17 =	simm.s32 $0x1AA80;
	v2 =	vld [tilespmem:s16+$0x80]  }
0xcd: {  	v3 =	vld [tilespmem:s17+$0x80]  }
0xce: {  	v4 =	vld [tilespmem:s17+$0xFFFFFF00]  }
0xcf: {  	v5 =	vld [tilespmem:s16+$0xFFFFFF80]  }
0xd0: {  	v6 =	vld [tilespmem:s17+$0xFFFFFF80]  }
0xd1: {  	v7 =	vld [tilespmem:s17+$0x0]  }
0xd2: {  	v2 =	vadd.f32 v3, v2;
	v3 =	vld [tilespmem:s16+$0x0]  }
0xd3: {  	v8 =	vld [tilespmem:s16+$0xFFFFFF00]  }
0xd4: {  	v2 =	vmax.f32 v2, $0.0e+00  }
0xd5: {  	v5 =	vadd.f32 v6, v5;
	[tilespmem:s16+$0x80] =	vst v2;
	v2 =	vld [tilespmem:s16+$0x90]  }
0xd6: {  	v9 =	vld [tilespmem:s17+$0x90]  }
0xd7: {  	v10 =	vld [tilespmem:s16+$0xFFFFFF90];
	v5 =	vmax.f32 v5, $0.0e+00;
	v3 =	vadd.f32 v7, v3  }
0xd8: {  	v6 =	vld [tilespmem:s16+$0xFFFFFF10];
	v4 =	vadd.f32 v4, v8;
	[tilespmem:s16+$0xFFFFFF80] =	vst v5  }
0xd9: {  	v7 =	vld [tilespmem:s17+$0xFFFFFF90];
	v3 =	vmax.f32 v3, $0.0e+00  }
0xda: {  	v4 =	vmax.f32 v4, $0.0e+00;
	v5 =	vld [tilespmem:s16+$0x10];
	[tilespmem:s16+$0x0] =	vst v3  }
0xdb: {  	[tilespmem:s16+$0xFFFFFF00] =	vst v4;
	v2 =	vadd.f32 v9, v2;
	v3 =	vld [tilespmem:s17+$0x10]  }
0xdc: {  	v4 =	vld [tilespmem:s17+$0xFFFFFF10]  }
0xdd: {  	v2 =	vmax.f32 v2, $0.0e+00  }
0xde: {  	v7 =	vadd.f32 v7, v10;
	[tilespmem:s16+$0x90] =	vst v2;
	v2 =	vld [tilespmem:s16+$0xA0]  }
0xdf: {  	v9 =	vld [tilespmem:s17+$0xA0]  }
0xe0: {  	v8 =	vld [tilespmem:s16+$0xFFFFFF20];
	v7 =	vmax.f32 v7, $0.0e+00;
	v3 =	vadd.f32 v3, v5  }
0xe1: {  	v4 =	vadd.f32 v4, v6;
	v10 =	vld [tilespmem:s16+$0xFFFFFFA0];
	[tilespmem:s16+$0xFFFFFF90] =	vst v7  }
0xe2: {  	v6 =	vld [tilespmem:s17+$0xFFFFFFA0];
	v3 =	vmax.f32 v3, $0.0e+00  }
0xe3: {  	v4 =	vmax.f32 v4, $0.0e+00;
	v5 =	vld [tilespmem:s16+$0x20];
	[tilespmem:s16+$0x10] =	vst v3  }
0xe4: {  	[tilespmem:s16+$0xFFFFFF10] =	vst v4;
	v2 =	vadd.f32 v9, v2;
	v3 =	vld [tilespmem:s17+$0x20]  }
0xe5: {  	v4 =	vld [tilespmem:s17+$0xFFFFFF20]  }
0xe6: {  	v2 =	vmax.f32 v2, $0.0e+00  }
0xe7: {  	v6 =	vadd.f32 v6, v10;
	[tilespmem:s16+$0xA0] =	vst v2;
	v2 =	vld [tilespmem:s16+$0xB0]  }
0xe8: {  	v9 =	vld [tilespmem:s17+$0xB0]  }
0xe9: {  	v11 =	vld [tilespmem:s16+$0x30];
	v6 =	vmax.f32 v6, $0.0e+00;
	v3 =	vadd.f32 v3, v5  }
0xea: {  	v4 =	vadd.f32 v4, v8;
	v10 =	vld [tilespmem:s16+$0xFFFFFFB0];
	[tilespmem:s16+$0xFFFFFFA0] =	vst v6  }
0xeb: {  	v5 =	vld [tilespmem:s17+$0xFFFFFFB0];
	v3 =	vmax.f32 v3, $0.0e+00  }
0xec: {  	v7 =	vld [tilespmem:s16+$0xFFFFFF30];
	[tilespmem:s16+$0x20] =	vst v3;
	v3 =	vmax.f32 v4, $0.0e+00  }
0xed: {  	v2 =	vadd.f32 v9, v2;
	[tilespmem:s16+$0xFFFFFF20] =	vst v3;
	v3 =	vld [tilespmem:s17+$0x30]  }
0xee: {  	v8 =	vld [tilespmem:s17+$0xFFFFFF30]  }
0xef: {  	v12 =	vld [tilespmem:s16+$0xFFFFFF40];
	v2 =	vmax.f32 v2, $0.0e+00  }
0xf0: {  	v5 =	vadd.f32 v5, v10;
	[tilespmem:s16+$0xB0] =	vst v2;
	v2 =	vld [tilespmem:s16+$0xC0]  }
0xf1: {  	v9 =	vld [tilespmem:s17+$0xC0]  }
0xf2: {  	v13 =	vld [tilespmem:s16+$0xFFFFFFD0];
	v5 =	vmax.f32 v5, $0.0e+00;
	v3 =	vadd.f32 v3, v11  }
0xf3: {  	v6 =	vld [tilespmem:s16+$0xFFFFFFC0];
	[tilespmem:s16+$0xFFFFFFB0] =	vst v5;
	v7 =	vadd.f32 v8, v7  }
0xf4: {  	v8 =	vld [tilespmem:s17+$0xFFFFFFC0];
	v3 =	vmax.f32 v3, $0.0e+00  }
0xf5: {  	v4 =	vld [tilespmem:s16+$0x40];
	[tilespmem:s16+$0x30] =	vst v3;
	v3 =	vmax.f32 v7, $0.0e+00  }
0xf6: {  	v2 =	vadd.f32 v9, v2;
	v7 =	vld [tilespmem:s17+$0x40];
	[tilespmem:s16+$0xFFFFFF30] =	vst v3  }
0xf7: {  	v3 =	vld [tilespmem:s17+$0xFFFFFF40]  }
0xf8: {  	v10 =	vld [tilespmem:s16+$0xFFFFFF50];
	v2 =	vmax.f32 v2, $0.0e+00  }
0xf9: {  	[tilespmem:s16+$0xC0] =	vst v2;
	v2 =	vadd.f32 v8, v6;
	v8 =	vld [tilespmem:s16+$0xD0]  }
0xfa: {  	v9 =	vld [tilespmem:s17+$0xD0]  }
0xfb: {  	v5 =	vld [tilespmem:s16+$0xFFFFFF60];
	v2 =	vmax.f32 v2, $0.0e+00;
	v4 =	vadd.f32 v7, v4  }
0xfc: {  	v11 =	vld [tilespmem:s16+$0x50];
	[tilespmem:s16+$0xFFFFFFC0] =	vst v2;
	v2 =	vadd.f32 v3, v12  }
0xfd: {  	v3 =	vld [tilespmem:s17+$0xFFFFFFD0];
	v4 =	vmax.f32 v4, $0.0e+00  }
0xfe: {  	v6 =	vld [tilespmem:s16+$0xFFFFFFE0];
	[tilespmem:s16+$0x40] =	vst v4;
	v2 =	vmax.f32 v2, $0.0e+00  }
0xff: {  	v4 =	vld [tilespmem:s17+$0x50];
	v8 =	vadd.f32 v9, v8;
	[tilespmem:s16+$0xFFFFFF40] =	vst v2  }
0x100: {  	v2 =	vld [tilespmem:s17+$0xFFFFFF50]  }
0x101: {  	v7 =	vld [tilespmem:s16+$0x60];
	v8 =	vmax.f32 v8, $0.0e+00  }
0x102: {  	v3 =	vadd.f32 v3, v13;
	[tilespmem:s16+$0xD0] =	vst v8;
	v8 =	vld [tilespmem:s16+$0xE0]  }
0x103: {  	v12 =	vld [tilespmem:s17+$0xE0]  }
0x104: {  	v3 =	vmax.f32 v3, $0.0e+00;
	v9 =	vadd.f32 v4, v11;
	v4 =	vld [tilespmem:s16+$0xFFFFFF70]  }
0x105: {  	[tilespmem:s16+$0xFFFFFFD0] =	vst v3;
	v2 =	vadd.f32 v2, v10;
	v3 =	vld [tilespmem:s16+$0xFFFFFFF0]  }
0x106: {  	v10 =	vmax.f32 v9, $0.0e+00;
	v9 =	vld [tilespmem:s17+$0xFFFFFFE0]  }
0x107: {  	s11 =	smul.u32 $0xA000, s11;
	[tilespmem:s16+$0x50] =	vst v10;
	v10 =	vmax.f32 v2, $0.0e+00;
	v2 =	vld [tilespmem:s16+$0x70]  }
0x108: {  	[tilespmem:s16+$0xFFFFFF50] =	vst v10;
	v10 =	vld [tilespmem:s17+$0x60];
	v8 =	vadd.f32 v12, v8  }
0x109: {  	s28 =	simm.s32 $0x1AA80;
	s14 =	sadd.s32 $0x16B70, s14;
	s13 =	sshrl.u32 s11, $0x2;
	v11 =	vld [tilespmem:s17+$0xFFFFFF60]  }
0x10a: {  	s11 =	sadd.s32 $0x200, s16;
	s18 =	sadd.s32 $0x15980, s13;
	s25 =	simm.s32 $0x0;
	v12 =	vmax.f32 v8, $0.0e+00;
	v8 =	vld [tilespmem:s16+$0xF0]  }
.LBB2_9:
0x10b: {  	v13 =	vld [tilespmem:s11+$0x80];
	v6 =	vadd.f32 v9, v6;
	[tilespmem:s16+$0xE0] =	vst v12  }
0x10c: {  	s28 =	sadd.s32 $0x200, s28;
	v9 =	vld [tilespmem:s17+$0xF0]  }
0x10d: {  	s25 =	sadd.s32 $0x4, s25;
	v12 =	vld [tilespmem:s28+$0x80];
	v6 =	vmax.f32 v6, $0.0e+00;
	v7 =	vadd.f32 v10, v7  }
0x10e: {  	p3 =	slt.u32 s25, $0x1C;
	v10 =	vld [tilespmem:s28+$0xFFFFFF00];
	v5 =	vadd.f32 v11, v5;
	[tilespmem:s16+$0xFFFFFFE0] =	vst v6  }
0x10f: {  	v6 =	vld [tilespmem:s11+$0xFFFFFF80];
	v7 =	vmax.f32 v7, $0.0e+00  }
0x110: {  	v11 =	vld [tilespmem:s28+$0xFFFFFF80];
	v5 =	vmax.f32 v5, $0.0e+00;
	[tilespmem:s16+$0x60] =	vst v7  }
0x111: {  	v7 =	vld [tilespmem:s11+$0x0];
	[tilespmem:s16+$0xFFFFFF60] =	vst v5;
	v5 =	vadd.f32 v9, v8  }
0x112: {  	v8 =	vld [tilespmem:s28+$0x0];
	v9 =	vadd.f32 v12, v13  }
0x113: {  	v12 =	vld [tilespmem:s11+$0xFFFFFF00];
	v5 =	vmax.f32 v5, $0.0e+00  }
0x114: {  	v13 =	vld [tilespmem:s11+$0xFFFFFF10];
	v9 =	vmax.f32 v9, $0.0e+00;
	[tilespmem:s16+$0xF0] =	vst v5  }
0x115: {  	v5 =	vadd.f32 v11, v6;
	[tilespmem:s11+$0x80] =	vst v9;
	v6 =	vld [tilespmem:s11+$0x90]  }
0x116: {  	v9 =	vld [tilespmem:s28+$0x90]  }
0x117: {  	v5 =	vmax.f32 v5, $0.0e+00;
	v11 =	vld [tilespmem:s11+$0xFFFFFF90];
	v7 =	vadd.f32 v8, v7  }
0x118: {  	v8 =	vadd.f32 v10, v12;
	[tilespmem:s11+$0xFFFFFF80] =	vst v5;
	v5 =	vld [tilespmem:s11+$0x10]  }
0x119: {  	v10 =	vld [tilespmem:s28+$0xFFFFFF90];
	v7 =	vmax.f32 v7, $0.0e+00  }
0x11a: {  	v8 =	vmax.f32 v8, $0.0e+00;
	v12 =	vld [tilespmem:s11+$0xFFFFFF20];
	[tilespmem:s11+$0x0] =	vst v7  }
0x11b: {  	[tilespmem:s11+$0xFFFFFF00] =	vst v8;
	v7 =	vld [tilespmem:s28+$0x10];
	v6 =	vadd.f32 v9, v6  }
0x11c: {  	v8 =	vld [tilespmem:s28+$0xFFFFFF10]  }
0x11d: {  	v9 =	vld [tilespmem:s11+$0xFFFFFFA0];
	v6 =	vmax.f32 v6, $0.0e+00  }
0x11e: {  	v10 =	vadd.f32 v10, v11;
	[tilespmem:s11+$0x90] =	vst v6;
	v6 =	vld [tilespmem:s11+$0xA0]  }
0x11f: {  	v11 =	vld [tilespmem:s28+$0xA0]  }
0x120: {  	v10 =	vmax.f32 v10, $0.0e+00;
	v5 =	vadd.f32 v7, v5;
	v7 =	vld [tilespmem:s11+$0x20]  }
0x121: {  	v8 =	vadd.f32 v8, v13;
	v13 =	vld [tilespmem:s11+$0xFFFFFF30];
	[tilespmem:s11+$0xFFFFFF90] =	vst v10  }
0x122: {  	v10 =	vld [tilespmem:s28+$0xFFFFFFA0];
	v5 =	vmax.f32 v5, $0.0e+00  }
0x123: {  	v8 =	vmax.f32 v8, $0.0e+00;
	v14 =	vld [tilespmem:s11+$0xFFFFFFB0];
	[tilespmem:s11+$0x10] =	vst v5  }
0x124: {  	[tilespmem:s11+$0xFFFFFF10] =	vst v8;
	v5 =	vld [tilespmem:s28+$0x20];
	v6 =	vadd.f32 v11, v6  }
0x125: {  	v8 =	vld [tilespmem:s28+$0xFFFFFF20]  }
0x126: {  	v11 =	vld [tilespmem:s11+$0x30];
	v6 =	vmax.f32 v6, $0.0e+00  }
0x127: {  	v9 =	vadd.f32 v10, v9;
	[tilespmem:s11+$0xA0] =	vst v6;
	v6 =	vld [tilespmem:s11+$0xB0]  }
0x128: {  	v10 =	vld [tilespmem:s28+$0xB0]  }
0x129: {  	v15 =	vld [tilespmem:s11+$0xFFFFFF40];
	v9 =	vmax.f32 v9, $0.0e+00;
	v5 =	vadd.f32 v5, v7  }
0x12a: {  	v7 =	vadd.f32 v8, v12;
	[tilespmem:s11+$0xFFFFFFA0] =	vst v9;
	v8 =	vld [tilespmem:s11+$0xFFFFFFC0]  }
0x12b: {  	v9 =	vld [tilespmem:s28+$0xFFFFFFB0];
	v5 =	vmax.f32 v5, $0.0e+00  }
0x12c: {  	v7 =	vmax.f32 v7, $0.0e+00;
	[tilespmem:s11+$0x20] =	vst v5;
	v12 =	vld [tilespmem:s11+$0x40]  }
0x12d: {  	[tilespmem:s11+$0xFFFFFF20] =	vst v7;
	v5 =	vld [tilespmem:s28+$0x30];
	v6 =	vadd.f32 v10, v6  }
0x12e: {  	v7 =	vld [tilespmem:s28+$0xFFFFFF30]  }
0x12f: {  	v10 =	vld [tilespmem:s11+$0xFFFFFF50];
	v6 =	vmax.f32 v6, $0.0e+00  }
0x130: {  	v9 =	vadd.f32 v9, v14;
	[tilespmem:s11+$0xB0] =	vst v6;
	v6 =	vld [tilespmem:s11+$0xC0]  }
0x131: {  	v14 =	vld [tilespmem:s28+$0xC0]  }
0x132: {  	v9 =	vmax.f32 v9, $0.0e+00;
	v16 =	vld [tilespmem:s11+$0xFFFFFFD0];
	v5 =	vadd.f32 v5, v11  }
0x133: {  	v7 =	vadd.f32 v7, v13;
	[tilespmem:s11+$0xFFFFFFB0] =	vst v9;
	v9 =	vld [tilespmem:s11+$0x50]  }
0x134: {  	v11 =	vld [tilespmem:s28+$0xFFFFFFC0];
	v13 =	vmax.f32 v5, $0.0e+00  }
0x135: {  	v7 =	vmax.f32 v7, $0.0e+00;
	v5 =	vld [tilespmem:s11+$0xFFFFFF60];
	[tilespmem:s11+$0x30] =	vst v13  }
0x136: {  	[tilespmem:s11+$0xFFFFFF30] =	vst v7;
	v7 =	vld [tilespmem:s28+$0x40];
	v13 =	vadd.f32 v14, v6  }
0x137: {  	v14 =	vld [tilespmem:s28+$0xFFFFFF40]  }
0x138: {  	v6 =	vld [tilespmem:s11+$0xFFFFFFE0];
	v13 =	vmax.f32 v13, $0.0e+00  }
0x139: {  	v8 =	vadd.f32 v11, v8;
	[tilespmem:s11+$0xC0] =	vst v13;
	v11 =	vld [tilespmem:s11+$0xD0]  }
0x13a: {  	v13 =	vld [tilespmem:s28+$0xD0]  }
0x13b: {  	v8 =	vmax.f32 v8, $0.0e+00;
	v12 =	vadd.f32 v7, v12;
	v7 =	vld [tilespmem:s11+$0x60]  }
0x13c: {  	v14 =	vadd.f32 v14, v15;
	[tilespmem:s11+$0xFFFFFFC0] =	vst v8;
	v8 =	vld [tilespmem:s17+$0xFFFFFF70]  }
0x13d: {  	v15 =	vld [tilespmem:s28+$0xFFFFFFD0];
	v12 =	vmax.f32 v12, $0.0e+00  }
0x13e: {  	v14 =	vmax.f32 v14, $0.0e+00;
	[tilespmem:s11+$0x40] =	vst v12;
	v12 =	vld [tilespmem:s17+$0xFFFFFFF0]  }
0x13f: {  	[tilespmem:s11+$0xFFFFFF40] =	vst v14;
	v14 =	vld [tilespmem:s28+$0x50];
	v11 =	vadd.f32 v13, v11  }
0x140: {  	v13 =	vld [tilespmem:s28+$0xFFFFFF50]  }
0x141: {  	v11 =	vmax.f32 v11, $0.0e+00;
	v4 =	vadd.f32 v8, v4;
	v8 =	vld [tilespmem:s17+$0x70];
	s17 =	smov.u32 s28  }
0x142: {  	v15 =	vadd.f32 v15, v16;
	[tilespmem:s11+$0xD0] =	vst v11;
	v11 =	vld [tilespmem:s11+$0xE0]  }
0x143: {  	v16 =	vld [tilespmem:s28+$0xE0];
	v17 =	vmax.f32 v4, $0.0e+00;
	v12 =	vadd.f32 v12, v3  }
0x144: {  	v4 =	vld [tilespmem:s11+$0xFFFFFF70];
	v3 =	vmax.f32 v15, $0.0e+00;
	v14 =	vadd.f32 v14, v9;
	[tilespmem:s16+$0xFFFFFF70] =	vst v17  }
0x145: {  	v10 =	vadd.f32 v13, v10;
	[tilespmem:s11+$0xFFFFFFD0] =	vst v3;
	v3 =	vld [tilespmem:s11+$0xFFFFFFF0];
	v12 =	vmax.f32 v12, $0.0e+00  }
.Ltmp4:
0x146: {  	v9 =	vld [tilespmem:s28+$0xFFFFFFE0];
	v13 =	vmax.f32 v14, $0.0e+00;
	[tilespmem:s16+$0xFFFFFFF0] =	vst v12;
	v8 =	vadd.f32 v8, v2;
	(pc) =	sbr.rel @p3 .LBB2_9-.Ltmp4, $4  }
0x147: {  	v10 =	vmax.f32 v10, $0.0e+00;
	[tilespmem:s11+$0x50] =	vst v13;
	v2 =	vld [tilespmem:s11+$0x70]  }
0x148: {  	[tilespmem:s11+$0xFFFFFF50] =	vst v10;
	v10 =	vld [tilespmem:s28+$0x60];
	v12 =	vadd.f32 v16, v11;
	v8 =	vmax.f32 v8, $0.0e+00  }
0x149: {  	v11 =	vld [tilespmem:s28+$0xFFFFFF60];
	[tilespmem:s16+$0x70] =	vst v8;
	s16 =	smov.u32 s11  }
0x14a: {  	s11 =	sadd.s32 $0x200, s11;
	v12 =	vmax.f32 v12, $0.0e+00;
	v8 =	vld [tilespmem:s16+$0xF0]  }
0x14b: {  	_ =	sdelay $0x2  }
0x14c: {  	v5 =	vadd.f32 v11, v5  }
0x14d: {  	v6 =	vadd.f32 v9, v6  }
0x14e: {  	[tilespmem:s16+$0xE0] =	vst v12;
	v7 =	vadd.f32 v10, v7;
	v5 =	vmax.f32 v5, $0.0e+00  }
0x14f: {  	v9 =	vld [tilespmem:s17+$0xF0];
	v6 =	vmax.f32 v6, $0.0e+00;
	[tilespmem:s16+$0xFFFFFF60] =	vst v5  }
0x150: {  	[tilespmem:s16+$0xFFFFFFE0] =	vst v6;
	v5 =	vmax.f32 v7, $0.0e+00;
	v6 =	vld [tilespmem:s17+$0xFFFFFF70]  }
0x151: {  	[tilespmem:s16+$0x60] =	vst v5;
	v5 =	vld [tilespmem:s17+$0xFFFFFFF0]  }
0x152: {  	v7 =	vld [tilespmem:s17+$0x70];
	_ =	sdelay $0x1  }
0x153: {  	v8 =	vadd.f32 v9, v8  }
0x154: {  	v4 =	vadd.f32 v6, v4  }
0x155: {  	v6 =	vmax.f32 v8, $0.0e+00;
	v3 =	vadd.f32 v5, v3  }
0x156: {  	[tilespmem:s16+$0xF0] =	vst v6;
	v2 =	vadd.f32 v7, v2;
	v4 =	vmax.f32 v4, $0.0e+00  }
0x157: {  	v3 =	vmax.f32 v3, $0.0e+00;
	[tilespmem:s16+$0xFFFFFF70] =	vst v4  }
0x158: {  	[tilespmem:s16+$0xFFFFFFF0] =	vst v3;
	v2 =	vmax.f32 v2, $0.0e+00  }
0x159: {  	[tilespmem:s16+$0x70] =	vst v2  }
0x15a: {  	[spmem:s2] =	stream.indirect.scatter.add.f32 [tilespmem:s18], [sflag:$0x5], $0x80, s22, s0, $0xb8;
	[tilespmem:$0x1F900] =	vst v63  }
0x15b: {  	s16 =	simm.s32 $0x1BB70;
	v2 =	vld [tilespmem:s14+$0xFFFFFF90]  }
0x15c: {  	v3 =	vld [tilespmem:s16+$0xFFFFFF90]  }
0x15d: {  	v4 =	vld [tilespmem:s16+$0xFFFFFE10]  }
0x15e: {  	v5 =	vld [tilespmem:s14+$0xFFFFFE90]  }
0x15f: {  	v6 =	vld [tilespmem:s16+$0xFFFFFE90]  }
0x160: {  	v7 =	vld [tilespmem:s16+$0xFFFFFF10]  }
0x161: {  	v2 =	vadd.f32 v3, v2;
	v3 =	vld [tilespmem:s14+$0xFFFFFF10]  }
0x162: {  	v8 =	vld [tilespmem:s14+$0xFFFFFE10]  }
0x163: {  	v2 =	vmax.f32 v2, $0.0e+00  }
0x164: {  	v5 =	vadd.f32 v6, v5;
	[tilespmem:s14+$0xFFFFFF90] =	vst v2;
	v2 =	vld [tilespmem:s14+$0xFFFFFFA0]  }
0x165: {  	v9 =	vld [tilespmem:s16+$0xFFFFFFA0]  }
0x166: {  	v10 =	vld [tilespmem:s14+$0xFFFFFEA0];
	v5 =	vmax.f32 v5, $0.0e+00;
	v3 =	vadd.f32 v7, v3  }
0x167: {  	v6 =	vld [tilespmem:s14+$0xFFFFFE20];
	v4 =	vadd.f32 v4, v8;
	[tilespmem:s14+$0xFFFFFE90] =	vst v5  }
0x168: {  	v7 =	vld [tilespmem:s16+$0xFFFFFEA0];
	v3 =	vmax.f32 v3, $0.0e+00  }
0x169: {  	v4 =	vmax.f32 v4, $0.0e+00;
	v5 =	vld [tilespmem:s14+$0xFFFFFF20];
	[tilespmem:s14+$0xFFFFFF10] =	vst v3  }
0x16a: {  	[tilespmem:s14+$0xFFFFFE10] =	vst v4;
	v2 =	vadd.f32 v9, v2;
	v3 =	vld [tilespmem:s16+$0xFFFFFF20]  }
0x16b: {  	v4 =	vld [tilespmem:s16+$0xFFFFFE20]  }
0x16c: {  	v2 =	vmax.f32 v2, $0.0e+00  }
0x16d: {  	v7 =	vadd.f32 v7, v10;
	[tilespmem:s14+$0xFFFFFFA0] =	vst v2;
	v2 =	vld [tilespmem:s14+$0xFFFFFFB0]  }
0x16e: {  	v9 =	vld [tilespmem:s16+$0xFFFFFFB0]  }
0x16f: {  	v8 =	vld [tilespmem:s14+$0xFFFFFE30];
	v7 =	vmax.f32 v7, $0.0e+00;
	v3 =	vadd.f32 v3, v5  }
0x170: {  	v4 =	vadd.f32 v4, v6;
	v10 =	vld [tilespmem:s14+$0xFFFFFEB0];
	[tilespmem:s14+$0xFFFFFEA0] =	vst v7  }
0x171: {  	v6 =	vld [tilespmem:s16+$0xFFFFFEB0];
	v3 =	vmax.f32 v3, $0.0e+00  }
0x172: {  	v4 =	vmax.f32 v4, $0.0e+00;
	v5 =	vld [tilespmem:s14+$0xFFFFFF30];
	[tilespmem:s14+$0xFFFFFF20] =	vst v3  }
0x173: {  	[tilespmem:s14+$0xFFFFFE20] =	vst v4;
	v2 =	vadd.f32 v9, v2;
	v3 =	vld [tilespmem:s16+$0xFFFFFF30]  }
0x174: {  	v4 =	vld [tilespmem:s16+$0xFFFFFE30]  }
0x175: {  	v2 =	vmax.f32 v2, $0.0e+00  }
0x176: {  	v6 =	vadd.f32 v6, v10;
	[tilespmem:s14+$0xFFFFFFB0] =	vst v2;
	v2 =	vld [tilespmem:s14+$0xFFFFFFC0]  }
0x177: {  	v9 =	vld [tilespmem:s16+$0xFFFFFFC0]  }
0x178: {  	v11 =	vld [tilespmem:s14+$0xFFFFFF40];
	v6 =	vmax.f32 v6, $0.0e+00;
	v3 =	vadd.f32 v3, v5  }
0x179: {  	v4 =	vadd.f32 v4, v8;
	v10 =	vld [tilespmem:s14+$0xFFFFFEC0];
	[tilespmem:s14+$0xFFFFFEB0] =	vst v6  }
0x17a: {  	v5 =	vld [tilespmem:s16+$0xFFFFFEC0];
	v3 =	vmax.f32 v3, $0.0e+00  }
0x17b: {  	v7 =	vld [tilespmem:s14+$0xFFFFFE40];
	[tilespmem:s14+$0xFFFFFF30] =	vst v3;
	v3 =	vmax.f32 v4, $0.0e+00  }
0x17c: {  	v2 =	vadd.f32 v9, v2;
	[tilespmem:s14+$0xFFFFFE30] =	vst v3;
	v3 =	vld [tilespmem:s16+$0xFFFFFF40]  }
0x17d: {  	v8 =	vld [tilespmem:s16+$0xFFFFFE40]  }
0x17e: {  	v12 =	vld [tilespmem:s14+$0xFFFFFE50];
	v2 =	vmax.f32 v2, $0.0e+00  }
0x17f: {  	v5 =	vadd.f32 v5, v10;
	[tilespmem:s14+$0xFFFFFFC0] =	vst v2;
	v2 =	vld [tilespmem:s14+$0xFFFFFFD0]  }
0x180: {  	v9 =	vld [tilespmem:s16+$0xFFFFFFD0]  }
0x181: {  	v13 =	vld [tilespmem:s14+$0xFFFFFEE0];
	v5 =	vmax.f32 v5, $0.0e+00;
	v3 =	vadd.f32 v3, v11  }
0x182: {  	v6 =	vld [tilespmem:s14+$0xFFFFFED0];
	[tilespmem:s14+$0xFFFFFEC0] =	vst v5;
	v7 =	vadd.f32 v8, v7  }
0x183: {  	v8 =	vld [tilespmem:s16+$0xFFFFFED0];
	v3 =	vmax.f32 v3, $0.0e+00  }
0x184: {  	v4 =	vld [tilespmem:s14+$0xFFFFFF50];
	[tilespmem:s14+$0xFFFFFF40] =	vst v3;
	v3 =	vmax.f32 v7, $0.0e+00  }
0x185: {  	v2 =	vadd.f32 v9, v2;
	v7 =	vld [tilespmem:s16+$0xFFFFFF50];
	[tilespmem:s14+$0xFFFFFE40] =	vst v3  }
0x186: {  	v3 =	vld [tilespmem:s16+$0xFFFFFE50]  }
0x187: {  	v10 =	vld [tilespmem:s14+$0xFFFFFE60];
	v2 =	vmax.f32 v2, $0.0e+00  }
0x188: {  	[tilespmem:s14+$0xFFFFFFD0] =	vst v2;
	v2 =	vadd.f32 v8, v6;
	v8 =	vld [tilespmem:s14+$0xFFFFFFE0]  }
0x189: {  	v9 =	vld [tilespmem:s16+$0xFFFFFFE0]  }
0x18a: {  	v5 =	vld [tilespmem:s14+$0xFFFFFE70];
	v2 =	vmax.f32 v2, $0.0e+00;
	v4 =	vadd.f32 v7, v4  }
0x18b: {  	v11 =	vld [tilespmem:s14+$0xFFFFFF60];
	[tilespmem:s14+$0xFFFFFED0] =	vst v2;
	v2 =	vadd.f32 v3, v12  }
0x18c: {  	v3 =	vld [tilespmem:s16+$0xFFFFFEE0];
	v4 =	vmax.f32 v4, $0.0e+00  }
0x18d: {  	v6 =	vld [tilespmem:s14+$0xFFFFFEF0];
	[tilespmem:s14+$0xFFFFFF50] =	vst v4;
	v2 =	vmax.f32 v2, $0.0e+00  }
0x18e: {  	v4 =	vld [tilespmem:s16+$0xFFFFFF60];
	v8 =	vadd.f32 v9, v8;
	[tilespmem:s14+$0xFFFFFE50] =	vst v2  }
0x18f: {  	v2 =	vld [tilespmem:s16+$0xFFFFFE60]  }
0x190: {  	v7 =	vld [tilespmem:s14+$0xFFFFFF70];
	v8 =	vmax.f32 v8, $0.0e+00  }
0x191: {  	v3 =	vadd.f32 v3, v13;
	[tilespmem:s14+$0xFFFFFFE0] =	vst v8;
	v8 =	vld [tilespmem:s14+$0xFFFFFFF0]  }
0x192: {  	v12 =	vld [tilespmem:s16+$0xFFFFFFF0]  }
0x193: {  	v3 =	vmax.f32 v3, $0.0e+00;
	v9 =	vadd.f32 v4, v11;
	v4 =	vld [tilespmem:s14+$0xFFFFFE80]  }
0x194: {  	[tilespmem:s14+$0xFFFFFEE0] =	vst v3;
	v2 =	vadd.f32 v2, v10;
	v3 =	vld [tilespmem:s14+$0xFFFFFF00]  }
0x195: {  	v10 =	vmax.f32 v9, $0.0e+00;
	v9 =	vld [tilespmem:s16+$0xFFFFFEF0]  }
0x196: {  	[tilespmem:s14+$0xFFFFFF60] =	vst v10;
	v10 =	vmax.f32 v2, $0.0e+00;
	v2 =	vld [tilespmem:s14+$0xFFFFFF80]  }
0x197: {  	[tilespmem:s14+$0xFFFFFE60] =	vst v10;
	v10 =	vld [tilespmem:s16+$0xFFFFFF70];
	v8 =	vadd.f32 v12, v8  }
0x198: {  	v11 =	vld [tilespmem:s16+$0xFFFFFE70]  }
0x199: {  	s11 =	sadd.s32 $0x200, s14;
	s17 =	simm.s32 $0x20;
	s18 =	simm.s32 $0x1BB70;
	v12 =	vmax.f32 v8, $0.0e+00;
	v8 =	vld [tilespmem:s14+$0x0]  }
.LBB2_11:
0x19a: {  	v13 =	vld [tilespmem:s11+$0xFFFFFF90];
	v6 =	vadd.f32 v9, v6;
	[tilespmem:s14+$0xFFFFFFF0] =	vst v12  }
0x19b: {  	s18 =	sadd.s32 $0x200, s18;
	v9 =	vld [tilespmem:s16+$0x0]  }
0x19c: {  	s17 =	sadd.s32 $0x4, s17;
	v12 =	vld [tilespmem:s18+$0xFFFFFF90];
	v6 =	vmax.f32 v6, $0.0e+00;
	v7 =	vadd.f32 v10, v7  }
0x19d: {  	p3 =	slt.u32 s17, $0x4C;
	v10 =	vld [tilespmem:s18+$0xFFFFFE10];
	v5 =	vadd.f32 v11, v5;
	[tilespmem:s14+$0xFFFFFEF0] =	vst v6  }
0x19e: {  	v6 =	vld [tilespmem:s11+$0xFFFFFE90];
	v7 =	vmax.f32 v7, $0.0e+00  }
0x19f: {  	v11 =	vld [tilespmem:s18+$0xFFFFFE90];
	v5 =	vmax.f32 v5, $0.0e+00;
	[tilespmem:s14+$0xFFFFFF70] =	vst v7  }
0x1a0: {  	v7 =	vld [tilespmem:s11+$0xFFFFFF10];
	[tilespmem:s14+$0xFFFFFE70] =	vst v5;
	v5 =	vadd.f32 v9, v8  }
0x1a1: {  	v8 =	vld [tilespmem:s18+$0xFFFFFF10];
	v9 =	vadd.f32 v12, v13  }
0x1a2: {  	v12 =	vld [tilespmem:s11+$0xFFFFFE10];
	v5 =	vmax.f32 v5, $0.0e+00  }
0x1a3: {  	v13 =	vld [tilespmem:s11+$0xFFFFFE20];
	v9 =	vmax.f32 v9, $0.0e+00;
	[tilespmem:s14+$0x0] =	vst v5  }
0x1a4: {  	v5 =	vadd.f32 v11, v6;
	[tilespmem:s11+$0xFFFFFF90] =	vst v9;
	v6 =	vld [tilespmem:s11+$0xFFFFFFA0]  }
0x1a5: {  	v9 =	vld [tilespmem:s18+$0xFFFFFFA0]  }
0x1a6: {  	v5 =	vmax.f32 v5, $0.0e+00;
	v11 =	vld [tilespmem:s11+$0xFFFFFEA0];
	v7 =	vadd.f32 v8, v7  }
0x1a7: {  	v8 =	vadd.f32 v10, v12;
	[tilespmem:s11+$0xFFFFFE90] =	vst v5;
	v5 =	vld [tilespmem:s11+$0xFFFFFF20]  }
0x1a8: {  	v10 =	vld [tilespmem:s18+$0xFFFFFEA0];
	v7 =	vmax.f32 v7, $0.0e+00  }
0x1a9: {  	v8 =	vmax.f32 v8, $0.0e+00;
	v12 =	vld [tilespmem:s11+$0xFFFFFE30];
	[tilespmem:s11+$0xFFFFFF10] =	vst v7  }
0x1aa: {  	[tilespmem:s11+$0xFFFFFE10] =	vst v8;
	v7 =	vld [tilespmem:s18+$0xFFFFFF20];
	v6 =	vadd.f32 v9, v6  }
0x1ab: {  	v8 =	vld [tilespmem:s18+$0xFFFFFE20]  }
0x1ac: {  	v9 =	vld [tilespmem:s11+$0xFFFFFEB0];
	v6 =	vmax.f32 v6, $0.0e+00  }
0x1ad: {  	v10 =	vadd.f32 v10, v11;
	[tilespmem:s11+$0xFFFFFFA0] =	vst v6;
	v6 =	vld [tilespmem:s11+$0xFFFFFFB0]  }
0x1ae: {  	v11 =	vld [tilespmem:s18+$0xFFFFFFB0]  }
0x1af: {  	v10 =	vmax.f32 v10, $0.0e+00;
	v5 =	vadd.f32 v7, v5;
	v7 =	vld [tilespmem:s11+$0xFFFFFF30]  }
0x1b0: {  	v8 =	vadd.f32 v8, v13;
	v13 =	vld [tilespmem:s11+$0xFFFFFE40];
	[tilespmem:s11+$0xFFFFFEA0] =	vst v10  }
0x1b1: {  	v10 =	vld [tilespmem:s18+$0xFFFFFEB0];
	v5 =	vmax.f32 v5, $0.0e+00  }
0x1b2: {  	v8 =	vmax.f32 v8, $0.0e+00;
	v14 =	vld [tilespmem:s11+$0xFFFFFEC0];
	[tilespmem:s11+$0xFFFFFF20] =	vst v5  }
0x1b3: {  	[tilespmem:s11+$0xFFFFFE20] =	vst v8;
	v5 =	vld [tilespmem:s18+$0xFFFFFF30];
	v6 =	vadd.f32 v11, v6  }
0x1b4: {  	v8 =	vld [tilespmem:s18+$0xFFFFFE30]  }
0x1b5: {  	v11 =	vld [tilespmem:s11+$0xFFFFFF40];
	v6 =	vmax.f32 v6, $0.0e+00  }
0x1b6: {  	v9 =	vadd.f32 v10, v9;
	[tilespmem:s11+$0xFFFFFFB0] =	vst v6;
	v6 =	vld [tilespmem:s11+$0xFFFFFFC0]  }
0x1b7: {  	v10 =	vld [tilespmem:s18+$0xFFFFFFC0]  }
0x1b8: {  	v15 =	vld [tilespmem:s11+$0xFFFFFE50];
	v9 =	vmax.f32 v9, $0.0e+00;
	v5 =	vadd.f32 v5, v7  }
0x1b9: {  	v7 =	vadd.f32 v8, v12;
	[tilespmem:s11+$0xFFFFFEB0] =	vst v9;
	v8 =	vld [tilespmem:s11+$0xFFFFFED0]  }
0x1ba: {  	v9 =	vld [tilespmem:s18+$0xFFFFFEC0];
	v5 =	vmax.f32 v5, $0.0e+00  }
0x1bb: {  	v7 =	vmax.f32 v7, $0.0e+00;
	[tilespmem:s11+$0xFFFFFF30] =	vst v5;
	v12 =	vld [tilespmem:s11+$0xFFFFFF50]  }
0x1bc: {  	[tilespmem:s11+$0xFFFFFE30] =	vst v7;
	v5 =	vld [tilespmem:s18+$0xFFFFFF40];
	v6 =	vadd.f32 v10, v6  }
0x1bd: {  	v7 =	vld [tilespmem:s18+$0xFFFFFE40]  }
0x1be: {  	v10 =	vld [tilespmem:s11+$0xFFFFFE60];
	v6 =	vmax.f32 v6, $0.0e+00  }
0x1bf: {  	v9 =	vadd.f32 v9, v14;
	[tilespmem:s11+$0xFFFFFFC0] =	vst v6;
	v6 =	vld [tilespmem:s11+$0xFFFFFFD0]  }
0x1c0: {  	v14 =	vld [tilespmem:s18+$0xFFFFFFD0]  }
0x1c1: {  	v9 =	vmax.f32 v9, $0.0e+00;
	v16 =	vld [tilespmem:s11+$0xFFFFFEE0];
	v5 =	vadd.f32 v5, v11  }
0x1c2: {  	v7 =	vadd.f32 v7, v13;
	[tilespmem:s11+$0xFFFFFEC0] =	vst v9;
	v9 =	vld [tilespmem:s11+$0xFFFFFF60]  }
0x1c3: {  	v11 =	vld [tilespmem:s18+$0xFFFFFED0];
	v13 =	vmax.f32 v5, $0.0e+00  }
0x1c4: {  	v7 =	vmax.f32 v7, $0.0e+00;
	v5 =	vld [tilespmem:s11+$0xFFFFFE70];
	[tilespmem:s11+$0xFFFFFF40] =	vst v13  }
0x1c5: {  	[tilespmem:s11+$0xFFFFFE40] =	vst v7;
	v7 =	vld [tilespmem:s18+$0xFFFFFF50];
	v13 =	vadd.f32 v14, v6  }
0x1c6: {  	v14 =	vld [tilespmem:s18+$0xFFFFFE50]  }
0x1c7: {  	v6 =	vld [tilespmem:s11+$0xFFFFFEF0];
	v13 =	vmax.f32 v13, $0.0e+00  }
0x1c8: {  	v8 =	vadd.f32 v11, v8;
	[tilespmem:s11+$0xFFFFFFD0] =	vst v13;
	v11 =	vld [tilespmem:s11+$0xFFFFFFE0]  }
0x1c9: {  	v13 =	vld [tilespmem:s18+$0xFFFFFFE0]  }
0x1ca: {  	v8 =	vmax.f32 v8, $0.0e+00;
	v12 =	vadd.f32 v7, v12;
	v7 =	vld [tilespmem:s11+$0xFFFFFF70]  }
0x1cb: {  	v14 =	vadd.f32 v14, v15;
	[tilespmem:s11+$0xFFFFFED0] =	vst v8;
	v8 =	vld [tilespmem:s16+$0xFFFFFE80]  }
0x1cc: {  	v15 =	vld [tilespmem:s18+$0xFFFFFEE0];
	v12 =	vmax.f32 v12, $0.0e+00  }
0x1cd: {  	v14 =	vmax.f32 v14, $0.0e+00;
	[tilespmem:s11+$0xFFFFFF50] =	vst v12;
	v12 =	vld [tilespmem:s16+$0xFFFFFF00]  }
0x1ce: {  	[tilespmem:s11+$0xFFFFFE50] =	vst v14;
	v14 =	vld [tilespmem:s18+$0xFFFFFF60];
	v11 =	vadd.f32 v13, v11  }
0x1cf: {  	v13 =	vld [tilespmem:s18+$0xFFFFFE60]  }
0x1d0: {  	v11 =	vmax.f32 v11, $0.0e+00;
	v4 =	vadd.f32 v8, v4;
	v8 =	vld [tilespmem:s16+$0xFFFFFF80];
	s16 =	smov.u32 s18  }
0x1d1: {  	v15 =	vadd.f32 v15, v16;
	[tilespmem:s11+$0xFFFFFFE0] =	vst v11;
	v11 =	vld [tilespmem:s11+$0xFFFFFFF0]  }
0x1d2: {  	v16 =	vld [tilespmem:s18+$0xFFFFFFF0];
	v17 =	vmax.f32 v4, $0.0e+00;
	v12 =	vadd.f32 v12, v3  }
0x1d3: {  	v4 =	vld [tilespmem:s11+$0xFFFFFE80];
	v3 =	vmax.f32 v15, $0.0e+00;
	v14 =	vadd.f32 v14, v9;
	[tilespmem:s14+$0xFFFFFE80] =	vst v17  }
0x1d4: {  	v10 =	vadd.f32 v13, v10;
	[tilespmem:s11+$0xFFFFFEE0] =	vst v3;
	v3 =	vld [tilespmem:s11+$0xFFFFFF00];
	v12 =	vmax.f32 v12, $0.0e+00  }
.Ltmp5:
0x1d5: {  	v9 =	vld [tilespmem:s18+$0xFFFFFEF0];
	v13 =	vmax.f32 v14, $0.0e+00;
	[tilespmem:s14+$0xFFFFFF00] =	vst v12;
	v8 =	vadd.f32 v8, v2;
	(pc) =	sbr.rel @p3 .LBB2_11-.Ltmp5, $4  }
0x1d6: {  	v10 =	vmax.f32 v10, $0.0e+00;
	[tilespmem:s11+$0xFFFFFF60] =	vst v13;
	v2 =	vld [tilespmem:s11+$0xFFFFFF80]  }
0x1d7: {  	[tilespmem:s11+$0xFFFFFE60] =	vst v10;
	v10 =	vld [tilespmem:s18+$0xFFFFFF70];
	v12 =	vadd.f32 v16, v11;
	v8 =	vmax.f32 v8, $0.0e+00  }
0x1d8: {  	v11 =	vld [tilespmem:s18+$0xFFFFFE70];
	[tilespmem:s14+$0xFFFFFF80] =	vst v8;
	s14 =	smov.u32 s11  }
0x1d9: {  	s11 =	sadd.s32 $0x200, s11;
	v12 =	vmax.f32 v12, $0.0e+00;
	v8 =	vld [tilespmem:s14+$0x0]  }
0x1da: {  	_ = 	snop  }
0x1db: {  	v6 =	vadd.f32 v9, v6  }
0x1dc: {  	v7 =	vadd.f32 v10, v7  }
0x1dd: {  	[tilespmem:s14+$0xFFFFFFF0] =	vst v12;
	v6 =	vmax.f32 v6, $0.0e+00;
	v5 =	vadd.f32 v11, v5  }
0x1de: {  	v58 =	vld [tilespmem:s16+$0x0];
	[tilespmem:s14+$0xFFFFFEF0] =	vst v6;
	v59 =	vmax.f32 v7, $0.0e+00  }
0x1df: {  	v61 =	vld [tilespmem:s16+$0xFFFFFF00];
	v5 =	vmax.f32 v5, $0.0e+00;
	[tilespmem:s14+$0xFFFFFF70] =	vst v59  }
0x1e0: {  	[tilespmem:s14+$0xFFFFFE70] =	vst v5;
	v62 =	vld [tilespmem:s16+$0xFFFFFF80]  }
0x1e1: {  	v60 =	vld [tilespmem:s16+$0xFFFFFE80];
	_ =	sdelay $0x1  }
0x1e2: {  	v8 =	vadd.f32 v58, v8  }
0x1e3: {  	v3 =	vadd.f32 v61, v3  }
0x1e4: {  	v63 =	vmax.f32 v8, $0.0e+00;
	v2 =	vadd.f32 v62, v2  }
0x1e5: {  	[tilespmem:s14+$0x0] =	vst v63;
	v3 =	vmax.f32 v3, $0.0e+00;
	v4 =	vadd.f32 v60, v4  }
0x1e6: {  	[tilespmem:s14+$0xFFFFFF00] =	vst v3;
	v2 =	vmax.f32 v2, $0.0e+00  }
0x1e7: {  	v4 =	vmax.f32 v4, $0.0e+00;
	[tilespmem:s14+$0xFFFFFF80] =	vst v2  }
0x1e8: {  	s11 =	sadd.s32 $0x15080, s23;
	[tilespmem:s14+$0xFFFFFE80] =	vst v4  }
0x1e9: {  	[tilespmem:s29], [sflag:$0x3] =	stream.indirect.gather [spmem:s3], $0x80, s11, s26, $0xb8;
	[tilespmem:$0x1F900] =	vst v63  }
0x1ea: {  	s28 =	sadd.s32 $0x16980, s13  }
0x1eb: {  	[spmem:s2] =	stream.indirect.scatter.add.f32 [tilespmem:s28], [sflag:$0x5], $0x80, s5, s4, $0xb8;
	[tilespmem:$0x1F900] =	vst v63  }
0x1ec: {  	_ =	swait.ge [sflag:s12], $0x2800  }
0x1ed: {  	[sflag:s12] =	ssyncset.done $0x0  }
0x1ee: {  	[sflag:s12] =	ssyncadd.s32 $0xFFFFD800  }
0x1ef: {  	_ =	swait.ge [sflag:s30], $0x2800  }
0x1f0: {  	[sflag:s30] =	ssyncset.done $0x0  }
0x1f1: {  	[sflag:s30] =	ssyncadd.s32 $0xFFFFD800  }
0x1f2: {  	p3 =	sne.s32 s21, $0x7C;
	_ =	swait.ge [sflag:s10], $0x1000  }
.Ltmp6:
0x1f3: {  	[sflag:s10] =	ssyncset.done $0x0;
	(pc) =	sbr.rel @p3 .LBB2_8-.Ltmp6, $4  }
0x1f4: {  	[sflag:s10] =	ssyncadd.s32 $0xFFFFF000  }
0x1f5: {  	_ =	swait.ge [sflag:s10], $0x1800  }
0x1f6: {  	[sflag:s10] =	ssyncset.done $0x0  }
0x1f7: {  	p2 =	por !p2, !p2;
	[sflag:s10] =	ssyncadd.s32 $0xFFFFE800  }
0x1f8: {  	v2 =	vld [tilespmem:$0x15000];
	_ =	sdelay $0x6  }
0x1f9: {  	[tilespmem:$0x15880] =	vst v2  }
0x1fa: {  	[tilespmem:v2+s31+$0x0] =	vst.idx.add.f32.msk $0x1, v1  }
0x1fb: {  	[tilespmem:v2+s31+$0x0] =	vst.idx.add.f32.msk vm0, v1  }
0x1fc: {  	[tilespmem:v2+s31+$0x0] =	vst.idx.add.f32.msk vm1, v1  }
0x1fd: {  	[tilespmem:v2+s31+$0x0] =	vst.idx.add.f32.msk vm2, v1  }
0x1fe: {  	[tilespmem:v2+s31+$0x0] =	vst.idx.add.f32.msk vm3, v1  }
0x1ff: {  	[tilespmem:v2+s31+$0x0] =	vst.idx.add.f32.msk vm4, v1  }
0x200: {  	[tilespmem:v2+s31+$0x0] =	vst.idx.add.f32.msk vm5, v1  }
0x201: {  	[tilespmem:v2+s31+$0x0] =	vst.idx.add.f32.msk vm6, v1  }
0x202: {  	[tilespmem:v2+s31+$0x0] =	vst.idx.add.f32.msk vm7, v1  }
0x203: {  	[tilespmem:v2+s31+$0x0] =	vst.idx.add.f32.msk vm8, v1  }
0x204: {  	[tilespmem:v2+s31+$0x0] =	vst.idx.add.f32.msk vm9, v1  }
0x205: {  	[tilespmem:v2+s31+$0x0] =	vst.idx.add.f32.msk vm10, v1  }
0x206: {  	[tilespmem:v2+s31+$0x0] =	vst.idx.add.f32.msk vm11, v1  }
0x207: {  	[tilespmem:v2+s31+$0x0] =	vst.idx.add.f32.msk vm12, v1  }
0x208: {  	[tilespmem:v2+s31+$0x0] =	vst.idx.add.f32.msk vm13, v1  }
0x209: {  	[tilespmem:v2+s31+$0x0] =	vst.idx.add.f32.msk vm14, v1  }
0x20a: {  	v2 =	vld [tilespmem:$0x15010];
	_ =	sdelay $0x6  }
0x20b: {  	[tilespmem:$0x15890] =	vst v2  }
0x20c: {  	[tilespmem:v2+s31+$0x0] =	vst.idx.add.f32.msk $0x1, v1  }
0x20d: {  	[tilespmem:v2+s31+$0x0] =	vst.idx.add.f32.msk vm0, v1  }
0x20e: {  	[tilespmem:v2+s31+$0x0] =	vst.idx.add.f32.msk vm1, v1  }
0x20f: {  	[tilespmem:v2+s31+$0x0] =	vst.idx.add.f32.msk vm2, v1  }
0x210: {  	[tilespmem:v2+s31+$0x0] =	vst.idx.add.f32.msk vm3, v1  }
0x211: {  	[tilespmem:v2+s31+$0x0] =	vst.idx.add.f32.msk vm4, v1  }
0x212: {  	[tilespmem:v2+s31+$0x0] =	vst.idx.add.f32.msk vm5, v1  }
0x213: {  	[tilespmem:v2+s31+$0x0] =	vst.idx.add.f32.msk vm6, v1  }
0x214: {  	[tilespmem:v2+s31+$0x0] =	vst.idx.add.f32.msk vm7, v1  }
0x215: {  	[tilespmem:v2+s31+$0x0] =	vst.idx.add.f32.msk vm8, v1  }
0x216: {  	[tilespmem:v2+s31+$0x0] =	vst.idx.add.f32.msk vm9, v1  }
0x217: {  	[tilespmem:v2+s31+$0x0] =	vst.idx.add.f32.msk vm10, v1  }
0x218: {  	[tilespmem:v2+s31+$0x0] =	vst.idx.add.f32.msk vm11, v1  }
0x219: {  	[tilespmem:v2+s31+$0x0] =	vst.idx.add.f32.msk vm12, v1  }
0x21a: {  	[tilespmem:v2+s31+$0x0] =	vst.idx.add.f32.msk vm13, v1  }
0x21b: {  	[tilespmem:v2+s31+$0x0] =	vst.idx.add.f32.msk vm14, v1  }
0x21c: {  	v2 =	vld [tilespmem:$0x15020];
	_ =	sdelay $0x6  }
0x21d: {  	[tilespmem:$0x15900] =	vst v2  }
0x21e: {  	[tilespmem:v2+s31+$0x0] =	vst.idx.add.f32.msk $0x1, v1  }
0x21f: {  	[tilespmem:v2+s31+$0x0] =	vst.idx.add.f32.msk vm0, v1  }
0x220: {  	[tilespmem:v2+s31+$0x0] =	vst.idx.add.f32.msk vm1, v1  }
0x221: {  	[tilespmem:v2+s31+$0x0] =	vst.idx.add.f32.msk vm2, v1  }
0x222: {  	[tilespmem:v2+s31+$0x0] =	vst.idx.add.f32.msk vm3, v1  }
0x223: {  	[tilespmem:v2+s31+$0x0] =	vst.idx.add.f32.msk vm4, v1  }
0x224: {  	[tilespmem:v2+s31+$0x0] =	vst.idx.add.f32.msk vm5, v1  }
0x225: {  	[tilespmem:v2+s31+$0x0] =	vst.idx.add.f32.msk vm6, v1  }
0x226: {  	[tilespmem:v2+s31+$0x0] =	vst.idx.add.f32.msk vm7, v1  }
0x227: {  	[tilespmem:v2+s31+$0x0] =	vst.idx.add.f32.msk vm8, v1  }
0x228: {  	[tilespmem:v2+s31+$0x0] =	vst.idx.add.f32.msk vm9, v1  }
0x229: {  	[tilespmem:v2+s31+$0x0] =	vst.idx.add.f32.msk vm10, v1  }
0x22a: {  	[tilespmem:v2+s31+$0x0] =	vst.idx.add.f32.msk vm11, v1  }
0x22b: {  	[tilespmem:v2+s31+$0x0] =	vst.idx.add.f32.msk vm12, v1  }
0x22c: {  	[tilespmem:v2+s31+$0x0] =	vst.idx.add.f32.msk vm13, v1  }
0x22d: {  	[tilespmem:v2+s31+$0x0] =	vst.idx.add.f32.msk vm14, v1  }
0x22e: {  	v2 =	vld [tilespmem:$0x15030];
	_ =	sdelay $0x6  }
0x22f: {  	[tilespmem:$0x15910] =	vst v2  }
0x230: {  	[tilespmem:v2+s31+$0x0] =	vst.idx.add.f32.msk $0x1, v1  }
0x231: {  	[tilespmem:v2+s31+$0x0] =	vst.idx.add.f32.msk vm0, v1  }
0x232: {  	[tilespmem:v2+s31+$0x0] =	vst.idx.add.f32.msk vm1, v1  }
0x233: {  	[tilespmem:v2+s31+$0x0] =	vst.idx.add.f32.msk vm2, v1  }
0x234: {  	[tilespmem:v2+s31+$0x0] =	vst.idx.add.f32.msk vm3, v1  }
0x235: {  	[tilespmem:v2+s31+$0x0] =	vst.idx.add.f32.msk vm4, v1  }
0x236: {  	[tilespmem:v2+s31+$0x0] =	vst.idx.add.f32.msk vm5, v1  }
0x237: {  	[tilespmem:v2+s31+$0x0] =	vst.idx.add.f32.msk vm6, v1  }
0x238: {  	[tilespmem:v2+s31+$0x0] =	vst.idx.add.f32.msk vm7, v1  }
0x239: {  	[tilespmem:v2+s31+$0x0] =	vst.idx.add.f32.msk vm8, v1  }
0x23a: {  	[tilespmem:v2+s31+$0x0] =	vst.idx.add.f32.msk vm9, v1  }
0x23b: {  	[tilespmem:v2+s31+$0x0] =	vst.idx.add.f32.msk vm10, v1  }
0x23c: {  	[tilespmem:v2+s31+$0x0] =	vst.idx.add.f32.msk vm11, v1  }
0x23d: {  	[tilespmem:v2+s31+$0x0] =	vst.idx.add.f32.msk vm12, v1  }
0x23e: {  	[tilespmem:v2+s31+$0x0] =	vst.idx.add.f32.msk vm13, v1  }
0x23f: {  	[tilespmem:v2+s31+$0x0] =	vst.idx.add.f32.msk vm14, v1  }
0x240: {  	v2 =	vld [tilespmem:$0x15040];
	_ =	sdelay $0x6  }
0x241: {  	[tilespmem:$0x15920] =	vst v2  }
0x242: {  	[tilespmem:v2+s31+$0x0] =	vst.idx.add.f32.msk $0x1, v1  }
0x243: {  	[tilespmem:v2+s31+$0x0] =	vst.idx.add.f32.msk vm0, v1  }
0x244: {  	[tilespmem:v2+s31+$0x0] =	vst.idx.add.f32.msk vm1, v1  }
0x245: {  	[tilespmem:v2+s31+$0x0] =	vst.idx.add.f32.msk vm2, v1  }
0x246: {  	[tilespmem:v2+s31+$0x0] =	vst.idx.add.f32.msk vm3, v1  }
0x247: {  	[tilespmem:v2+s31+$0x0] =	vst.idx.add.f32.msk vm4, v1  }
0x248: {  	[tilespmem:v2+s31+$0x0] =	vst.idx.add.f32.msk vm5, v1  }
0x249: {  	[tilespmem:v2+s31+$0x0] =	vst.idx.add.f32.msk vm6, v1  }
0x24a: {  	[tilespmem:v2+s31+$0x0] =	vst.idx.add.f32.msk vm7, v1  }
0x24b: {  	[tilespmem:v2+s31+$0x0] =	vst.idx.add.f32.msk vm8, v1  }
0x24c: {  	[tilespmem:v2+s31+$0x0] =	vst.idx.add.f32.msk vm9, v1  }
0x24d: {  	[tilespmem:v2+s31+$0x0] =	vst.idx.add.f32.msk vm10, v1  }
0x24e: {  	[tilespmem:v2+s31+$0x0] =	vst.idx.add.f32.msk vm11, v1  }
0x24f: {  	[tilespmem:v2+s31+$0x0] =	vst.idx.add.f32.msk vm12, v1  }
0x250: {  	[tilespmem:v2+s31+$0x0] =	vst.idx.add.f32.msk vm13, v1  }
0x251: {  	s12 =	simm.s32 $0x15A80;
	[tilespmem:v2+s31+$0x0] =	vst.idx.add.f32.msk vm14, v1  }
0x252: {  	s13 =	simm.s32 $0x1AA80;
	v2 =	vld [tilespmem:s12+$0x80]  }
0x253: {  	v3 =	vld [tilespmem:s13+$0x80]  }
0x254: {  	v4 =	vld [tilespmem:s13+$0xFFFFFF00]  }
0x255: {  	v5 =	vld [tilespmem:s12+$0xFFFFFF80]  }
0x256: {  	v6 =	vld [tilespmem:s13+$0xFFFFFF80]  }
0x257: {  	v7 =	vld [tilespmem:s13+$0x0]  }
0x258: {  	v2 =	vadd.f32 v3, v2;
	v3 =	vld [tilespmem:s12+$0x0]  }
0x259: {  	v8 =	vld [tilespmem:s12+$0xFFFFFF00]  }
0x25a: {  	v2 =	vmax.f32 v2, $0.0e+00  }
0x25b: {  	v5 =	vadd.f32 v6, v5;
	[tilespmem:s12+$0x80] =	vst v2;
	v2 =	vld [tilespmem:s12+$0x90]  }
0x25c: {  	v9 =	vld [tilespmem:s13+$0x90]  }
0x25d: {  	v10 =	vld [tilespmem:s12+$0xFFFFFF90];
	v5 =	vmax.f32 v5, $0.0e+00;
	v3 =	vadd.f32 v7, v3  }
0x25e: {  	v6 =	vld [tilespmem:s12+$0xFFFFFF10];
	v4 =	vadd.f32 v4, v8;
	[tilespmem:s12+$0xFFFFFF80] =	vst v5  }
0x25f: {  	v7 =	vld [tilespmem:s13+$0xFFFFFF90];
	v3 =	vmax.f32 v3, $0.0e+00  }
0x260: {  	v4 =	vmax.f32 v4, $0.0e+00;
	v5 =	vld [tilespmem:s12+$0x10];
	[tilespmem:s12+$0x0] =	vst v3  }
0x261: {  	[tilespmem:s12+$0xFFFFFF00] =	vst v4;
	v2 =	vadd.f32 v9, v2;
	v3 =	vld [tilespmem:s13+$0x10]  }
0x262: {  	v4 =	vld [tilespmem:s13+$0xFFFFFF10]  }
0x263: {  	v2 =	vmax.f32 v2, $0.0e+00  }
0x264: {  	v7 =	vadd.f32 v7, v10;
	[tilespmem:s12+$0x90] =	vst v2;
	v2 =	vld [tilespmem:s12+$0xA0]  }
0x265: {  	v9 =	vld [tilespmem:s13+$0xA0]  }
0x266: {  	v8 =	vld [tilespmem:s12+$0xFFFFFF20];
	v7 =	vmax.f32 v7, $0.0e+00;
	v3 =	vadd.f32 v3, v5  }
0x267: {  	v4 =	vadd.f32 v4, v6;
	v10 =	vld [tilespmem:s12+$0xFFFFFFA0];
	[tilespmem:s12+$0xFFFFFF90] =	vst v7  }
0x268: {  	v6 =	vld [tilespmem:s13+$0xFFFFFFA0];
	v3 =	vmax.f32 v3, $0.0e+00  }
0x269: {  	v4 =	vmax.f32 v4, $0.0e+00;
	v5 =	vld [tilespmem:s12+$0x20];
	[tilespmem:s12+$0x10] =	vst v3  }
0x26a: {  	[tilespmem:s12+$0xFFFFFF10] =	vst v4;
	v2 =	vadd.f32 v9, v2;
	v3 =	vld [tilespmem:s13+$0x20]  }
0x26b: {  	v4 =	vld [tilespmem:s13+$0xFFFFFF20]  }
0x26c: {  	v2 =	vmax.f32 v2, $0.0e+00  }
0x26d: {  	v6 =	vadd.f32 v6, v10;
	[tilespmem:s12+$0xA0] =	vst v2;
	v2 =	vld [tilespmem:s12+$0xB0]  }
0x26e: {  	v9 =	vld [tilespmem:s13+$0xB0]  }
0x26f: {  	v11 =	vld [tilespmem:s12+$0x30];
	v6 =	vmax.f32 v6, $0.0e+00;
	v3 =	vadd.f32 v3, v5  }
0x270: {  	v4 =	vadd.f32 v4, v8;
	v10 =	vld [tilespmem:s12+$0xFFFFFFB0];
	[tilespmem:s12+$0xFFFFFFA0] =	vst v6  }
0x271: {  	v5 =	vld [tilespmem:s13+$0xFFFFFFB0];
	v3 =	vmax.f32 v3, $0.0e+00  }
0x272: {  	v7 =	vld [tilespmem:s12+$0xFFFFFF30];
	[tilespmem:s12+$0x20] =	vst v3;
	v3 =	vmax.f32 v4, $0.0e+00  }
0x273: {  	v2 =	vadd.f32 v9, v2;
	[tilespmem:s12+$0xFFFFFF20] =	vst v3;
	v3 =	vld [tilespmem:s13+$0x30]  }
0x274: {  	v8 =	vld [tilespmem:s13+$0xFFFFFF30]  }
0x275: {  	v12 =	vld [tilespmem:s12+$0xFFFFFF40];
	v2 =	vmax.f32 v2, $0.0e+00  }
0x276: {  	v5 =	vadd.f32 v5, v10;
	[tilespmem:s12+$0xB0] =	vst v2;
	v2 =	vld [tilespmem:s12+$0xC0]  }
0x277: {  	v9 =	vld [tilespmem:s13+$0xC0]  }
0x278: {  	v13 =	vld [tilespmem:s12+$0xFFFFFFD0];
	v5 =	vmax.f32 v5, $0.0e+00;
	v3 =	vadd.f32 v3, v11  }
0x279: {  	v6 =	vld [tilespmem:s12+$0xFFFFFFC0];
	[tilespmem:s12+$0xFFFFFFB0] =	vst v5;
	v7 =	vadd.f32 v8, v7  }
0x27a: {  	v8 =	vld [tilespmem:s13+$0xFFFFFFC0];
	v3 =	vmax.f32 v3, $0.0e+00  }
0x27b: {  	v4 =	vld [tilespmem:s12+$0x40];
	[tilespmem:s12+$0x30] =	vst v3;
	v3 =	vmax.f32 v7, $0.0e+00  }
0x27c: {  	v2 =	vadd.f32 v9, v2;
	v7 =	vld [tilespmem:s13+$0x40];
	[tilespmem:s12+$0xFFFFFF30] =	vst v3  }
0x27d: {  	v3 =	vld [tilespmem:s13+$0xFFFFFF40]  }
0x27e: {  	v10 =	vld [tilespmem:s12+$0xFFFFFF50];
	v2 =	vmax.f32 v2, $0.0e+00  }
0x27f: {  	[tilespmem:s12+$0xC0] =	vst v2;
	v2 =	vadd.f32 v8, v6;
	v8 =	vld [tilespmem:s12+$0xD0]  }
0x280: {  	v9 =	vld [tilespmem:s13+$0xD0]  }
0x281: {  	v5 =	vld [tilespmem:s12+$0xFFFFFF60];
	v2 =	vmax.f32 v2, $0.0e+00;
	v4 =	vadd.f32 v7, v4  }
0x282: {  	v11 =	vld [tilespmem:s12+$0x50];
	[tilespmem:s12+$0xFFFFFFC0] =	vst v2;
	v2 =	vadd.f32 v3, v12  }
0x283: {  	v3 =	vld [tilespmem:s13+$0xFFFFFFD0];
	v4 =	vmax.f32 v4, $0.0e+00  }
0x284: {  	v6 =	vld [tilespmem:s12+$0xFFFFFFE0];
	[tilespmem:s12+$0x40] =	vst v4;
	v2 =	vmax.f32 v2, $0.0e+00  }
0x285: {  	v4 =	vld [tilespmem:s13+$0x50];
	v8 =	vadd.f32 v9, v8;
	[tilespmem:s12+$0xFFFFFF40] =	vst v2  }
0x286: {  	v2 =	vld [tilespmem:s13+$0xFFFFFF50]  }
0x287: {  	v7 =	vld [tilespmem:s12+$0x60];
	v8 =	vmax.f32 v8, $0.0e+00  }
0x288: {  	v3 =	vadd.f32 v3, v13;
	[tilespmem:s12+$0xD0] =	vst v8;
	v8 =	vld [tilespmem:s12+$0xE0]  }
0x289: {  	v12 =	vld [tilespmem:s13+$0xE0]  }
0x28a: {  	v3 =	vmax.f32 v3, $0.0e+00;
	v9 =	vadd.f32 v4, v11;
	v4 =	vld [tilespmem:s12+$0xFFFFFF70]  }
0x28b: {  	[tilespmem:s12+$0xFFFFFFD0] =	vst v3;
	v2 =	vadd.f32 v2, v10;
	v3 =	vld [tilespmem:s12+$0xFFFFFFF0]  }
0x28c: {  	v10 =	vmax.f32 v9, $0.0e+00;
	v9 =	vld [tilespmem:s13+$0xFFFFFFE0]  }
0x28d: {  	[tilespmem:s12+$0x50] =	vst v10;
	v10 =	vmax.f32 v2, $0.0e+00;
	v2 =	vld [tilespmem:s12+$0x70]  }
0x28e: {  	[tilespmem:s12+$0xFFFFFF50] =	vst v10;
	v10 =	vld [tilespmem:s13+$0x60];
	v8 =	vadd.f32 v12, v8  }
0x28f: {  	v11 =	vld [tilespmem:s13+$0xFFFFFF60]  }
0x290: {  	s14 =	simm.s32 $0x0;
	s11 =	simm.s32 $0x15C80;
	s16 =	simm.s32 $0x1AA80;
	v12 =	vmax.f32 v8, $0.0e+00;
	v8 =	vld [tilespmem:s12+$0xF0]  }
.LBB2_14:
0x291: {  	v13 =	vld [tilespmem:s11+$0x80];
	v6 =	vadd.f32 v9, v6;
	[tilespmem:s12+$0xE0] =	vst v12  }
0x292: {  	s16 =	sadd.s32 $0x200, s16;
	v9 =	vld [tilespmem:s13+$0xF0]  }
0x293: {  	s14 =	sadd.s32 $0x4, s14;
	v12 =	vld [tilespmem:s16+$0x80];
	v6 =	vmax.f32 v6, $0.0e+00;
	v7 =	vadd.f32 v10, v7  }
0x294: {  	p2 =	slt.u32 s14, $0x4C;
	v10 =	vld [tilespmem:s16+$0xFFFFFF00];
	v5 =	vadd.f32 v11, v5;
	[tilespmem:s12+$0xFFFFFFE0] =	vst v6  }
0x295: {  	v6 =	vld [tilespmem:s11+$0xFFFFFF80];
	v7 =	vmax.f32 v7, $0.0e+00  }
0x296: {  	v11 =	vld [tilespmem:s16+$0xFFFFFF80];
	v5 =	vmax.f32 v5, $0.0e+00;
	[tilespmem:s12+$0x60] =	vst v7  }
0x297: {  	v7 =	vld [tilespmem:s11+$0x0];
	[tilespmem:s12+$0xFFFFFF60] =	vst v5;
	v5 =	vadd.f32 v9, v8  }
0x298: {  	v8 =	vld [tilespmem:s16+$0x0];
	v9 =	vadd.f32 v12, v13  }
0x299: {  	v12 =	vld [tilespmem:s11+$0xFFFFFF00];
	v5 =	vmax.f32 v5, $0.0e+00  }
0x29a: {  	v13 =	vld [tilespmem:s11+$0xFFFFFF10];
	v9 =	vmax.f32 v9, $0.0e+00;
	[tilespmem:s12+$0xF0] =	vst v5  }
0x29b: {  	v5 =	vadd.f32 v11, v6;
	[tilespmem:s11+$0x80] =	vst v9;
	v6 =	vld [tilespmem:s11+$0x90]  }
0x29c: {  	v9 =	vld [tilespmem:s16+$0x90]  }
0x29d: {  	v5 =	vmax.f32 v5, $0.0e+00;
	v11 =	vld [tilespmem:s11+$0xFFFFFF90];
	v7 =	vadd.f32 v8, v7  }
0x29e: {  	v8 =	vadd.f32 v10, v12;
	[tilespmem:s11+$0xFFFFFF80] =	vst v5;
	v5 =	vld [tilespmem:s11+$0x10]  }
0x29f: {  	v10 =	vld [tilespmem:s16+$0xFFFFFF90];
	v7 =	vmax.f32 v7, $0.0e+00  }
0x2a0: {  	v8 =	vmax.f32 v8, $0.0e+00;
	v12 =	vld [tilespmem:s11+$0xFFFFFF20];
	[tilespmem:s11+$0x0] =	vst v7  }
0x2a1: {  	[tilespmem:s11+$0xFFFFFF00] =	vst v8;
	v7 =	vld [tilespmem:s16+$0x10];
	v6 =	vadd.f32 v9, v6  }
0x2a2: {  	v8 =	vld [tilespmem:s16+$0xFFFFFF10]  }
0x2a3: {  	v9 =	vld [tilespmem:s11+$0xFFFFFFA0];
	v6 =	vmax.f32 v6, $0.0e+00  }
0x2a4: {  	v10 =	vadd.f32 v10, v11;
	[tilespmem:s11+$0x90] =	vst v6;
	v6 =	vld [tilespmem:s11+$0xA0]  }
0x2a5: {  	v11 =	vld [tilespmem:s16+$0xA0]  }
0x2a6: {  	v10 =	vmax.f32 v10, $0.0e+00;
	v5 =	vadd.f32 v7, v5;
	v7 =	vld [tilespmem:s11+$0x20]  }
0x2a7: {  	v8 =	vadd.f32 v8, v13;
	v13 =	vld [tilespmem:s11+$0xFFFFFF30];
	[tilespmem:s11+$0xFFFFFF90] =	vst v10  }
0x2a8: {  	v10 =	vld [tilespmem:s16+$0xFFFFFFA0];
	v5 =	vmax.f32 v5, $0.0e+00  }
0x2a9: {  	v8 =	vmax.f32 v8, $0.0e+00;
	v14 =	vld [tilespmem:s11+$0xFFFFFFB0];
	[tilespmem:s11+$0x10] =	vst v5  }
0x2aa: {  	[tilespmem:s11+$0xFFFFFF10] =	vst v8;
	v5 =	vld [tilespmem:s16+$0x20];
	v6 =	vadd.f32 v11, v6  }
0x2ab: {  	v8 =	vld [tilespmem:s16+$0xFFFFFF20]  }
0x2ac: {  	v11 =	vld [tilespmem:s11+$0x30];
	v6 =	vmax.f32 v6, $0.0e+00  }
0x2ad: {  	v9 =	vadd.f32 v10, v9;
	[tilespmem:s11+$0xA0] =	vst v6;
	v6 =	vld [tilespmem:s11+$0xB0]  }
0x2ae: {  	v10 =	vld [tilespmem:s16+$0xB0]  }
0x2af: {  	v15 =	vld [tilespmem:s11+$0xFFFFFF40];
	v9 =	vmax.f32 v9, $0.0e+00;
	v5 =	vadd.f32 v5, v7  }
0x2b0: {  	v7 =	vadd.f32 v8, v12;
	[tilespmem:s11+$0xFFFFFFA0] =	vst v9;
	v8 =	vld [tilespmem:s11+$0xFFFFFFC0]  }
0x2b1: {  	v9 =	vld [tilespmem:s16+$0xFFFFFFB0];
	v5 =	vmax.f32 v5, $0.0e+00  }
0x2b2: {  	v7 =	vmax.f32 v7, $0.0e+00;
	[tilespmem:s11+$0x20] =	vst v5;
	v12 =	vld [tilespmem:s11+$0x40]  }
0x2b3: {  	[tilespmem:s11+$0xFFFFFF20] =	vst v7;
	v5 =	vld [tilespmem:s16+$0x30];
	v6 =	vadd.f32 v10, v6  }
0x2b4: {  	v7 =	vld [tilespmem:s16+$0xFFFFFF30]  }
0x2b5: {  	v10 =	vld [tilespmem:s11+$0xFFFFFF50];
	v6 =	vmax.f32 v6, $0.0e+00  }
0x2b6: {  	v9 =	vadd.f32 v9, v14;
	[tilespmem:s11+$0xB0] =	vst v6;
	v6 =	vld [tilespmem:s11+$0xC0]  }
0x2b7: {  	v14 =	vld [tilespmem:s16+$0xC0]  }
0x2b8: {  	v9 =	vmax.f32 v9, $0.0e+00;
	v16 =	vld [tilespmem:s11+$0xFFFFFFD0];
	v5 =	vadd.f32 v5, v11  }
0x2b9: {  	v7 =	vadd.f32 v7, v13;
	[tilespmem:s11+$0xFFFFFFB0] =	vst v9;
	v9 =	vld [tilespmem:s11+$0x50]  }
0x2ba: {  	v11 =	vld [tilespmem:s16+$0xFFFFFFC0];
	v13 =	vmax.f32 v5, $0.0e+00  }
0x2bb: {  	v7 =	vmax.f32 v7, $0.0e+00;
	v5 =	vld [tilespmem:s11+$0xFFFFFF60];
	[tilespmem:s11+$0x30] =	vst v13  }
0x2bc: {  	[tilespmem:s11+$0xFFFFFF30] =	vst v7;
	v7 =	vld [tilespmem:s16+$0x40];
	v13 =	vadd.f32 v14, v6  }
0x2bd: {  	v14 =	vld [tilespmem:s16+$0xFFFFFF40]  }
0x2be: {  	v6 =	vld [tilespmem:s11+$0xFFFFFFE0];
	v13 =	vmax.f32 v13, $0.0e+00  }
0x2bf: {  	v8 =	vadd.f32 v11, v8;
	[tilespmem:s11+$0xC0] =	vst v13;
	v11 =	vld [tilespmem:s11+$0xD0]  }
0x2c0: {  	v13 =	vld [tilespmem:s16+$0xD0]  }
0x2c1: {  	v8 =	vmax.f32 v8, $0.0e+00;
	v12 =	vadd.f32 v7, v12;
	v7 =	vld [tilespmem:s11+$0x60]  }
0x2c2: {  	v14 =	vadd.f32 v14, v15;
	[tilespmem:s11+$0xFFFFFFC0] =	vst v8;
	v8 =	vld [tilespmem:s13+$0xFFFFFF70]  }
0x2c3: {  	v15 =	vld [tilespmem:s16+$0xFFFFFFD0];
	v12 =	vmax.f32 v12, $0.0e+00  }
0x2c4: {  	v14 =	vmax.f32 v14, $0.0e+00;
	[tilespmem:s11+$0x40] =	vst v12;
	v12 =	vld [tilespmem:s13+$0xFFFFFFF0]  }
0x2c5: {  	[tilespmem:s11+$0xFFFFFF40] =	vst v14;
	v14 =	vld [tilespmem:s16+$0x50];
	v11 =	vadd.f32 v13, v11  }
0x2c6: {  	v13 =	vld [tilespmem:s16+$0xFFFFFF50]  }
0x2c7: {  	v11 =	vmax.f32 v11, $0.0e+00;
	v4 =	vadd.f32 v8, v4;
	v8 =	vld [tilespmem:s13+$0x70];
	s13 =	smov.u32 s16  }
0x2c8: {  	v15 =	vadd.f32 v15, v16;
	[tilespmem:s11+$0xD0] =	vst v11;
	v11 =	vld [tilespmem:s11+$0xE0]  }
0x2c9: {  	v16 =	vld [tilespmem:s16+$0xE0];
	v17 =	vmax.f32 v4, $0.0e+00;
	v12 =	vadd.f32 v12, v3  }
0x2ca: {  	v4 =	vld [tilespmem:s11+$0xFFFFFF70];
	v3 =	vmax.f32 v15, $0.0e+00;
	v14 =	vadd.f32 v14, v9;
	[tilespmem:s12+$0xFFFFFF70] =	vst v17  }
0x2cb: {  	v10 =	vadd.f32 v13, v10;
	[tilespmem:s11+$0xFFFFFFD0] =	vst v3;
	v3 =	vld [tilespmem:s11+$0xFFFFFFF0];
	v12 =	vmax.f32 v12, $0.0e+00  }
.Ltmp7:
0x2cc: {  	v9 =	vld [tilespmem:s16+$0xFFFFFFE0];
	v13 =	vmax.f32 v14, $0.0e+00;
	[tilespmem:s12+$0xFFFFFFF0] =	vst v12;
	v8 =	vadd.f32 v8, v2;
	(pc) =	sbr.rel @p2 .LBB2_14-.Ltmp7, $4  }
0x2cd: {  	v10 =	vmax.f32 v10, $0.0e+00;
	[tilespmem:s11+$0x50] =	vst v13;
	v2 =	vld [tilespmem:s11+$0x70]  }
0x2ce: {  	[tilespmem:s11+$0xFFFFFF50] =	vst v10;
	v10 =	vld [tilespmem:s16+$0x60];
	v12 =	vadd.f32 v16, v11;
	v8 =	vmax.f32 v8, $0.0e+00  }
0x2cf: {  	v11 =	vld [tilespmem:s16+$0xFFFFFF60];
	[tilespmem:s12+$0x70] =	vst v8;
	s12 =	smov.u32 s11  }
0x2d0: {  	s11 =	sadd.s32 $0x200, s11;
	v12 =	vmax.f32 v12, $0.0e+00;
	v8 =	vld [tilespmem:s12+$0xF0]  }
0x2d1: {  	_ = 	snop  }
0x2d2: {  	v6 =	vadd.f32 v9, v6  }
0x2d3: {  	v7 =	vadd.f32 v10, v7  }
0x2d4: {  	[tilespmem:s12+$0xE0] =	vst v12;
	v6 =	vmax.f32 v6, $0.0e+00;
	v5 =	vadd.f32 v11, v5  }
0x2d5: {  	v58 =	vld [tilespmem:s13+$0xF0];
	[tilespmem:s12+$0xFFFFFFE0] =	vst v6;
	v59 =	vmax.f32 v7, $0.0e+00  }
0x2d6: {  	v61 =	vld [tilespmem:s13+$0xFFFFFFF0];
	v5 =	vmax.f32 v5, $0.0e+00;
	[tilespmem:s12+$0x60] =	vst v59  }
0x2d7: {  	[tilespmem:s12+$0xFFFFFF60] =	vst v5;
	v62 =	vld [tilespmem:s13+$0x70]  }
0x2d8: {  	v60 =	vld [tilespmem:s13+$0xFFFFFF70];
	_ =	sdelay $0x1  }
0x2d9: {  	v8 =	vadd.f32 v58, v8  }
0x2da: {  	v3 =	vadd.f32 v61, v3  }
0x2db: {  	v63 =	vmax.f32 v8, $0.0e+00;
	v2 =	vadd.f32 v62, v2  }
0x2dc: {  	[tilespmem:s12+$0xF0] =	vst v63;
	v3 =	vmax.f32 v3, $0.0e+00;
	v4 =	vadd.f32 v60, v4  }
0x2dd: {  	[tilespmem:s12+$0xFFFFFFF0] =	vst v3;
	v2 =	vmax.f32 v2, $0.0e+00  }
0x2de: {  	v4 =	vmax.f32 v4, $0.0e+00;
	[tilespmem:s12+$0x70] =	vst v2  }
0x2df: {  	[tilespmem:s12+$0xFFFFFF70] =	vst v4  }
0x2e0: {  	[spmem:s2] =	stream.indirect.scatter.add.f32 [tilespmem:s19], [sflag:$0x6], $0x80, s22, s0, $0xb8;
	[tilespmem:$0x1F900] =	vst v63  }
0x2e1: {  	_ =	swait.ge [sflag:s20], $0x1000  }
0x2e2: {  	[sflag:s20] =	ssyncset.done $0x0  }
0x2e3: {  	s11 =	simm.s32 $0x16980;
	[sflag:s20] =	ssyncadd.s32 $0xFFFFF000  }
0x2e4: {  	[spmem:s2] =	stream.indirect.scatter.add.f32 [tilespmem:s11], [sflag:$0x6], $0x80, s5, s4, $0xb8;
	[tilespmem:$0x1F900] =	vst v63  }
0x2e5: {  	_ =	swait.ge [sflag:s20], $0x1800  }
0x2e6: {  	[sflag:s20] =	ssyncset.done $0x0  }
0x2e7: {  	[sflag:s20] =	ssyncadd.s32 $0xFFFFE800  }
0x2e8: {  	[bflag:$0x0] =	sbarrier.arrive $0xFFFF  }
0x2e9: {  	s12 =	rddreg [dreg:$0xa]  }
0x2ea: {  	s11 =	simm.s32 @p0 $0x1FC6;
	s13 =	rddreg [dreg:$0xd]  }
0x2eb: {  	[hbm:s12], [sflag:s11] =	dma.local @p0 [spmem:s13], $0x1900  }
0x2ec: {  	s11 =	simm.s32 @p0 $0x6  }
0x2ed: {  	s12 =	stileid.u32;
	_ =	swait.ge @p0 [sflag:s11], $0x1900  }
0x2ee: {  	s12 =	sshll.u32 @!p0 s12, $0x6;
	[sflag:s11] =	ssyncset.done @p0 $0x0;
	s13 =	rddreg [dreg:$0x9]  }
0x2ef: {  	[sflag:s11] =	ssyncadd.s32 @p0 $0xFFFFE700;
	s11 =	sor.u32 @!p0 $0x1C06, s12;
	s12 =	sshrl.u32 @!p0 s15, $0x3  }
0x2f0: {  	[hbm:s13], [sflag:s11] =	dma.local @!p0 [spmem:s12], $0x2800  }
0x2f1: {  	s11 =	simm.s32 @!p0 $0x6  }
0x2f2: {  	_ =	swait.ge @!p0 [sflag:s11], $0x2800  }
0x2f3: {  	[sflag:s11] =	ssyncset.done @!p0 $0x0  }
0x2f4: {  	s23 =	simm.s32 $0x0;
	s25 =	rddreg [dreg:$0xb];
	[sflag:s11] =	ssyncadd.s32 @!p0 $0xFFFFD800  }
0x2f5: {  	[hbm4b:s25+s23] =	stream.linear.scatter [tilespmem:s31], [sflag:$0x6], $0x2710, $0x38;
	[tilespmem:$0x1F900] =	vst v63  }
0x2f6: {  	_ =	swait.ge [sflag:s20], $0x2710  }
0x2f7: {  	s7 =	sadd.s32 $0x1, s7;
	s28 =	rddreg [dreg:$0xc]  }
0x2f8: {  	p2 =	sne.s32 s7, s28  }
.Ltmp8:
0x2f9: {  	_ = 	snop;
	(pc) =	sbr.rel @p2 .LBB2_1-.Ltmp8, $3  }
0x2fa: {  	_ =	sdelay $0x1  }
0x2fb: {  	[sflag:s20] =	ssyncset.done $0x0  }
0x2fc: {  	[sflag:s20] =	ssyncadd.s32 $0xFFFFD8F0  }
0x2fd: {  	_ =	sfence.sel $0x180000  }
0x2fe: {  	[bflag:$0x0] =	sbarrier.arrive $0xFFFF  }
0x2ff: {  	_ =	strace $0x90000047  }
0x300: {  	[bflag:$0x2] =	sbarrier.arrive $0xFFFF  }
0x301: {  	s0 =	rddreg [dreg:$0x4]  }
0x302: {  	s0 =	sadd.s32 @!p1 $0x100000, s0  }
0x303: {  	[sflag:s0] =	ssyncadd.tile.s32 @!p1 $0x1;
	_ =	shalt  }
.Lfunc_end2:
_tile_overlayer_lowered:
.L_overlay_start_2:
0x304: {  	(tag) =	ssettag $0x2  }
0x305: {  	s0 =	rddreg [dreg:$0x0];
	s2 =	stileid.u32  }
0x306: {  	s1 =	rddreg [dreg:$0x1];
	p0 =	sne.s32 s2, $0x0  }
0x307: {  	s3 =	rddreg [dreg:$0x2];
	[bflag:$0x3] =	sbarrier.arrive $0xFFFF;
	s2 =	simm.s32 @!p0 $0x1C06  }
0x308: {  	[timem:s3], [sflag:s2] =	dma.local @!p0 [hbm:s0], s1  }
0x309: {  	s0 =	simm.s32 @!p0 $0x6  }
0x30a: {  	_ =	swait.ge @!p0 [sflag:s0], s1  }
0x30b: {  	s1 =	ssub.s32 @!p0 $0x0, s1;
	[sflag:s0] =	ssyncset.done @!p0 $0x0  }
0x30c: {  	[sflag:s0] =	ssyncadd.s32 @!p0 s1  }
0x30d: {  	[bflag:$0x3] =	sbarrier.arrive $0xFFFF  }
0x30e: {  	_ =	shalt  }

</sc_bundles>
